<compile_context>
chip_gen: v7x
topology: tpu7x:2x2x1
jax: 0.10.2.dev20260603
libtpu: 0.0.44.dev20260713+nightly
codegen_flags: <defaults>
</compile_context>

<pallas_src>
import functools

import jax
import jax.numpy as jnp
from jax import lax
from jax.experimental import pallas as pl
from jax.experimental.pallas import tpu as pltpu
from jax.experimental.pallas import tpu_sc as plsc

N = 10000
E = 320000
D = 128
DC = 16
NC = 2
NS = 16
NW = NC * NS
K = 80
NCHUNK = 125
NPAD = N + 16
RPT = 624
NBUF = 4
ZTAIL = NPAD - NS * RPT
ZROWS = 78
DTAIL = N - NS * RPT
BM = 2000



def _mm0_body(x_ref, wl_ref, wr_ref, table_ref, xr_ref):
    x = x_ref[...]
    yl = jnp.dot(x, wl_ref[...], preferred_element_type=jnp.float32)
    table_ref[...] = yl.astype(jnp.bfloat16)
    xr_ref[...] = jnp.dot(x, wr_ref[...], preferred_element_type=jnp.float32)


def _mm1_body(s_ref, c_ref, xr_ref, wl_ref, wr_ref, table_ref, xr1_ref):
    ssum = s_ref[0].astype(jnp.float32) + s_ref[1].astype(jnp.float32)
    cnt = jnp.maximum(c_ref[0, :, :1] + c_ref[1, :, :1], 1.0)
    h = jnp.maximum(ssum / cnt + xr_ref[...], 0.0)
    yl = jnp.dot(h, wl_ref[...], preferred_element_type=jnp.float32)
    table_ref[...] = yl.astype(jnp.bfloat16)
    xr1_ref[...] = jnp.dot(h, wr_ref[...], preferred_element_type=jnp.float32)


def _final_body(s_ref, c_ref, xr_ref, b_ref, out_ref):
    ssum = s_ref[0].astype(jnp.float32) + s_ref[1].astype(jnp.float32)
    cnt = jnp.maximum(c_ref[0, :, :1] + c_ref[1, :, :1], 1.0)
    out_ref[...] = ssum / cnt + xr_ref[...] + b_ref[...]


def _mm0(x, wl, wr):
    return pl.pallas_call(
        _mm0_body,
        grid=(N // BM,),
        in_specs=[
            pl.BlockSpec((BM, D), lambda i: (i, 0)),
            pl.BlockSpec((D, D), lambda i: (0, 0)),
            pl.BlockSpec((D, D), lambda i: (0, 0)),
        ],
        out_specs=[
            pl.BlockSpec((BM, D), lambda i: (i, 0)),
            pl.BlockSpec((BM, D), lambda i: (i, 0)),
        ],
        out_shape=[
            jax.ShapeDtypeStruct((N, D), jnp.bfloat16),
            jax.ShapeDtypeStruct((N, D), jnp.float32),
        ],
    )(x, wl, wr)


def _mm1(s, c, xr, wl, wr):
    return pl.pallas_call(
        _mm1_body,
        grid=(N // BM,),
        in_specs=[
            pl.BlockSpec((NC, BM, D), lambda i: (0, i, 0)),
            pl.BlockSpec((NC, BM, DC), lambda i: (0, i, 0)),
            pl.BlockSpec((BM, D), lambda i: (i, 0)),
            pl.BlockSpec((D, D), lambda i: (0, 0)),
            pl.BlockSpec((D, D), lambda i: (0, 0)),
        ],
        out_specs=[
            pl.BlockSpec((BM, D), lambda i: (i, 0)),
            pl.BlockSpec((BM, D), lambda i: (i, 0)),
        ],
        out_shape=[
            jax.ShapeDtypeStruct((N, D), jnp.bfloat16),
            jax.ShapeDtypeStruct((N, D), jnp.float32),
        ],
    )(s, c, xr, wl, wr)


def _final(s, c, xr, b):
    return pl.pallas_call(
        _final_body,
        grid=(N // BM,),
        in_specs=[
            pl.BlockSpec((NC, BM, D), lambda i: (0, i, 0)),
            pl.BlockSpec((NC, BM, DC), lambda i: (0, i, 0)),
            pl.BlockSpec((BM, D), lambda i: (i, 0)),
            pl.BlockSpec((1, D), lambda i: (0, 0)),
        ],
        out_specs=pl.BlockSpec((BM, D), lambda i: (i, 0)),
        out_shape=jax.ShapeDtypeStruct((N, D), jnp.float32),
    )(s, c, xr, b)



def _agg_refs(with_cnt):
    mesh = plsc.VectorSubcoreMesh(core_axis_name="c", subcore_axis_name="s")

    out_type = [jax.ShapeDtypeStruct((NC, N, D), jnp.bfloat16)]
    scratch = (
        [
            pltpu.VMEM((NCHUNK, K), jnp.int32),
            pltpu.VMEM((NCHUNK, K), jnp.int32),
        ]
        + [pltpu.VMEM((K, D), jnp.bfloat16) for _ in range(NBUF)]
        + [
            pltpu.VMEM((ZROWS, D), jnp.bfloat16),
            pltpu.VMEM((K, DC), jnp.float32),
            pltpu.VMEM((ZROWS, DC), jnp.float32),
            pltpu.VMEM_SHARED((NPAD, D), jnp.bfloat16),
            pltpu.VMEM_SHARED((NPAD, DC), jnp.float32),
        ]
        + [pltpu.SemaphoreType.DMA for _ in range(2 * NBUF)]
    )
    if with_cnt:
        out_type.append(jax.ShapeDtypeStruct((NC, N, DC), jnp.float32))

    def body(*refs):
        if with_cnt:
            eidx_hbm, table_hbm, out_hbm, outc_hbm = refs[:4]
            rest = refs[4:]
        else:
            eidx_hbm, table_hbm, out_hbm = refs[:3]
            outc_hbm = None
            rest = refs[3:]
        src_v, dst_v = rest[0], rest[1]
        rows = list(rest[2:2 + NBUF])
        zbuf_v, ones_v, zc_v, acc_sh, cnt_sh = rest[2 + NBUF:7 + NBUF]
        gsems = list(rest[7 + NBUF:7 + 2 * NBUF])
        ssems = list(rest[7 + 2 * NBUF:7 + 3 * NBUF])

        c = lax.axis_index("c")
        s = lax.axis_index("s")
        wid = c * NS + s

        pltpu.sync_copy(eidx_hbm.at[0].at[wid], src_v)
        pltpu.sync_copy(eidx_hbm.at[1].at[wid], dst_v)

        zb = jnp.zeros((32,), jnp.bfloat16)

        def zrow(i, carry):
            for j in range(D // 32):
                zbuf_v[i, pl.ds(j * 32, 32)] = zb
            return carry

        lax.fori_loop(0, ZROWS, zrow, 0)
        if with_cnt:
            one16 = jnp.ones((16,), jnp.float32)
            z16 = jnp.zeros((16,), jnp.float32)

            def orow(i, carry):
                ones_v[i, :] = one16
                return carry

            lax.fori_loop(0, K, orow, 0)

            def zcrow(i, carry):
                zc_v[i, :] = z16
                return carry

            lax.fori_loop(0, ZROWS, zcrow, 0)

        off = pl.multiple_of(s * RPT, 8)
        for kk in range(RPT // ZROWS):
            pltpu.sync_copy(zbuf_v,
                            acc_sh.at[pl.ds(off + kk * ZROWS, ZROWS)])
            if with_cnt:
                pltpu.sync_copy(zc_v,
                                cnt_sh.at[pl.ds(off + kk * ZROWS, ZROWS)])

        @pl.when(s == NS - 1)
        def _zero_tail():
            pltpu.sync_copy(zbuf_v.at[pl.ds(0, ZTAIL)],
                            acc_sh.at[pl.ds(NS * RPT, ZTAIL)])
            if with_cnt:
                pltpu.sync_copy(zc_v.at[pl.ds(0, ZTAIL)],
                                cnt_sh.at[pl.ds(NS * RPT, ZTAIL)])

        plsc.subcore_barrier()

        def gissue(t, b):
            pltpu.async_copy(table_hbm.at[src_v.at[t]], rows[b], gsems[b])

        def gwait(b):
            pltpu.make_async_copy(
                table_hbm.at[src_v.at[0]], rows[b], gsems[b]).wait()

        def sissue(t, b):
            pltpu.async_copy(rows[b], acc_sh.at[dst_v.at[t]], ssems[b],
                             add=True)
            if with_cnt:
                pltpu.async_copy(ones_v, cnt_sh.at[dst_v.at[t]], ssems[b],
                                 add=True)

        def swait(b):
            pltpu.make_async_copy(
                rows[b], acc_sh.at[dst_v.at[0]], ssems[b]).wait()
            if with_cnt:
                pltpu.make_async_copy(
                    ones_v, cnt_sh.at[dst_v.at[0]], ssems[b]).wait()

        for b in range(NBUF - 1):
            gissue(b, b)

        for b in range(NBUF):
            gwait(b)
            sissue(b, b)
            bf = (b + NBUF - 1) % NBUF
            if b > 0:
                swait(bf)
            gissue(b + NBUF - 1, bf)

        def group(g, carry):
            for b in range(NBUF):
                t = NBUF * g + b
                gwait(b)
                sissue(t, b)
                bf = (b + NBUF - 1) % NBUF
                swait(bf)

                @pl.when(t + NBUF - 1 < NCHUNK)
                def _pref():
                    gissue(t + NBUF - 1, bf)

            return carry

        lax.fori_loop(1, NCHUNK // NBUF, group, 0)

        tl = NCHUNK - 1
        btl = tl % NBUF
        gwait(btl)
        sissue(tl, btl)
        swait((btl + NBUF - 1) % NBUF)
        swait(btl)
        plsc.subcore_barrier()

        off2 = pl.multiple_of(s * RPT, 8)
        pltpu.sync_copy(acc_sh.at[pl.ds(off2, RPT)],
                        out_hbm.at[c].at[pl.ds(off2, RPT)])
        if with_cnt:
            pltpu.sync_copy(cnt_sh.at[pl.ds(off2, RPT)],
                            outc_hbm.at[c].at[pl.ds(off2, RPT)])

        @pl.when(s == NS - 1)
        def _drain_tail():
            pltpu.sync_copy(acc_sh.at[pl.ds(NS * RPT, DTAIL)],
                            out_hbm.at[c].at[pl.ds(NS * RPT, DTAIL)])
            if with_cnt:
                pltpu.sync_copy(cnt_sh.at[pl.ds(NS * RPT, DTAIL)],
                                outc_hbm.at[c].at[pl.ds(NS * RPT, DTAIL)])

    kern = functools.partial(
        pl.kernel,
        out_type=out_type if with_cnt else out_type[0],
        mesh=mesh,
        scratch_types=scratch,
        compiler_params=pltpu.CompilerParams(use_tc_tiling_on_sc=False),
    )(body)
    return kern


_agg_cnt = _agg_refs(True)
_agg_plain = _agg_refs(False)



def kernel(x, edge_index, Wl0, Wr0, Wl1, Wr1, b1):
    eidx = edge_index.astype(jnp.int32).reshape(2, NW, NCHUNK, K)
    b = b1.reshape(1, D)

    table0, xr0 = _mm0(x, Wl0, Wr0)
    s0, c0 = _agg_cnt(eidx, table0)
    table1, xr1 = _mm1(s0, c0, xr0, Wl1, Wr1)
    s1 = _agg_plain(eidx, table1)
    return _final(s1, c0, xr1, b)

# --- scband reference (transcript-rebuilt; emitter-appended) ---
"""Pipeline reference for scband-sage-9371618640569 (READ-ONLY COPY).

The authoritative reference and input builder live on the scoring server;
editing this copy changes nothing except your own understanding.
"""

import jax, jax.numpy as jnp
import numpy as np

N_NODES = 10000
N_EDGES = 320000
D_IN = 128
D_HID = 128
D_OUT = 128


def setup_inputs(seed: int = 0) -> dict:
    key = jax.random.key(seed)
    ks = jax.random.split(key, 8)
    x = jax.random.normal(ks[0], (N_NODES, D_IN), dtype=jnp.float32)
    edge_index = jax.random.randint(ks[1], (2, N_EDGES), 0, N_NODES, dtype=jnp.int64)
    # SAGEConv layer 0: in_dim->hid_dim, no bias
    Wl0 = jax.random.normal(ks[2], (D_IN, D_HID), dtype=jnp.float32) * (1.0 / np.sqrt(D_IN))
    Wr0 = jax.random.normal(ks[3], (D_IN, D_HID), dtype=jnp.float32) * (1.0 / np.sqrt(D_IN))
    # SAGEConv layer 1: hid_dim->out_dim, with bias
    Wl1 = jax.random.normal(ks[4], (D_HID, D_OUT), dtype=jnp.float32) * (1.0 / np.sqrt(D_HID))
    Wr1 = jax.random.normal(ks[5], (D_HID, D_OUT), dtype=jnp.float32) * (1.0 / np.sqrt(D_HID))
    b1 = jnp.zeros((D_OUT,), dtype=jnp.float32)
    return {"x": x, "edge_index": edge_index, "Wl0": Wl0, "Wr0": Wr0, "Wl1": Wl1, "Wr1": Wr1, "b1": b1}


def _sage_conv(x, src, dst, n_nodes, Wl, Wr, b):
    # mean aggregation of neighbor messages to dst nodes
    msgs = x[src]  # gather [E, d]
    s = jax.ops.segment_sum(msgs, dst, num_segments=n_nodes)
    cnt = jax.ops.segment_sum(jnp.ones((src.shape[0],), dtype=x.dtype), dst, num_segments=n_nodes)
    mean = s / jnp.clip(cnt, 1.0, None)[:, None]
    out = mean @ Wl + x @ Wr
    if b is not None:
        out = out + b
    return out


def reference(x, edge_index, Wl0, Wr0, Wl1, Wr1, b1):
    # dropout layers are identity (p=0.0 / eval); bn=False -> Identity norms
    n = x.shape[0]
    src = edge_index[0]
    dst = edge_index[1]
    h = _sage_conv(x, src, dst, n, Wl0, Wr0, None)
    h = jax.nn.relu(h)
    h = _sage_conv(h, src, dst, n, Wl1, Wr1, b1)
    return h

if __name__ == "__main__":
    import jax
    _d = setup_inputs()
    print(jax.jit(kernel)(*tuple(_d.values())))

</pallas_src>

<mosaic_0001>
#map = affine_map<(d0, d1) -> (0, 0, 0, 0)>
#map1 = affine_map<(d0, d1) -> (0, 0)>
#map2 = affine_map<(d0, d1) -> (0, 0, 0)>
module attributes {stable_mosaic.version = 14 : i64} {
  func.func @body(%arg0: i32, %arg1: i32, %arg2: memref<2x32x125x80xi32, #tpu.memory_space<hbm>>, %arg3: memref<10000x128xbf16, #tpu.memory_space<hbm>>, %arg4: memref<2x10000x128xbf16, #tpu.memory_space<hbm>>, %arg5: memref<2x10000x16xf32, #tpu.memory_space<hbm>>, %arg6: memref<125x80xi32, #tpu.memory_space<vmem>>, %arg7: memref<125x80xi32, #tpu.memory_space<vmem>>, %arg8: memref<80x128xbf16, #tpu.memory_space<vmem>>, %arg9: memref<80x128xbf16, #tpu.memory_space<vmem>>, %arg10: memref<80x128xbf16, #tpu.memory_space<vmem>>, %arg11: memref<80x128xbf16, #tpu.memory_space<vmem>>, %arg12: memref<78x128xbf16, #tpu.memory_space<vmem>>, %arg13: memref<80x16xf32, #tpu.memory_space<vmem>>, %arg14: memref<78x16xf32, #tpu.memory_space<vmem>>, %arg15: memref<10016x128xbf16, #tpu.memory_space<vmem_shared>>, %arg16: memref<10016x16xf32, #tpu.memory_space<vmem_shared>>, %arg17: memref<!tpu.dma_semaphore, #tpu.memory_space<semaphore_mem>>, %arg18: memref<!tpu.dma_semaphore, #tpu.memory_space<semaphore_mem>>, %arg19: memref<!tpu.dma_semaphore, #tpu.memory_space<semaphore_mem>>, %arg20: memref<!tpu.dma_semaphore, #tpu.memory_space<semaphore_mem>>, %arg21: memref<!tpu.dma_semaphore, #tpu.memory_space<semaphore_mem>>, %arg22: memref<!tpu.dma_semaphore, #tpu.memory_space<semaphore_mem>>, %arg23: memref<!tpu.dma_semaphore, #tpu.memory_space<semaphore_mem>>, %arg24: memref<!tpu.dma_semaphore, #tpu.memory_space<semaphore_mem>>) attributes {dimension_semantics = [#tpu.dimension_semantics<core_parallel>, #tpu.dimension_semantics<subcore_parallel>], iteration_bounds = array<i64: 2, 16>, scalar_prefetch = 0 : i64, scratch_operands = 19 : i64, tpu.core_type = #tpu.core_type<sc_vector_subcore>, window_params = [{transform_indices = #map}, {transform_indices = #map1}, {transform_indices = #map2}, {transform_indices = #map2}]} {
    %mul3A = arith.constant 16 : i32
    %mul3A_0 = arith.muli %arg0, %mul3A : i32
    %add3A = arith.addi %mul3A_0, %arg1 : i32
    %run_scoped3A = arith.constant 0 : i32
    "tpu.region"() ({
      %run_scoped3A_297 = tpu.sem_alloc : memref<!tpu.dma_semaphore, #tpu.memory_space<semaphore_mem>>
      %dma_start3A_298 = arith.constant 0 : i32
      %dma_start3A_299 = arith.constant 0 : i32
      %dma_start3A_300 = arith.constant 0 : i32
      %dma_start3A_301 = tpu.memref_slice %arg2[%run_scoped3A, %dma_start3A_298, %dma_start3A_299, %dma_start3A_300] : memref<2x32x125x80xi32, #tpu.memory_space<hbm>> -> memref<1x32x125x80xi32, #tpu.memory_space<hbm>>
      %dma_start3A_302 = tpu.memref_squeeze %dma_start3A_301 : memref<1x32x125x80xi32, #tpu.memory_space<hbm>> -> memref<32x125x80xi32, #tpu.memory_space<hbm>>
      %dma_start3A_303 = arith.constant 0 : i32
      %dma_start3A_304 = arith.constant 0 : i32
      %dma_start3A_305 = tpu.memref_slice %dma_start3A_302[%add3A, %dma_start3A_303, %dma_start3A_304] : memref<32x125x80xi32, #tpu.memory_space<hbm>> -> memref<1x125x80xi32, #tpu.memory_space<hbm>>
      %dma_start3A_306 = tpu.memref_squeeze %dma_start3A_305 : memref<1x125x80xi32, #tpu.memory_space<hbm>> -> memref<125x80xi32, #tpu.memory_space<hbm>>
      %dma_start3A_307 = arith.constant 0 : i32
      %dma_start3A_308 = arith.constant 0 : i32
      %dma_start3A_309 = arith.constant 0 : i32
      %dma_start3A_310 = tpu.memref_slice %arg2[%run_scoped3A, %dma_start3A_307, %dma_start3A_308, %dma_start3A_309] : memref<2x32x125x80xi32, #tpu.memory_space<hbm>> -> memref<1x32x125x80xi32, #tpu.memory_space<hbm>>
      %dma_start3A_311 = tpu.memref_squeeze %dma_start3A_310 : memref<1x32x125x80xi32, #tpu.memory_space<hbm>> -> memref<32x125x80xi32, #tpu.memory_space<hbm>>
      %dma_start3A_312 = arith.constant 0 : i32
      %dma_start3A_313 = arith.constant 0 : i32
      %dma_start3A_314 = tpu.memref_slice %dma_start3A_311[%add3A, %dma_start3A_312, %dma_start3A_313] : memref<32x125x80xi32, #tpu.memory_space<hbm>> -> memref<1x125x80xi32, #tpu.memory_space<hbm>>
      %dma_start3A_315 = tpu.memref_squeeze %dma_start3A_314 : memref<1x125x80xi32, #tpu.memory_space<hbm>> -> memref<125x80xi32, #tpu.memory_space<hbm>>
      tpu.enqueue_dma source(%dma_start3A_315 : memref<125x80xi32, #tpu.memory_space<hbm>>) target(%arg6 : memref<125x80xi32, #tpu.memory_space<vmem>>) target_semaphore(%run_scoped3A_297 : memref<!tpu.dma_semaphore, #tpu.memory_space<semaphore_mem>>)
      %dma_wait3A_316 = arith.constant 0 : i32
      %dma_wait3A_317 = arith.constant 0 : i32
      %dma_wait3A_318 = arith.constant 0 : i32
      %dma_wait3A_319 = tpu.memref_slice %arg2[%run_scoped3A, %dma_wait3A_316, %dma_wait3A_317, %dma_wait3A_318] : memref<2x32x125x80xi32, #tpu.memory_space<hbm>> -> memref<1x32x125x80xi32, #tpu.memory_space<hbm>>
      %dma_wait3A_320 = tpu.memref_squeeze %dma_wait3A_319 : memref<1x32x125x80xi32, #tpu.memory_space<hbm>> -> memref<32x125x80xi32, #tpu.memory_space<hbm>>
      %dma_wait3A_321 = arith.constant 0 : i32
      %dma_wait3A_322 = arith.constant 0 : i32
      %dma_wait3A_323 = tpu.memref_slice %dma_wait3A_320[%add3A, %dma_wait3A_321, %dma_wait3A_322] : memref<32x125x80xi32, #tpu.memory_space<hbm>> -> memref<1x125x80xi32, #tpu.memory_space<hbm>>
      %dma_wait3A_324 = tpu.memref_squeeze %dma_wait3A_323 : memref<1x125x80xi32, #tpu.memory_space<hbm>> -> memref<125x80xi32, #tpu.memory_space<hbm>>
      %dma_wait3A_325 = arith.constant 0 : i32
      %dma_wait3A_326 = arith.constant 0 : i32
      %dma_wait3A_327 = arith.constant 0 : i32
      %dma_wait3A_328 = tpu.memref_slice %arg2[%run_scoped3A, %dma_wait3A_325, %dma_wait3A_326, %dma_wait3A_327] : memref<2x32x125x80xi32, #tpu.memory_space<hbm>> -> memref<1x32x125x80xi32, #tpu.memory_space<hbm>>
      %dma_wait3A_329 = tpu.memref_squeeze %dma_wait3A_328 : memref<1x32x125x80xi32, #tpu.memory_space<hbm>> -> memref<32x125x80xi32, #tpu.memory_space<hbm>>
      %dma_wait3A_330 = arith.constant 0 : i32
      %dma_wait3A_331 = arith.constant 0 : i32
      %dma_wait3A_332 = tpu.memref_slice %dma_wait3A_329[%add3A, %dma_wait3A_330, %dma_wait3A_331] : memref<32x125x80xi32, #tpu.memory_space<hbm>> -> memref<1x125x80xi32, #tpu.memory_space<hbm>>
      %dma_wait3A_333 = tpu.memref_squeeze %dma_wait3A_332 : memref<1x125x80xi32, #tpu.memory_space<hbm>> -> memref<125x80xi32, #tpu.memory_space<hbm>>
      tpu.wait_dma2 semaphore(%run_scoped3A_297 : memref<!tpu.dma_semaphore, #tpu.memory_space<semaphore_mem>>) src(%dma_wait3A_333 : memref<125x80xi32, #tpu.memory_space<hbm>>) dst(%arg6 : memref<125x80xi32, #tpu.memory_space<vmem>>)
      tpu.yield
    }) : () -> ()
    %run_scoped3A_1 = arith.constant 1 : i32
    "tpu.region"() ({
      %run_scoped3A_297 = tpu.sem_alloc : memref<!tpu.dma_semaphore, #tpu.memory_space<semaphore_mem>>
      %dma_start3A_298 = arith.constant 0 : i32
      %dma_start3A_299 = arith.constant 0 : i32
      %dma_start3A_300 = arith.constant 0 : i32
      %dma_start3A_301 = tpu.memref_slice %arg2[%run_scoped3A_1, %dma_start3A_298, %dma_start3A_299, %dma_start3A_300] : memref<2x32x125x80xi32, #tpu.memory_space<hbm>> -> memref<1x32x125x80xi32, #tpu.memory_space<hbm>>
      %dma_start3A_302 = tpu.memref_squeeze %dma_start3A_301 : memref<1x32x125x80xi32, #tpu.memory_space<hbm>> -> memref<32x125x80xi32, #tpu.memory_space<hbm>>
      %dma_start3A_303 = arith.constant 0 : i32
      %dma_start3A_304 = arith.constant 0 : i32
      %dma_start3A_305 = tpu.memref_slice %dma_start3A_302[%add3A, %dma_start3A_303, %dma_start3A_304] : memref<32x125x80xi32, #tpu.memory_space<hbm>> -> memref<1x125x80xi32, #tpu.memory_space<hbm>>
      %dma_start3A_306 = tpu.memref_squeeze %dma_start3A_305 : memref<1x125x80xi32, #tpu.memory_space<hbm>> -> memref<125x80xi32, #tpu.memory_space<hbm>>
      %dma_start3A_307 = arith.constant 0 : i32
      %dma_start3A_308 = arith.constant 0 : i32
      %dma_start3A_309 = arith.constant 0 : i32
      %dma_start3A_310 = tpu.memref_slice %arg2[%run_scoped3A_1, %dma_start3A_307, %dma_start3A_308, %dma_start3A_309] : memref<2x32x125x80xi32, #tpu.memory_space<hbm>> -> memref<1x32x125x80xi32, #tpu.memory_space<hbm>>
      %dma_start3A_311 = tpu.memref_squeeze %dma_start3A_310 : memref<1x32x125x80xi32, #tpu.memory_space<hbm>> -> memref<32x125x80xi32, #tpu.memory_space<hbm>>
      %dma_start3A_312 = arith.constant 0 : i32
      %dma_start3A_313 = arith.constant 0 : i32
      %dma_start3A_314 = tpu.memref_slice %dma_start3A_311[%add3A, %dma_start3A_312, %dma_start3A_313] : memref<32x125x80xi32, #tpu.memory_space<hbm>> -> memref<1x125x80xi32, #tpu.memory_space<hbm>>
      %dma_start3A_315 = tpu.memref_squeeze %dma_start3A_314 : memref<1x125x80xi32, #tpu.memory_space<hbm>> -> memref<125x80xi32, #tpu.memory_space<hbm>>
      tpu.enqueue_dma source(%dma_start3A_315 : memref<125x80xi32, #tpu.memory_space<hbm>>) target(%arg7 : memref<125x80xi32, #tpu.memory_space<vmem>>) target_semaphore(%run_scoped3A_297 : memref<!tpu.dma_semaphore, #tpu.memory_space<semaphore_mem>>)
      %dma_wait3A_316 = arith.constant 0 : i32
      %dma_wait3A_317 = arith.constant 0 : i32
      %dma_wait3A_318 = arith.constant 0 : i32
      %dma_wait3A_319 = tpu.memref_slice %arg2[%run_scoped3A_1, %dma_wait3A_316, %dma_wait3A_317, %dma_wait3A_318] : memref<2x32x125x80xi32, #tpu.memory_space<hbm>> -> memref<1x32x125x80xi32, #tpu.memory_space<hbm>>
      %dma_wait3A_320 = tpu.memref_squeeze %dma_wait3A_319 : memref<1x32x125x80xi32, #tpu.memory_space<hbm>> -> memref<32x125x80xi32, #tpu.memory_space<hbm>>
      %dma_wait3A_321 = arith.constant 0 : i32
      %dma_wait3A_322 = arith.constant 0 : i32
      %dma_wait3A_323 = tpu.memref_slice %dma_wait3A_320[%add3A, %dma_wait3A_321, %dma_wait3A_322] : memref<32x125x80xi32, #tpu.memory_space<hbm>> -> memref<1x125x80xi32, #tpu.memory_space<hbm>>
      %dma_wait3A_324 = tpu.memref_squeeze %dma_wait3A_323 : memref<1x125x80xi32, #tpu.memory_space<hbm>> -> memref<125x80xi32, #tpu.memory_space<hbm>>
      %dma_wait3A_325 = arith.constant 0 : i32
      %dma_wait3A_326 = arith.constant 0 : i32
      %dma_wait3A_327 = arith.constant 0 : i32
      %dma_wait3A_328 = tpu.memref_slice %arg2[%run_scoped3A_1, %dma_wait3A_325, %dma_wait3A_326, %dma_wait3A_327] : memref<2x32x125x80xi32, #tpu.memory_space<hbm>> -> memref<1x32x125x80xi32, #tpu.memory_space<hbm>>
      %dma_wait3A_329 = tpu.memref_squeeze %dma_wait3A_328 : memref<1x32x125x80xi32, #tpu.memory_space<hbm>> -> memref<32x125x80xi32, #tpu.memory_space<hbm>>
      %dma_wait3A_330 = arith.constant 0 : i32
      %dma_wait3A_331 = arith.constant 0 : i32
      %dma_wait3A_332 = tpu.memref_slice %dma_wait3A_329[%add3A, %dma_wait3A_330, %dma_wait3A_331] : memref<32x125x80xi32, #tpu.memory_space<hbm>> -> memref<1x125x80xi32, #tpu.memory_space<hbm>>
      %dma_wait3A_333 = tpu.memref_squeeze %dma_wait3A_332 : memref<1x125x80xi32, #tpu.memory_space<hbm>> -> memref<125x80xi32, #tpu.memory_space<hbm>>
      tpu.wait_dma2 semaphore(%run_scoped3A_297 : memref<!tpu.dma_semaphore, #tpu.memory_space<semaphore_mem>>) src(%dma_wait3A_333 : memref<125x80xi32, #tpu.memory_space<hbm>>) dst(%arg7 : memref<125x80xi32, #tpu.memory_space<vmem>>)
      tpu.yield
    }) : () -> ()
    %broadcast_in_dim3A = arith.constant 0.000000e+00 : bf16
    %broadcast_in_dim3A_2 = vector.broadcast %broadcast_in_dim3A : bf16 to vector<32xbf16>
    %scan3A = arith.constant 0 : i32
    %scan3A_3 = arith.constant 0 : i32
    %scan3A_4 = arith.constant 78 : i32
    %scan3A_5 = arith.addi %scan3A_3, %scan3A_4 : i32
    %scan3A_6 = arith.constant 1 : i32
    scf.for %scan3A_297 = %scan3A_3 to %scan3A_5 step %scan3A_6  : i32 {
      %swap3A = arith.index_cast %scan3A_297 : i32 to index
      %swap3A_298 = arith.constant 0 : index
      %swap3A_299 = tpu.vector_load %arg12[%swap3A, %swap3A_298] {strides = array<i32>} : memref<78x128xbf16, #tpu.memory_space<vmem>>, vector<1x32xbf16>,
      %swap3A_300 = vector.shape_cast %swap3A_299 : vector<1x32xbf16> to vector<32xbf16>
      %swap3A_301 = vector.shape_cast %broadcast_in_dim3A_2 : vector<32xbf16> to vector<1x32xbf16>
      tpu.vector_store %arg12[%swap3A, %swap3A_298], %swap3A_301 {strides = array<i32>} : memref<78x128xbf16, #tpu.memory_space<vmem>>, vector<1x32xbf16>,
      %swap3A_302 = arith.index_cast %scan3A_297 : i32 to index
      %swap3A_303 = arith.constant 32 : index
      %swap3A_304 = tpu.vector_load %arg12[%swap3A_302, %swap3A_303] {strides = array<i32>} : memref<78x128xbf16, #tpu.memory_space<vmem>>, vector<1x32xbf16>,
      %swap3A_305 = vector.shape_cast %swap3A_304 : vector<1x32xbf16> to vector<32xbf16>
      %swap3A_306 = vector.shape_cast %broadcast_in_dim3A_2 : vector<32xbf16> to vector<1x32xbf16>
      tpu.vector_store %arg12[%swap3A_302, %swap3A_303], %swap3A_306 {strides = array<i32>} : memref<78x128xbf16, #tpu.memory_space<vmem>>, vector<1x32xbf16>,
      %swap3A_307 = arith.index_cast %scan3A_297 : i32 to index
      %swap3A_308 = arith.constant 64 : index
      %swap3A_309 = tpu.vector_load %arg12[%swap3A_307, %swap3A_308] {strides = array<i32>} : memref<78x128xbf16, #tpu.memory_space<vmem>>, vector<1x32xbf16>,
      %swap3A_310 = vector.shape_cast %swap3A_309 : vector<1x32xbf16> to vector<32xbf16>
      %swap3A_311 = vector.shape_cast %broadcast_in_dim3A_2 : vector<32xbf16> to vector<1x32xbf16>
      tpu.vector_store %arg12[%swap3A_307, %swap3A_308], %swap3A_311 {strides = array<i32>} : memref<78x128xbf16, #tpu.memory_space<vmem>>, vector<1x32xbf16>,
      %swap3A_312 = arith.index_cast %scan3A_297 : i32 to index
      %swap3A_313 = arith.constant 96 : index
      %swap3A_314 = tpu.vector_load %arg12[%swap3A_312, %swap3A_313] {strides = array<i32>} : memref<78x128xbf16, #tpu.memory_space<vmem>>, vector<1x32xbf16>,
      %swap3A_315 = vector.shape_cast %swap3A_314 : vector<1x32xbf16> to vector<32xbf16>
      %swap3A_316 = vector.shape_cast %broadcast_in_dim3A_2 : vector<32xbf16> to vector<1x32xbf16>
      tpu.vector_store %arg12[%swap3A_312, %swap3A_313], %swap3A_316 {strides = array<i32>} : memref<78x128xbf16, #tpu.memory_space<vmem>>, vector<1x32xbf16>,
    }
    %scan3A_7 = arith.constant 78 : i32
    %broadcast_in_dim3A_8 = arith.constant 1.000000e+00 : f32
    %broadcast_in_dim3A_9 = vector.broadcast %broadcast_in_dim3A_8 : f32 to vector<16xf32>
    %broadcast_in_dim3A_10 = arith.constant 0.000000e+00 : f32
    %broadcast_in_dim3A_11 = vector.broadcast %broadcast_in_dim3A_10 : f32 to vector<16xf32>
    %scan3A_12 = arith.constant 0 : i32
    %scan3A_13 = arith.constant 0 : i32
    %scan3A_14 = arith.constant 80 : i32
    %scan3A_15 = arith.addi %scan3A_13, %scan3A_14 : i32
    %scan3A_16 = arith.constant 1 : i32
    scf.for %scan3A_297 = %scan3A_13 to %scan3A_15 step %scan3A_16  : i32 {
      %swap3A = arith.index_cast %scan3A_297 : i32 to index
      %swap3A_298 = arith.constant 0 : index
      %swap3A_299 = tpu.vector_load %arg13[%swap3A, %swap3A_298] {strides = array<i32>} : memref<80x16xf32, #tpu.memory_space<vmem>>, vector<1x16xf32>,
      %swap3A_300 = vector.shape_cast %swap3A_299 : vector<1x16xf32> to vector<16xf32>
      %swap3A_301 = vector.shape_cast %broadcast_in_dim3A_9 : vector<16xf32> to vector<1x16xf32>
      tpu.vector_store %arg13[%swap3A, %swap3A_298], %swap3A_301 {strides = array<i32>} : memref<80x16xf32, #tpu.memory_space<vmem>>, vector<1x16xf32>,
    }
    %scan3A_17 = arith.constant 80 : i32
    %scan3A_18 = arith.constant 0 : i32
    %scan3A_19 = arith.constant 0 : i32
    %scan3A_20 = arith.constant 78 : i32
    %scan3A_21 = arith.addi %scan3A_19, %scan3A_20 : i32
    %scan3A_22 = arith.constant 1 : i32
    scf.for %scan3A_297 = %scan3A_19 to %scan3A_21 step %scan3A_22  : i32 {
      %swap3A = arith.index_cast %scan3A_297 : i32 to index
      %swap3A_298 = arith.constant 0 : index
      %swap3A_299 = tpu.vector_load %arg14[%swap3A, %swap3A_298] {strides = array<i32>} : memref<78x16xf32, #tpu.memory_space<vmem>>, vector<1x16xf32>,
      %swap3A_300 = vector.shape_cast %swap3A_299 : vector<1x16xf32> to vector<16xf32>
      %swap3A_301 = vector.shape_cast %broadcast_in_dim3A_11 : vector<16xf32> to vector<1x16xf32>
      tpu.vector_store %arg14[%swap3A, %swap3A_298], %swap3A_301 {strides = array<i32>} : memref<78x16xf32, #tpu.memory_space<vmem>>, vector<1x16xf32>,
    }
    %scan3A_23 = arith.constant 78 : i32
    %mul3A_24 = arith.constant 624 : i32
    %mul3A_25 = arith.muli %arg1, %mul3A_24 : i32
    %multiple_of3A = tpu.assume_multiple %mul3A_25, 8 : i32
    %add3A_26 = arith.constant 0 : i32
    %add3A_27 = arith.addi %multiple_of3A, %add3A_26 : i32
    "tpu.region"() ({
      %run_scoped3A_297 = tpu.sem_alloc : memref<!tpu.dma_semaphore, #tpu.memory_space<semaphore_mem>>
      %dma_start3A_298 = arith.constant 0 : i32
      %dma_start3A_299 = tpu.memref_slice %arg15[%add3A_27, %dma_start3A_298] : memref<10016x128xbf16, #tpu.memory_space<vmem_shared>> -> memref<78x128xbf16, #tpu.memory_space<vmem_shared>>
      %dma_start3A_300 = arith.constant 0 : i32
      %dma_start3A_301 = tpu.memref_slice %arg15[%add3A_27, %dma_start3A_300] : memref<10016x128xbf16, #tpu.memory_space<vmem_shared>> -> memref<78x128xbf16, #tpu.memory_space<vmem_shared>>
      tpu.enqueue_dma source(%arg12 : memref<78x128xbf16, #tpu.memory_space<vmem>>) target(%dma_start3A_301 : memref<78x128xbf16, #tpu.memory_space<vmem_shared>>) target_semaphore(%run_scoped3A_297 : memref<!tpu.dma_semaphore, #tpu.memory_space<semaphore_mem>>)
      %dma_wait3A_302 = arith.constant 0 : i32
      %dma_wait3A_303 = tpu.memref_slice %arg15[%add3A_27, %dma_wait3A_302] : memref<10016x128xbf16, #tpu.memory_space<vmem_shared>> -> memref<78x128xbf16, #tpu.memory_space<vmem_shared>>
      %dma_wait3A_304 = arith.constant 0 : i32
      %dma_wait3A_305 = tpu.memref_slice %arg15[%add3A_27, %dma_wait3A_304] : memref<10016x128xbf16, #tpu.memory_space<vmem_shared>> -> memref<78x128xbf16, #tpu.memory_space<vmem_shared>>
      tpu.wait_dma2 semaphore(%run_scoped3A_297 : memref<!tpu.dma_semaphore, #tpu.memory_space<semaphore_mem>>) src(%arg12 : memref<78x128xbf16, #tpu.memory_space<vmem>>) dst(%dma_wait3A_305 : memref<78x128xbf16, #tpu.memory_space<vmem_shared>>)
      tpu.yield
    }) : () -> ()
    %add3A_28 = arith.constant 0 : i32
    %add3A_29 = arith.addi %multiple_of3A, %add3A_28 : i32
    "tpu.region"() ({
      %run_scoped3A_297 = tpu.sem_alloc : memref<!tpu.dma_semaphore, #tpu.memory_space<semaphore_mem>>
      %dma_start3A_298 = arith.constant 0 : i32
      %dma_start3A_299 = tpu.memref_slice %arg16[%add3A_29, %dma_start3A_298] : memref<10016x16xf32, #tpu.memory_space<vmem_shared>> -> memref<78x16xf32, #tpu.memory_space<vmem_shared>>
      %dma_start3A_300 = arith.constant 0 : i32
      %dma_start3A_301 = tpu.memref_slice %arg16[%add3A_29, %dma_start3A_300] : memref<10016x16xf32, #tpu.memory_space<vmem_shared>> -> memref<78x16xf32, #tpu.memory_space<vmem_shared>>
      tpu.enqueue_dma source(%arg14 : memref<78x16xf32, #tpu.memory_space<vmem>>) target(%dma_start3A_301 : memref<78x16xf32, #tpu.memory_space<vmem_shared>>) target_semaphore(%run_scoped3A_297 : memref<!tpu.dma_semaphore, #tpu.memory_space<semaphore_mem>>)
      %dma_wait3A_302 = arith.constant 0 : i32
      %dma_wait3A_303 = tpu.memref_slice %arg16[%add3A_29, %dma_wait3A_302] : memref<10016x16xf32, #tpu.memory_space<vmem_shared>> -> memref<78x16xf32, #tpu.memory_space<vmem_shared>>
      %dma_wait3A_304 = arith.constant 0 : i32
      %dma_wait3A_305 = tpu.memref_slice %arg16[%add3A_29, %dma_wait3A_304] : memref<10016x16xf32, #tpu.memory_space<vmem_shared>> -> memref<78x16xf32, #tpu.memory_space<vmem_shared>>
      tpu.wait_dma2 semaphore(%run_scoped3A_297 : memref<!tpu.dma_semaphore, #tpu.memory_space<semaphore_mem>>) src(%arg14 : memref<78x16xf32, #tpu.memory_space<vmem>>) dst(%dma_wait3A_305 : memref<78x16xf32, #tpu.memory_space<vmem_shared>>)
      tpu.yield
    }) : () -> ()
    %add3A_30 = arith.constant 78 : i32
    %add3A_31 = arith.addi %multiple_of3A, %add3A_30 : i32
    "tpu.region"() ({
      %run_scoped3A_297 = tpu.sem_alloc : memref<!tpu.dma_semaphore, #tpu.memory_space<semaphore_mem>>
      %dma_start3A_298 = arith.constant 0 : i32
      %dma_start3A_299 = tpu.memref_slice %arg15[%add3A_31, %dma_start3A_298] : memref<10016x128xbf16, #tpu.memory_space<vmem_shared>> -> memref<78x128xbf16, #tpu.memory_space<vmem_shared>>
      %dma_start3A_300 = arith.constant 0 : i32
      %dma_start3A_301 = tpu.memref_slice %arg15[%add3A_31, %dma_start3A_300] : memref<10016x128xbf16, #tpu.memory_space<vmem_shared>> -> memref<78x128xbf16, #tpu.memory_space<vmem_shared>>
      tpu.enqueue_dma source(%arg12 : memref<78x128xbf16, #tpu.memory_space<vmem>>) target(%dma_start3A_301 : memref<78x128xbf16, #tpu.memory_space<vmem_shared>>) target_semaphore(%run_scoped3A_297 : memref<!tpu.dma_semaphore, #tpu.memory_space<semaphore_mem>>)
      %dma_wait3A_302 = arith.constant 0 : i32
      %dma_wait3A_303 = tpu.memref_slice %arg15[%add3A_31, %dma_wait3A_302] : memref<10016x128xbf16, #tpu.memory_space<vmem_shared>> -> memref<78x128xbf16, #tpu.memory_space<vmem_shared>>
      %dma_wait3A_304 = arith.constant 0 : i32
      %dma_wait3A_305 = tpu.memref_slice %arg15[%add3A_31, %dma_wait3A_304] : memref<10016x128xbf16, #tpu.memory_space<vmem_shared>> -> memref<78x128xbf16, #tpu.memory_space<vmem_shared>>
      tpu.wait_dma2 semaphore(%run_scoped3A_297 : memref<!tpu.dma_semaphore, #tpu.memory_space<semaphore_mem>>) src(%arg12 : memref<78x128xbf16, #tpu.memory_space<vmem>>) dst(%dma_wait3A_305 : memref<78x128xbf16, #tpu.memory_space<vmem_shared>>)
      tpu.yield
    }) : () -> ()
    %add3A_32 = arith.constant 78 : i32
    %add3A_33 = arith.addi %multiple_of3A, %add3A_32 : i32
    "tpu.region"() ({
      %run_scoped3A_297 = tpu.sem_alloc : memref<!tpu.dma_semaphore, #tpu.memory_space<semaphore_mem>>
      %dma_start3A_298 = arith.constant 0 : i32
      %dma_start3A_299 = tpu.memref_slice %arg16[%add3A_33, %dma_start3A_298] : memref<10016x16xf32, #tpu.memory_space<vmem_shared>> -> memref<78x16xf32, #tpu.memory_space<vmem_shared>>
      %dma_start3A_300 = arith.constant 0 : i32
      %dma_start3A_301 = tpu.memref_slice %arg16[%add3A_33, %dma_start3A_300] : memref<10016x16xf32, #tpu.memory_space<vmem_shared>> -> memref<78x16xf32, #tpu.memory_space<vmem_shared>>
      tpu.enqueue_dma source(%arg14 : memref<78x16xf32, #tpu.memory_space<vmem>>) target(%dma_start3A_301 : memref<78x16xf32, #tpu.memory_space<vmem_shared>>) target_semaphore(%run_scoped3A_297 : memref<!tpu.dma_semaphore, #tpu.memory_space<semaphore_mem>>)
      %dma_wait3A_302 = arith.constant 0 : i32
      %dma_wait3A_303 = tpu.memref_slice %arg16[%add3A_33, %dma_wait3A_302] : memref<10016x16xf32, #tpu.memory_space<vmem_shared>> -> memref<78x16xf32, #tpu.memory_space<vmem_shared>>
      %dma_wait3A_304 = arith.constant 0 : i32
      %dma_wait3A_305 = tpu.memref_slice %arg16[%add3A_33, %dma_wait3A_304] : memref<10016x16xf32, #tpu.memory_space<vmem_shared>> -> memref<78x16xf32, #tpu.memory_space<vmem_shared>>
      tpu.wait_dma2 semaphore(%run_scoped3A_297 : memref<!tpu.dma_semaphore, #tpu.memory_space<semaphore_mem>>) src(%arg14 : memref<78x16xf32, #tpu.memory_space<vmem>>) dst(%dma_wait3A_305 : memref<78x16xf32, #tpu.memory_space<vmem_shared>>)
      tpu.yield
    }) : () -> ()
    %add3A_34 = arith.constant 156 : i32
    %add3A_35 = arith.addi %multiple_of3A, %add3A_34 : i32
    "tpu.region"() ({
      %run_scoped3A_297 = tpu.sem_alloc : memref<!tpu.dma_semaphore, #tpu.memory_space<semaphore_mem>>
      %dma_start3A_298 = arith.constant 0 : i32
      %dma_start3A_299 = tpu.memref_slice %arg15[%add3A_35, %dma_start3A_298] : memref<10016x128xbf16, #tpu.memory_space<vmem_shared>> -> memref<78x128xbf16, #tpu.memory_space<vmem_shared>>
      %dma_start3A_300 = arith.constant 0 : i32
      %dma_start3A_301 = tpu.memref_slice %arg15[%add3A_35, %dma_start3A_300] : memref<10016x128xbf16, #tpu.memory_space<vmem_shared>> -> memref<78x128xbf16, #tpu.memory_space<vmem_shared>>
      tpu.enqueue_dma source(%arg12 : memref<78x128xbf16, #tpu.memory_space<vmem>>) target(%dma_start3A_301 : memref<78x128xbf16, #tpu.memory_space<vmem_shared>>) target_semaphore(%run_scoped3A_297 : memref<!tpu.dma_semaphore, #tpu.memory_space<semaphore_mem>>)
      %dma_wait3A_302 = arith.constant 0 : i32
      %dma_wait3A_303 = tpu.memref_slice %arg15[%add3A_35, %dma_wait3A_302] : memref<10016x128xbf16, #tpu.memory_space<vmem_shared>> -> memref<78x128xbf16, #tpu.memory_space<vmem_shared>>
      %dma_wait3A_304 = arith.constant 0 : i32
      %dma_wait3A_305 = tpu.memref_slice %arg15[%add3A_35, %dma_wait3A_304] : memref<10016x128xbf16, #tpu.memory_space<vmem_shared>> -> memref<78x128xbf16, #tpu.memory_space<vmem_shared>>
      tpu.wait_dma2 semaphore(%run_scoped3A_297 : memref<!tpu.dma_semaphore, #tpu.memory_space<semaphore_mem>>) src(%arg12 : memref<78x128xbf16, #tpu.memory_space<vmem>>) dst(%dma_wait3A_305 : memref<78x128xbf16, #tpu.memory_space<vmem_shared>>)
      tpu.yield
    }) : () -> ()
    %add3A_36 = arith.constant 156 : i32
    %add3A_37 = arith.addi %multiple_of3A, %add3A_36 : i32
    "tpu.region"() ({
      %run_scoped3A_297 = tpu.sem_alloc : memref<!tpu.dma_semaphore, #tpu.memory_space<semaphore_mem>>
      %dma_start3A_298 = arith.constant 0 : i32
      %dma_start3A_299 = tpu.memref_slice %arg16[%add3A_37, %dma_start3A_298] : memref<10016x16xf32, #tpu.memory_space<vmem_shared>> -> memref<78x16xf32, #tpu.memory_space<vmem_shared>>
      %dma_start3A_300 = arith.constant 0 : i32
      %dma_start3A_301 = tpu.memref_slice %arg16[%add3A_37, %dma_start3A_300] : memref<10016x16xf32, #tpu.memory_space<vmem_shared>> -> memref<78x16xf32, #tpu.memory_space<vmem_shared>>
      tpu.enqueue_dma source(%arg14 : memref<78x16xf32, #tpu.memory_space<vmem>>) target(%dma_start3A_301 : memref<78x16xf32, #tpu.memory_space<vmem_shared>>) target_semaphore(%run_scoped3A_297 : memref<!tpu.dma_semaphore, #tpu.memory_space<semaphore_mem>>)
      %dma_wait3A_302 = arith.constant 0 : i32
      %dma_wait3A_303 = tpu.memref_slice %arg16[%add3A_37, %dma_wait3A_302] : memref<10016x16xf32, #tpu.memory_space<vmem_shared>> -> memref<78x16xf32, #tpu.memory_space<vmem_shared>>
      %dma_wait3A_304 = arith.constant 0 : i32
      %dma_wait3A_305 = tpu.memref_slice %arg16[%add3A_37, %dma_wait3A_304] : memref<10016x16xf32, #tpu.memory_space<vmem_shared>> -> memref<78x16xf32, #tpu.memory_space<vmem_shared>>
      tpu.wait_dma2 semaphore(%run_scoped3A_297 : memref<!tpu.dma_semaphore, #tpu.memory_space<semaphore_mem>>) src(%arg14 : memref<78x16xf32, #tpu.memory_space<vmem>>) dst(%dma_wait3A_305 : memref<78x16xf32, #tpu.memory_space<vmem_shared>>)
      tpu.yield
    }) : () -> ()
    %add3A_38 = arith.constant 234 : i32
    %add3A_39 = arith.addi %multiple_of3A, %add3A_38 : i32
    "tpu.region"() ({
      %run_scoped3A_297 = tpu.sem_alloc : memref<!tpu.dma_semaphore, #tpu.memory_space<semaphore_mem>>
      %dma_start3A_298 = arith.constant 0 : i32
      %dma_start3A_299 = tpu.memref_slice %arg15[%add3A_39, %dma_start3A_298] : memref<10016x128xbf16, #tpu.memory_space<vmem_shared>> -> memref<78x128xbf16, #tpu.memory_space<vmem_shared>>
      %dma_start3A_300 = arith.constant 0 : i32
      %dma_start3A_301 = tpu.memref_slice %arg15[%add3A_39, %dma_start3A_300] : memref<10016x128xbf16, #tpu.memory_space<vmem_shared>> -> memref<78x128xbf16, #tpu.memory_space<vmem_shared>>
      tpu.enqueue_dma source(%arg12 : memref<78x128xbf16, #tpu.memory_space<vmem>>) target(%dma_start3A_301 : memref<78x128xbf16, #tpu.memory_space<vmem_shared>>) target_semaphore(%run_scoped3A_297 : memref<!tpu.dma_semaphore, #tpu.memory_space<semaphore_mem>>)
      %dma_wait3A_302 = arith.constant 0 : i32
      %dma_wait3A_303 = tpu.memref_slice %arg15[%add3A_39, %dma_wait3A_302] : memref<10016x128xbf16, #tpu.memory_space<vmem_shared>> -> memref<78x128xbf16, #tpu.memory_space<vmem_shared>>
      %dma_wait3A_304 = arith.constant 0 : i32
      %dma_wait3A_305 = tpu.memref_slice %arg15[%add3A_39, %dma_wait3A_304] : memref<10016x128xbf16, #tpu.memory_space<vmem_shared>> -> memref<78x128xbf16, #tpu.memory_space<vmem_shared>>
      tpu.wait_dma2 semaphore(%run_scoped3A_297 : memref<!tpu.dma_semaphore, #tpu.memory_space<semaphore_mem>>) src(%arg12 : memref<78x128xbf16, #tpu.memory_space<vmem>>) dst(%dma_wait3A_305 : memref<78x128xbf16, #tpu.memory_space<vmem_shared>>)
      tpu.yield
    }) : () -> ()
    %add3A_40 = arith.constant 234 : i32
    %add3A_41 = arith.addi %multiple_of3A, %add3A_40 : i32
    "tpu.region"() ({
      %run_scoped3A_297 = tpu.sem_alloc : memref<!tpu.dma_semaphore, #tpu.memory_space<semaphore_mem>>
      %dma_start3A_298 = arith.constant 0 : i32
      %dma_start3A_299 = tpu.memref_slice %arg16[%add3A_41, %dma_start3A_298] : memref<10016x16xf32, #tpu.memory_space<vmem_shared>> -> memref<78x16xf32, #tpu.memory_space<vmem_shared>>
      %dma_start3A_300 = arith.constant 0 : i32
      %dma_start3A_301 = tpu.memref_slice %arg16[%add3A_41, %dma_start3A_300] : memref<10016x16xf32, #tpu.memory_space<vmem_shared>> -> memref<78x16xf32, #tpu.memory_space<vmem_shared>>
      tpu.enqueue_dma source(%arg14 : memref<78x16xf32, #tpu.memory_space<vmem>>) target(%dma_start3A_301 : memref<78x16xf32, #tpu.memory_space<vmem_shared>>) target_semaphore(%run_scoped3A_297 : memref<!tpu.dma_semaphore, #tpu.memory_space<semaphore_mem>>)
      %dma_wait3A_302 = arith.constant 0 : i32
      %dma_wait3A_303 = tpu.memref_slice %arg16[%add3A_41, %dma_wait3A_302] : memref<10016x16xf32, #tpu.memory_space<vmem_shared>> -> memref<78x16xf32, #tpu.memory_space<vmem_shared>>
      %dma_wait3A_304 = arith.constant 0 : i32
      %dma_wait3A_305 = tpu.memref_slice %arg16[%add3A_41, %dma_wait3A_304] : memref<10016x16xf32, #tpu.memory_space<vmem_shared>> -> memref<78x16xf32, #tpu.memory_space<vmem_shared>>
      tpu.wait_dma2 semaphore(%run_scoped3A_297 : memref<!tpu.dma_semaphore, #tpu.memory_space<semaphore_mem>>) src(%arg14 : memref<78x16xf32, #tpu.memory_space<vmem>>) dst(%dma_wait3A_305 : memref<78x16xf32, #tpu.memory_space<vmem_shared>>)
      tpu.yield
    }) : () -> ()
    %add3A_42 = arith.constant 312 : i32
    %add3A_43 = arith.addi %multiple_of3A, %add3A_42 : i32
    "tpu.region"() ({
      %run_scoped3A_297 = tpu.sem_alloc : memref<!tpu.dma_semaphore, #tpu.memory_space<semaphore_mem>>
      %dma_start3A_298 = arith.constant 0 : i32
      %dma_start3A_299 = tpu.memref_slice %arg15[%add3A_43, %dma_start3A_298] : memref<10016x128xbf16, #tpu.memory_space<vmem_shared>> -> memref<78x128xbf16, #tpu.memory_space<vmem_shared>>
      %dma_start3A_300 = arith.constant 0 : i32
      %dma_start3A_301 = tpu.memref_slice %arg15[%add3A_43, %dma_start3A_300] : memref<10016x128xbf16, #tpu.memory_space<vmem_shared>> -> memref<78x128xbf16, #tpu.memory_space<vmem_shared>>
      tpu.enqueue_dma source(%arg12 : memref<78x128xbf16, #tpu.memory_space<vmem>>) target(%dma_start3A_301 : memref<78x128xbf16, #tpu.memory_space<vmem_shared>>) target_semaphore(%run_scoped3A_297 : memref<!tpu.dma_semaphore, #tpu.memory_space<semaphore_mem>>)
      %dma_wait3A_302 = arith.constant 0 : i32
      %dma_wait3A_303 = tpu.memref_slice %arg15[%add3A_43, %dma_wait3A_302] : memref<10016x128xbf16, #tpu.memory_space<vmem_shared>> -> memref<78x128xbf16, #tpu.memory_space<vmem_shared>>
      %dma_wait3A_304 = arith.constant 0 : i32
      %dma_wait3A_305 = tpu.memref_slice %arg15[%add3A_43, %dma_wait3A_304] : memref<10016x128xbf16, #tpu.memory_space<vmem_shared>> -> memref<78x128xbf16, #tpu.memory_space<vmem_shared>>
      tpu.wait_dma2 semaphore(%run_scoped3A_297 : memref<!tpu.dma_semaphore, #tpu.memory_space<semaphore_mem>>) src(%arg12 : memref<78x128xbf16, #tpu.memory_space<vmem>>) dst(%dma_wait3A_305 : memref<78x128xbf16, #tpu.memory_space<vmem_shared>>)
      tpu.yield
    }) : () -> ()
    %add3A_44 = arith.constant 312 : i32
    %add3A_45 = arith.addi %multiple_of3A, %add3A_44 : i32
    "tpu.region"() ({
      %run_scoped3A_297 = tpu.sem_alloc : memref<!tpu.dma_semaphore, #tpu.memory_space<semaphore_mem>>
      %dma_start3A_298 = arith.constant 0 : i32
      %dma_start3A_299 = tpu.memref_slice %arg16[%add3A_45, %dma_start3A_298] : memref<10016x16xf32, #tpu.memory_space<vmem_shared>> -> memref<78x16xf32, #tpu.memory_space<vmem_shared>>
      %dma_start3A_300 = arith.constant 0 : i32
      %dma_start3A_301 = tpu.memref_slice %arg16[%add3A_45, %dma_start3A_300] : memref<10016x16xf32, #tpu.memory_space<vmem_shared>> -> memref<78x16xf32, #tpu.memory_space<vmem_shared>>
      tpu.enqueue_dma source(%arg14 : memref<78x16xf32, #tpu.memory_space<vmem>>) target(%dma_start3A_301 : memref<78x16xf32, #tpu.memory_space<vmem_shared>>) target_semaphore(%run_scoped3A_297 : memref<!tpu.dma_semaphore, #tpu.memory_space<semaphore_mem>>)
      %dma_wait3A_302 = arith.constant 0 : i32
      %dma_wait3A_303 = tpu.memref_slice %arg16[%add3A_45, %dma_wait3A_302] : memref<10016x16xf32, #tpu.memory_space<vmem_shared>> -> memref<78x16xf32, #tpu.memory_space<vmem_shared>>
      %dma_wait3A_304 = arith.constant 0 : i32
      %dma_wait3A_305 = tpu.memref_slice %arg16[%add3A_45, %dma_wait3A_304] : memref<10016x16xf32, #tpu.memory_space<vmem_shared>> -> memref<78x16xf32, #tpu.memory_space<vmem_shared>>
      tpu.wait_dma2 semaphore(%run_scoped3A_297 : memref<!tpu.dma_semaphore, #tpu.memory_space<semaphore_mem>>) src(%arg14 : memref<78x16xf32, #tpu.memory_space<vmem>>) dst(%dma_wait3A_305 : memref<78x16xf32, #tpu.memory_space<vmem_shared>>)
      tpu.yield
    }) : () -> ()
    %add3A_46 = arith.constant 390 : i32
    %add3A_47 = arith.addi %multiple_of3A, %add3A_46 : i32
    "tpu.region"() ({
      %run_scoped3A_297 = tpu.sem_alloc : memref<!tpu.dma_semaphore, #tpu.memory_space<semaphore_mem>>
      %dma_start3A_298 = arith.constant 0 : i32
      %dma_start3A_299 = tpu.memref_slice %arg15[%add3A_47, %dma_start3A_298] : memref<10016x128xbf16, #tpu.memory_space<vmem_shared>> -> memref<78x128xbf16, #tpu.memory_space<vmem_shared>>
      %dma_start3A_300 = arith.constant 0 : i32
      %dma_start3A_301 = tpu.memref_slice %arg15[%add3A_47, %dma_start3A_300] : memref<10016x128xbf16, #tpu.memory_space<vmem_shared>> -> memref<78x128xbf16, #tpu.memory_space<vmem_shared>>
      tpu.enqueue_dma source(%arg12 : memref<78x128xbf16, #tpu.memory_space<vmem>>) target(%dma_start3A_301 : memref<78x128xbf16, #tpu.memory_space<vmem_shared>>) target_semaphore(%run_scoped3A_297 : memref<!tpu.dma_semaphore, #tpu.memory_space<semaphore_mem>>)
      %dma_wait3A_302 = arith.constant 0 : i32
      %dma_wait3A_303 = tpu.memref_slice %arg15[%add3A_47, %dma_wait3A_302] : memref<10016x128xbf16, #tpu.memory_space<vmem_shared>> -> memref<78x128xbf16, #tpu.memory_space<vmem_shared>>
      %dma_wait3A_304 = arith.constant 0 : i32
      %dma_wait3A_305 = tpu.memref_slice %arg15[%add3A_47, %dma_wait3A_304] : memref<10016x128xbf16, #tpu.memory_space<vmem_shared>> -> memref<78x128xbf16, #tpu.memory_space<vmem_shared>>
      tpu.wait_dma2 semaphore(%run_scoped3A_297 : memref<!tpu.dma_semaphore, #tpu.memory_space<semaphore_mem>>) src(%arg12 : memref<78x128xbf16, #tpu.memory_space<vmem>>) dst(%dma_wait3A_305 : memref<78x128xbf16, #tpu.memory_space<vmem_shared>>)
      tpu.yield
    }) : () -> ()
    %add3A_48 = arith.constant 390 : i32
    %add3A_49 = arith.addi %multiple_of3A, %add3A_48 : i32
    "tpu.region"() ({
      %run_scoped3A_297 = tpu.sem_alloc : memref<!tpu.dma_semaphore, #tpu.memory_space<semaphore_mem>>
      %dma_start3A_298 = arith.constant 0 : i32
      %dma_start3A_299 = tpu.memref_slice %arg16[%add3A_49, %dma_start3A_298] : memref<10016x16xf32, #tpu.memory_space<vmem_shared>> -> memref<78x16xf32, #tpu.memory_space<vmem_shared>>
      %dma_start3A_300 = arith.constant 0 : i32
      %dma_start3A_301 = tpu.memref_slice %arg16[%add3A_49, %dma_start3A_300] : memref<10016x16xf32, #tpu.memory_space<vmem_shared>> -> memref<78x16xf32, #tpu.memory_space<vmem_shared>>
      tpu.enqueue_dma source(%arg14 : memref<78x16xf32, #tpu.memory_space<vmem>>) target(%dma_start3A_301 : memref<78x16xf32, #tpu.memory_space<vmem_shared>>) target_semaphore(%run_scoped3A_297 : memref<!tpu.dma_semaphore, #tpu.memory_space<semaphore_mem>>)
      %dma_wait3A_302 = arith.constant 0 : i32
      %dma_wait3A_303 = tpu.memref_slice %arg16[%add3A_49, %dma_wait3A_302] : memref<10016x16xf32, #tpu.memory_space<vmem_shared>> -> memref<78x16xf32, #tpu.memory_space<vmem_shared>>
      %dma_wait3A_304 = arith.constant 0 : i32
      %dma_wait3A_305 = tpu.memref_slice %arg16[%add3A_49, %dma_wait3A_304] : memref<10016x16xf32, #tpu.memory_space<vmem_shared>> -> memref<78x16xf32, #tpu.memory_space<vmem_shared>>
      tpu.wait_dma2 semaphore(%run_scoped3A_297 : memref<!tpu.dma_semaphore, #tpu.memory_space<semaphore_mem>>) src(%arg14 : memref<78x16xf32, #tpu.memory_space<vmem>>) dst(%dma_wait3A_305 : memref<78x16xf32, #tpu.memory_space<vmem_shared>>)
      tpu.yield
    }) : () -> ()
    %add3A_50 = arith.constant 468 : i32
    %add3A_51 = arith.addi %multiple_of3A, %add3A_50 : i32
    "tpu.region"() ({
      %run_scoped3A_297 = tpu.sem_alloc : memref<!tpu.dma_semaphore, #tpu.memory_space<semaphore_mem>>
      %dma_start3A_298 = arith.constant 0 : i32
      %dma_start3A_299 = tpu.memref_slice %arg15[%add3A_51, %dma_start3A_298] : memref<10016x128xbf16, #tpu.memory_space<vmem_shared>> -> memref<78x128xbf16, #tpu.memory_space<vmem_shared>>
      %dma_start3A_300 = arith.constant 0 : i32
      %dma_start3A_301 = tpu.memref_slice %arg15[%add3A_51, %dma_start3A_300] : memref<10016x128xbf16, #tpu.memory_space<vmem_shared>> -> memref<78x128xbf16, #tpu.memory_space<vmem_shared>>
      tpu.enqueue_dma source(%arg12 : memref<78x128xbf16, #tpu.memory_space<vmem>>) target(%dma_start3A_301 : memref<78x128xbf16, #tpu.memory_space<vmem_shared>>) target_semaphore(%run_scoped3A_297 : memref<!tpu.dma_semaphore, #tpu.memory_space<semaphore_mem>>)
      %dma_wait3A_302 = arith.constant 0 : i32
      %dma_wait3A_303 = tpu.memref_slice %arg15[%add3A_51, %dma_wait3A_302] : memref<10016x128xbf16, #tpu.memory_space<vmem_shared>> -> memref<78x128xbf16, #tpu.memory_space<vmem_shared>>
      %dma_wait3A_304 = arith.constant 0 : i32
      %dma_wait3A_305 = tpu.memref_slice %arg15[%add3A_51, %dma_wait3A_304] : memref<10016x128xbf16, #tpu.memory_space<vmem_shared>> -> memref<78x128xbf16, #tpu.memory_space<vmem_shared>>
      tpu.wait_dma2 semaphore(%run_scoped3A_297 : memref<!tpu.dma_semaphore, #tpu.memory_space<semaphore_mem>>) src(%arg12 : memref<78x128xbf16, #tpu.memory_space<vmem>>) dst(%dma_wait3A_305 : memref<78x128xbf16, #tpu.memory_space<vmem_shared>>)
      tpu.yield
    }) : () -> ()
    %add3A_52 = arith.constant 468 : i32
    %add3A_53 = arith.addi %multiple_of3A, %add3A_52 : i32
    "tpu.region"() ({
      %run_scoped3A_297 = tpu.sem_alloc : memref<!tpu.dma_semaphore, #tpu.memory_space<semaphore_mem>>
      %dma_start3A_298 = arith.constant 0 : i32
      %dma_start3A_299 = tpu.memref_slice %arg16[%add3A_53, %dma_start3A_298] : memref<10016x16xf32, #tpu.memory_space<vmem_shared>> -> memref<78x16xf32, #tpu.memory_space<vmem_shared>>
      %dma_start3A_300 = arith.constant 0 : i32
      %dma_start3A_301 = tpu.memref_slice %arg16[%add3A_53, %dma_start3A_300] : memref<10016x16xf32, #tpu.memory_space<vmem_shared>> -> memref<78x16xf32, #tpu.memory_space<vmem_shared>>
      tpu.enqueue_dma source(%arg14 : memref<78x16xf32, #tpu.memory_space<vmem>>) target(%dma_start3A_301 : memref<78x16xf32, #tpu.memory_space<vmem_shared>>) target_semaphore(%run_scoped3A_297 : memref<!tpu.dma_semaphore, #tpu.memory_space<semaphore_mem>>)
      %dma_wait3A_302 = arith.constant 0 : i32
      %dma_wait3A_303 = tpu.memref_slice %arg16[%add3A_53, %dma_wait3A_302] : memref<10016x16xf32, #tpu.memory_space<vmem_shared>> -> memref<78x16xf32, #tpu.memory_space<vmem_shared>>
      %dma_wait3A_304 = arith.constant 0 : i32
      %dma_wait3A_305 = tpu.memref_slice %arg16[%add3A_53, %dma_wait3A_304] : memref<10016x16xf32, #tpu.memory_space<vmem_shared>> -> memref<78x16xf32, #tpu.memory_space<vmem_shared>>
      tpu.wait_dma2 semaphore(%run_scoped3A_297 : memref<!tpu.dma_semaphore, #tpu.memory_space<semaphore_mem>>) src(%arg14 : memref<78x16xf32, #tpu.memory_space<vmem>>) dst(%dma_wait3A_305 : memref<78x16xf32, #tpu.memory_space<vmem_shared>>)
      tpu.yield
    }) : () -> ()
    %add3A_54 = arith.constant 546 : i32
    %add3A_55 = arith.addi %multiple_of3A, %add3A_54 : i32
    "tpu.region"() ({
      %run_scoped3A_297 = tpu.sem_alloc : memref<!tpu.dma_semaphore, #tpu.memory_space<semaphore_mem>>
      %dma_start3A_298 = arith.constant 0 : i32
      %dma_start3A_299 = tpu.memref_slice %arg15[%add3A_55, %dma_start3A_298] : memref<10016x128xbf16, #tpu.memory_space<vmem_shared>> -> memref<78x128xbf16, #tpu.memory_space<vmem_shared>>
      %dma_start3A_300 = arith.constant 0 : i32
      %dma_start3A_301 = tpu.memref_slice %arg15[%add3A_55, %dma_start3A_300] : memref<10016x128xbf16, #tpu.memory_space<vmem_shared>> -> memref<78x128xbf16, #tpu.memory_space<vmem_shared>>
      tpu.enqueue_dma source(%arg12 : memref<78x128xbf16, #tpu.memory_space<vmem>>) target(%dma_start3A_301 : memref<78x128xbf16, #tpu.memory_space<vmem_shared>>) target_semaphore(%run_scoped3A_297 : memref<!tpu.dma_semaphore, #tpu.memory_space<semaphore_mem>>)
      %dma_wait3A_302 = arith.constant 0 : i32
      %dma_wait3A_303 = tpu.memref_slice %arg15[%add3A_55, %dma_wait3A_302] : memref<10016x128xbf16, #tpu.memory_space<vmem_shared>> -> memref<78x128xbf16, #tpu.memory_space<vmem_shared>>
      %dma_wait3A_304 = arith.constant 0 : i32
      %dma_wait3A_305 = tpu.memref_slice %arg15[%add3A_55, %dma_wait3A_304] : memref<10016x128xbf16, #tpu.memory_space<vmem_shared>> -> memref<78x128xbf16, #tpu.memory_space<vmem_shared>>
      tpu.wait_dma2 semaphore(%run_scoped3A_297 : memref<!tpu.dma_semaphore, #tpu.memory_space<semaphore_mem>>) src(%arg12 : memref<78x128xbf16, #tpu.memory_space<vmem>>) dst(%dma_wait3A_305 : memref<78x128xbf16, #tpu.memory_space<vmem_shared>>)
      tpu.yield
    }) : () -> ()
    %add3A_56 = arith.constant 546 : i32
    %add3A_57 = arith.addi %multiple_of3A, %add3A_56 : i32
    "tpu.region"() ({
      %run_scoped3A_297 = tpu.sem_alloc : memref<!tpu.dma_semaphore, #tpu.memory_space<semaphore_mem>>
      %dma_start3A_298 = arith.constant 0 : i32
      %dma_start3A_299 = tpu.memref_slice %arg16[%add3A_57, %dma_start3A_298] : memref<10016x16xf32, #tpu.memory_space<vmem_shared>> -> memref<78x16xf32, #tpu.memory_space<vmem_shared>>
      %dma_start3A_300 = arith.constant 0 : i32
      %dma_start3A_301 = tpu.memref_slice %arg16[%add3A_57, %dma_start3A_300] : memref<10016x16xf32, #tpu.memory_space<vmem_shared>> -> memref<78x16xf32, #tpu.memory_space<vmem_shared>>
      tpu.enqueue_dma source(%arg14 : memref<78x16xf32, #tpu.memory_space<vmem>>) target(%dma_start3A_301 : memref<78x16xf32, #tpu.memory_space<vmem_shared>>) target_semaphore(%run_scoped3A_297 : memref<!tpu.dma_semaphore, #tpu.memory_space<semaphore_mem>>)
      %dma_wait3A_302 = arith.constant 0 : i32
      %dma_wait3A_303 = tpu.memref_slice %arg16[%add3A_57, %dma_wait3A_302] : memref<10016x16xf32, #tpu.memory_space<vmem_shared>> -> memref<78x16xf32, #tpu.memory_space<vmem_shared>>
      %dma_wait3A_304 = arith.constant 0 : i32
      %dma_wait3A_305 = tpu.memref_slice %arg16[%add3A_57, %dma_wait3A_304] : memref<10016x16xf32, #tpu.memory_space<vmem_shared>> -> memref<78x16xf32, #tpu.memory_space<vmem_shared>>
      tpu.wait_dma2 semaphore(%run_scoped3A_297 : memref<!tpu.dma_semaphore, #tpu.memory_space<semaphore_mem>>) src(%arg14 : memref<78x16xf32, #tpu.memory_space<vmem>>) dst(%dma_wait3A_305 : memref<78x16xf32, #tpu.memory_space<vmem_shared>>)
      tpu.yield
    }) : () -> ()
    %eq3A = arith.constant 15 : i32
    %eq3A_58 = arith.cmpi eq, %arg1, %eq3A : i32
    %convert_element_type3A = arith.extui %eq3A_58 : i1 to i32
    %cond3A = arith.constant 0 : i32
    %cond3A_59 = arith.cmpi ne, %convert_element_type3A, %cond3A : i32
    scf.if %cond3A_59 {
      "tpu.region"() ({
        %run_scoped3A_297 = tpu.sem_alloc : memref<!tpu.dma_semaphore, #tpu.memory_space<semaphore_mem>>
        %dma_start3A_298 = arith.constant 0 : i32
        %dma_start3A_299 = arith.constant 0 : i32
        %dma_start3A_300 = tpu.memref_slice %arg12[%dma_start3A_298, %dma_start3A_299] : memref<78x128xbf16, #tpu.memory_space<vmem>> -> memref<32x128xbf16, #tpu.memory_space<vmem>>
        %dma_start3A_301 = arith.constant 9984 : i32
        %dma_start3A_302 = arith.constant 0 : i32
        %dma_start3A_303 = tpu.memref_slice %arg15[%dma_start3A_301, %dma_start3A_302] : memref<10016x128xbf16, #tpu.memory_space<vmem_shared>> -> memref<32x128xbf16, #tpu.memory_space<vmem_shared>>
        %dma_start3A_304 = arith.constant 9984 : i32
        %dma_start3A_305 = arith.constant 0 : i32
        %dma_start3A_306 = tpu.memref_slice %arg15[%dma_start3A_304, %dma_start3A_305] : memref<10016x128xbf16, #tpu.memory_space<vmem_shared>> -> memref<32x128xbf16, #tpu.memory_space<vmem_shared>>
        %dma_start3A_307 = arith.constant 0 : i32
        %dma_start3A_308 = arith.constant 0 : i32
        %dma_start3A_309 = tpu.memref_slice %arg12[%dma_start3A_307, %dma_start3A_308] : memref<78x128xbf16, #tpu.memory_space<vmem>> -> memref<32x128xbf16, #tpu.memory_space<vmem>>
        tpu.enqueue_dma source(%dma_start3A_309 : memref<32x128xbf16, #tpu.memory_space<vmem>>) target(%dma_start3A_306 : memref<32x128xbf16, #tpu.memory_space<vmem_shared>>) target_semaphore(%run_scoped3A_297 : memref<!tpu.dma_semaphore, #tpu.memory_space<semaphore_mem>>)
        %dma_wait3A_310 = arith.constant 0 : i32
        %dma_wait3A_311 = arith.constant 0 : i32
        %dma_wait3A_312 = tpu.memref_slice %arg12[%dma_wait3A_310, %dma_wait3A_311] : memref<78x128xbf16, #tpu.memory_space<vmem>> -> memref<32x128xbf16, #tpu.memory_space<vmem>>
        %dma_wait3A_313 = arith.constant 9984 : i32
        %dma_wait3A_314 = arith.constant 0 : i32
        %dma_wait3A_315 = tpu.memref_slice %arg15[%dma_wait3A_313, %dma_wait3A_314] : memref<10016x128xbf16, #tpu.memory_space<vmem_shared>> -> memref<32x128xbf16, #tpu.memory_space<vmem_shared>>
        %dma_wait3A_316 = arith.constant 9984 : i32
        %dma_wait3A_317 = arith.constant 0 : i32
        %dma_wait3A_318 = tpu.memref_slice %arg15[%dma_wait3A_316, %dma_wait3A_317] : memref<10016x128xbf16, #tpu.memory_space<vmem_shared>> -> memref<32x128xbf16, #tpu.memory_space<vmem_shared>>
        %dma_wait3A_319 = arith.constant 0 : i32
        %dma_wait3A_320 = arith.constant 0 : i32
        %dma_wait3A_321 = tpu.memref_slice %arg12[%dma_wait3A_319, %dma_wait3A_320] : memref<78x128xbf16, #tpu.memory_space<vmem>> -> memref<32x128xbf16, #tpu.memory_space<vmem>>
        tpu.wait_dma2 semaphore(%run_scoped3A_297 : memref<!tpu.dma_semaphore, #tpu.memory_space<semaphore_mem>>) src(%dma_wait3A_321 : memref<32x128xbf16, #tpu.memory_space<vmem>>) dst(%dma_wait3A_318 : memref<32x128xbf16, #tpu.memory_space<vmem_shared>>)
        tpu.yield
      }) : () -> ()
      "tpu.region"() ({
        %run_scoped3A_297 = tpu.sem_alloc : memref<!tpu.dma_semaphore, #tpu.memory_space<semaphore_mem>>
        %dma_start3A_298 = arith.constant 0 : i32
        %dma_start3A_299 = arith.constant 0 : i32
        %dma_start3A_300 = tpu.memref_slice %arg14[%dma_start3A_298, %dma_start3A_299] : memref<78x16xf32, #tpu.memory_space<vmem>> -> memref<32x16xf32, #tpu.memory_space<vmem>>
        %dma_start3A_301 = arith.constant 9984 : i32
        %dma_start3A_302 = arith.constant 0 : i32
        %dma_start3A_303 = tpu.memref_slice %arg16[%dma_start3A_301, %dma_start3A_302] : memref<10016x16xf32, #tpu.memory_space<vmem_shared>> -> memref<32x16xf32, #tpu.memory_space<vmem_shared>>
        %dma_start3A_304 = arith.constant 9984 : i32
        %dma_start3A_305 = arith.constant 0 : i32
        %dma_start3A_306 = tpu.memref_slice %arg16[%dma_start3A_304, %dma_start3A_305] : memref<10016x16xf32, #tpu.memory_space<vmem_shared>> -> memref<32x16xf32, #tpu.memory_space<vmem_shared>>
        %dma_start3A_307 = arith.constant 0 : i32
        %dma_start3A_308 = arith.constant 0 : i32
        %dma_start3A_309 = tpu.memref_slice %arg14[%dma_start3A_307, %dma_start3A_308] : memref<78x16xf32, #tpu.memory_space<vmem>> -> memref<32x16xf32, #tpu.memory_space<vmem>>
        tpu.enqueue_dma source(%dma_start3A_309 : memref<32x16xf32, #tpu.memory_space<vmem>>) target(%dma_start3A_306 : memref<32x16xf32, #tpu.memory_space<vmem_shared>>) target_semaphore(%run_scoped3A_297 : memref<!tpu.dma_semaphore, #tpu.memory_space<semaphore_mem>>)
        %dma_wait3A_310 = arith.constant 0 : i32
        %dma_wait3A_311 = arith.constant 0 : i32
        %dma_wait3A_312 = tpu.memref_slice %arg14[%dma_wait3A_310, %dma_wait3A_311] : memref<78x16xf32, #tpu.memory_space<vmem>> -> memref<32x16xf32, #tpu.memory_space<vmem>>
        %dma_wait3A_313 = arith.constant 9984 : i32
        %dma_wait3A_314 = arith.constant 0 : i32
        %dma_wait3A_315 = tpu.memref_slice %arg16[%dma_wait3A_313, %dma_wait3A_314] : memref<10016x16xf32, #tpu.memory_space<vmem_shared>> -> memref<32x16xf32, #tpu.memory_space<vmem_shared>>
        %dma_wait3A_316 = arith.constant 9984 : i32
        %dma_wait3A_317 = arith.constant 0 : i32
        %dma_wait3A_318 = tpu.memref_slice %arg16[%dma_wait3A_316, %dma_wait3A_317] : memref<10016x16xf32, #tpu.memory_space<vmem_shared>> -> memref<32x16xf32, #tpu.memory_space<vmem_shared>>
        %dma_wait3A_319 = arith.constant 0 : i32
        %dma_wait3A_320 = arith.constant 0 : i32
        %dma_wait3A_321 = tpu.memref_slice %arg14[%dma_wait3A_319, %dma_wait3A_320] : memref<78x16xf32, #tpu.memory_space<vmem>> -> memref<32x16xf32, #tpu.memory_space<vmem>>
        tpu.wait_dma2 semaphore(%run_scoped3A_297 : memref<!tpu.dma_semaphore, #tpu.memory_space<semaphore_mem>>) src(%dma_wait3A_321 : memref<32x16xf32, #tpu.memory_space<vmem>>) dst(%dma_wait3A_318 : memref<32x16xf32, #tpu.memory_space<vmem_shared>>)
        tpu.yield
      }) : () -> ()
    } else {
    }
    %barrier3A = arith.constant 0 : index
    tpu.barrier barrier_id(%barrier3A)
    %dma_start3A = arith.constant 0 : i32
    %dma_start3A_60 = arith.constant 0 : i32
    %dma_start3A_61 = tpu.memref_slice %arg6[%dma_start3A, %dma_start3A_60] : memref<125x80xi32, #tpu.memory_space<vmem>> -> memref<1x80xi32, #tpu.memory_space<vmem>>
    %dma_start3A_62 = tpu.memref_squeeze %dma_start3A_61 : memref<1x80xi32, #tpu.memory_space<vmem>> -> memref<80xi32, #tpu.memory_space<vmem>>
    %dma_start3A_63 = arith.constant 0 : i32
    %dma_start3A_64 = arith.constant 0 : i32
    %dma_start3A_65 = tpu.memref_slice %arg3[%dma_start3A_63, %dma_start3A_64] : memref<10000x128xbf16, #tpu.memory_space<hbm>> -> memref<10000x128xbf16, #tpu.memory_space<hbm>>
    tpu.enqueue_indirect_dma source(%dma_start3A_65 : memref<10000x128xbf16, #tpu.memory_space<hbm>>) target(%arg8 : memref<80x128xbf16, #tpu.memory_space<vmem>>) offsets(%dma_start3A_62 : memref<80xi32, #tpu.memory_space<vmem>>) semaphore(%arg17 : memref<!tpu.dma_semaphore, #tpu.memory_space<semaphore_mem>>)
    %dma_start3A_66 = arith.constant 1 : i32
    %dma_start3A_67 = arith.constant 0 : i32
    %dma_start3A_68 = tpu.memref_slice %arg6[%dma_start3A_66, %dma_start3A_67] : memref<125x80xi32, #tpu.memory_space<vmem>> -> memref<1x80xi32, #tpu.memory_space<vmem>>
    %dma_start3A_69 = tpu.memref_squeeze %dma_start3A_68 : memref<1x80xi32, #tpu.memory_space<vmem>> -> memref<80xi32, #tpu.memory_space<vmem>>
    %dma_start3A_70 = arith.constant 0 : i32
    %dma_start3A_71 = arith.constant 0 : i32
    %dma_start3A_72 = tpu.memref_slice %arg3[%dma_start3A_70, %dma_start3A_71] : memref<10000x128xbf16, #tpu.memory_space<hbm>> -> memref<10000x128xbf16, #tpu.memory_space<hbm>>
    tpu.enqueue_indirect_dma source(%dma_start3A_72 : memref<10000x128xbf16, #tpu.memory_space<hbm>>) target(%arg9 : memref<80x128xbf16, #tpu.memory_space<vmem>>) offsets(%dma_start3A_69 : memref<80xi32, #tpu.memory_space<vmem>>) semaphore(%arg18 : memref<!tpu.dma_semaphore, #tpu.memory_space<semaphore_mem>>)
    %dma_start3A_73 = arith.constant 2 : i32
    %dma_start3A_74 = arith.constant 0 : i32
    %dma_start3A_75 = tpu.memref_slice %arg6[%dma_start3A_73, %dma_start3A_74] : memref<125x80xi32, #tpu.memory_space<vmem>> -> memref<1x80xi32, #tpu.memory_space<vmem>>
    %dma_start3A_76 = tpu.memref_squeeze %dma_start3A_75 : memref<1x80xi32, #tpu.memory_space<vmem>> -> memref<80xi32, #tpu.memory_space<vmem>>
    %dma_start3A_77 = arith.constant 0 : i32
    %dma_start3A_78 = arith.constant 0 : i32
    %dma_start3A_79 = tpu.memref_slice %arg3[%dma_start3A_77, %dma_start3A_78] : memref<10000x128xbf16, #tpu.memory_space<hbm>> -> memref<10000x128xbf16, #tpu.memory_space<hbm>>
    tpu.enqueue_indirect_dma source(%dma_start3A_79 : memref<10000x128xbf16, #tpu.memory_space<hbm>>) target(%arg10 : memref<80x128xbf16, #tpu.memory_space<vmem>>) offsets(%dma_start3A_76 : memref<80xi32, #tpu.memory_space<vmem>>) semaphore(%arg19 : memref<!tpu.dma_semaphore, #tpu.memory_space<semaphore_mem>>)
    %dma_wait3A = arith.constant 0 : i32
    %dma_wait3A_80 = arith.constant 0 : i32
    %dma_wait3A_81 = tpu.memref_slice %arg6[%dma_wait3A, %dma_wait3A_80] : memref<125x80xi32, #tpu.memory_space<vmem>> -> memref<1x80xi32, #tpu.memory_space<vmem>>
    %dma_wait3A_82 = tpu.memref_squeeze %dma_wait3A_81 : memref<1x80xi32, #tpu.memory_space<vmem>> -> memref<80xi32, #tpu.memory_space<vmem>>
    %dma_wait3A_83 = arith.constant 0 : i32
    %dma_wait3A_84 = arith.constant 0 : i32
    %dma_wait3A_85 = tpu.memref_slice %arg3[%dma_wait3A_83, %dma_wait3A_84] : memref<10000x128xbf16, #tpu.memory_space<hbm>> -> memref<10000x128xbf16, #tpu.memory_space<hbm>>
    tpu.wait_indirect_dma semaphore(%arg17 : memref<!tpu.dma_semaphore, #tpu.memory_space<semaphore_mem>>) src(%dma_wait3A_85 : memref<10000x128xbf16, #tpu.memory_space<hbm>>) dst(%arg8 : memref<80x128xbf16, #tpu.memory_space<vmem>>)
    %dma_start3A_86 = arith.constant 0 : i32
    %dma_start3A_87 = arith.constant 0 : i32
    %dma_start3A_88 = tpu.memref_slice %arg7[%dma_start3A_86, %dma_start3A_87] : memref<125x80xi32, #tpu.memory_space<vmem>> -> memref<1x80xi32, #tpu.memory_space<vmem>>
    %dma_start3A_89 = tpu.memref_squeeze %dma_start3A_88 : memref<1x80xi32, #tpu.memory_space<vmem>> -> memref<80xi32, #tpu.memory_space<vmem>>
    %dma_start3A_90 = arith.constant 0 : i32
    %dma_start3A_91 = arith.constant 0 : i32
    %dma_start3A_92 = tpu.memref_slice %arg15[%dma_start3A_90, %dma_start3A_91] : memref<10016x128xbf16, #tpu.memory_space<vmem_shared>> -> memref<10016x128xbf16, #tpu.memory_space<vmem_shared>>
    tpu.enqueue_indirect_dma source(%arg8 : memref<80x128xbf16, #tpu.memory_space<vmem>>) target(%dma_start3A_92 : memref<10016x128xbf16, #tpu.memory_space<vmem_shared>>) offsets(%dma_start3A_89 : memref<80xi32, #tpu.memory_space<vmem>>) semaphore(%arg21 : memref<!tpu.dma_semaphore, #tpu.memory_space<semaphore_mem>>) {add = true}
    %dma_start3A_93 = arith.constant 0 : i32
    %dma_start3A_94 = arith.constant 0 : i32
    %dma_start3A_95 = tpu.memref_slice %arg7[%dma_start3A_93, %dma_start3A_94] : memref<125x80xi32, #tpu.memory_space<vmem>> -> memref<1x80xi32, #tpu.memory_space<vmem>>
    %dma_start3A_96 = tpu.memref_squeeze %dma_start3A_95 : memref<1x80xi32, #tpu.memory_space<vmem>> -> memref<80xi32, #tpu.memory_space<vmem>>
    %dma_start3A_97 = arith.constant 0 : i32
    %dma_start3A_98 = arith.constant 0 : i32
    %dma_start3A_99 = tpu.memref_slice %arg16[%dma_start3A_97, %dma_start3A_98] : memref<10016x16xf32, #tpu.memory_space<vmem_shared>> -> memref<10016x16xf32, #tpu.memory_space<vmem_shared>>
    tpu.enqueue_indirect_dma source(%arg13 : memref<80x16xf32, #tpu.memory_space<vmem>>) target(%dma_start3A_99 : memref<10016x16xf32, #tpu.memory_space<vmem_shared>>) offsets(%dma_start3A_96 : memref<80xi32, #tpu.memory_space<vmem>>) semaphore(%arg21 : memref<!tpu.dma_semaphore, #tpu.memory_space<semaphore_mem>>) {add = true}
    %dma_start3A_100 = arith.constant 3 : i32
    %dma_start3A_101 = arith.constant 0 : i32
    %dma_start3A_102 = tpu.memref_slice %arg6[%dma_start3A_100, %dma_start3A_101] : memref<125x80xi32, #tpu.memory_space<vmem>> -> memref<1x80xi32, #tpu.memory_space<vmem>>
    %dma_start3A_103 = tpu.memref_squeeze %dma_start3A_102 : memref<1x80xi32, #tpu.memory_space<vmem>> -> memref<80xi32, #tpu.memory_space<vmem>>
    %dma_start3A_104 = arith.constant 0 : i32
    %dma_start3A_105 = arith.constant 0 : i32
    %dma_start3A_106 = tpu.memref_slice %arg3[%dma_start3A_104, %dma_start3A_105] : memref<10000x128xbf16, #tpu.memory_space<hbm>> -> memref<10000x128xbf16, #tpu.memory_space<hbm>>
    tpu.enqueue_indirect_dma source(%dma_start3A_106 : memref<10000x128xbf16, #tpu.memory_space<hbm>>) target(%arg11 : memref<80x128xbf16, #tpu.memory_space<vmem>>) offsets(%dma_start3A_103 : memref<80xi32, #tpu.memory_space<vmem>>) semaphore(%arg20 : memref<!tpu.dma_semaphore, #tpu.memory_space<semaphore_mem>>)
    %dma_wait3A_107 = arith.constant 0 : i32
    %dma_wait3A_108 = arith.constant 0 : i32
    %dma_wait3A_109 = tpu.memref_slice %arg6[%dma_wait3A_107, %dma_wait3A_108] : memref<125x80xi32, #tpu.memory_space<vmem>> -> memref<1x80xi32, #tpu.memory_space<vmem>>
    %dma_wait3A_110 = tpu.memref_squeeze %dma_wait3A_109 : memref<1x80xi32, #tpu.memory_space<vmem>> -> memref<80xi32, #tpu.memory_space<vmem>>
    %dma_wait3A_111 = arith.constant 0 : i32
    %dma_wait3A_112 = arith.constant 0 : i32
    %dma_wait3A_113 = tpu.memref_slice %arg3[%dma_wait3A_111, %dma_wait3A_112] : memref<10000x128xbf16, #tpu.memory_space<hbm>> -> memref<10000x128xbf16, #tpu.memory_space<hbm>>
    tpu.wait_indirect_dma semaphore(%arg18 : memref<!tpu.dma_semaphore, #tpu.memory_space<semaphore_mem>>) src(%dma_wait3A_113 : memref<10000x128xbf16, #tpu.memory_space<hbm>>) dst(%arg9 : memref<80x128xbf16, #tpu.memory_space<vmem>>)
    %dma_start3A_114 = arith.constant 1 : i32
    %dma_start3A_115 = arith.constant 0 : i32
    %dma_start3A_116 = tpu.memref_slice %arg7[%dma_start3A_114, %dma_start3A_115] : memref<125x80xi32, #tpu.memory_space<vmem>> -> memref<1x80xi32, #tpu.memory_space<vmem>>
    %dma_start3A_117 = tpu.memref_squeeze %dma_start3A_116 : memref<1x80xi32, #tpu.memory_space<vmem>> -> memref<80xi32, #tpu.memory_space<vmem>>
    %dma_start3A_118 = arith.constant 0 : i32
    %dma_start3A_119 = arith.constant 0 : i32
    %dma_start3A_120 = tpu.memref_slice %arg15[%dma_start3A_118, %dma_start3A_119] : memref<10016x128xbf16, #tpu.memory_space<vmem_shared>> -> memref<10016x128xbf16, #tpu.memory_space<vmem_shared>>
    tpu.enqueue_indirect_dma source(%arg9 : memref<80x128xbf16, #tpu.memory_space<vmem>>) target(%dma_start3A_120 : memref<10016x128xbf16, #tpu.memory_space<vmem_shared>>) offsets(%dma_start3A_117 : memref<80xi32, #tpu.memory_space<vmem>>) semaphore(%arg22 : memref<!tpu.dma_semaphore, #tpu.memory_space<semaphore_mem>>) {add = true}
    %dma_start3A_121 = arith.constant 1 : i32
    %dma_start3A_122 = arith.constant 0 : i32
    %dma_start3A_123 = tpu.memref_slice %arg7[%dma_start3A_121, %dma_start3A_122] : memref<125x80xi32, #tpu.memory_space<vmem>> -> memref<1x80xi32, #tpu.memory_space<vmem>>
    %dma_start3A_124 = tpu.memref_squeeze %dma_start3A_123 : memref<1x80xi32, #tpu.memory_space<vmem>> -> memref<80xi32, #tpu.memory_space<vmem>>
    %dma_start3A_125 = arith.constant 0 : i32
    %dma_start3A_126 = arith.constant 0 : i32
    %dma_start3A_127 = tpu.memref_slice %arg16[%dma_start3A_125, %dma_start3A_126] : memref<10016x16xf32, #tpu.memory_space<vmem_shared>> -> memref<10016x16xf32, #tpu.memory_space<vmem_shared>>
    tpu.enqueue_indirect_dma source(%arg13 : memref<80x16xf32, #tpu.memory_space<vmem>>) target(%dma_start3A_127 : memref<10016x16xf32, #tpu.memory_space<vmem_shared>>) offsets(%dma_start3A_124 : memref<80xi32, #tpu.memory_space<vmem>>) semaphore(%arg22 : memref<!tpu.dma_semaphore, #tpu.memory_space<semaphore_mem>>) {add = true}
    %dma_wait3A_128 = arith.constant 0 : i32
    %dma_wait3A_129 = arith.constant 0 : i32
    %dma_wait3A_130 = tpu.memref_slice %arg7[%dma_wait3A_128, %dma_wait3A_129] : memref<125x80xi32, #tpu.memory_space<vmem>> -> memref<1x80xi32, #tpu.memory_space<vmem>>
    %dma_wait3A_131 = tpu.memref_squeeze %dma_wait3A_130 : memref<1x80xi32, #tpu.memory_space<vmem>> -> memref<80xi32, #tpu.memory_space<vmem>>
    %dma_wait3A_132 = arith.constant 0 : i32
    %dma_wait3A_133 = arith.constant 0 : i32
    %dma_wait3A_134 = tpu.memref_slice %arg15[%dma_wait3A_132, %dma_wait3A_133] : memref<10016x128xbf16, #tpu.memory_space<vmem_shared>> -> memref<10016x128xbf16, #tpu.memory_space<vmem_shared>>
    tpu.wait_indirect_dma semaphore(%arg21 : memref<!tpu.dma_semaphore, #tpu.memory_space<semaphore_mem>>) src(%arg8 : memref<80x128xbf16, #tpu.memory_space<vmem>>) dst(%dma_wait3A_134 : memref<10016x128xbf16, #tpu.memory_space<vmem_shared>>)
    %dma_wait3A_135 = arith.constant 0 : i32
    %dma_wait3A_136 = arith.constant 0 : i32
    %dma_wait3A_137 = tpu.memref_slice %arg7[%dma_wait3A_135, %dma_wait3A_136] : memref<125x80xi32, #tpu.memory_space<vmem>> -> memref<1x80xi32, #tpu.memory_space<vmem>>
    %dma_wait3A_138 = tpu.memref_squeeze %dma_wait3A_137 : memref<1x80xi32, #tpu.memory_space<vmem>> -> memref<80xi32, #tpu.memory_space<vmem>>
    %dma_wait3A_139 = arith.constant 0 : i32
    %dma_wait3A_140 = arith.constant 0 : i32
    %dma_wait3A_141 = tpu.memref_slice %arg16[%dma_wait3A_139, %dma_wait3A_140] : memref<10016x16xf32, #tpu.memory_space<vmem_shared>> -> memref<10016x16xf32, #tpu.memory_space<vmem_shared>>
    tpu.wait_indirect_dma semaphore(%arg21 : memref<!tpu.dma_semaphore, #tpu.memory_space<semaphore_mem>>) src(%arg13 : memref<80x16xf32, #tpu.memory_space<vmem>>) dst(%dma_wait3A_141 : memref<10016x16xf32, #tpu.memory_space<vmem_shared>>)
    %dma_start3A_142 = arith.constant 4 : i32
    %dma_start3A_143 = arith.constant 0 : i32
    %dma_start3A_144 = tpu.memref_slice %arg6[%dma_start3A_142, %dma_start3A_143] : memref<125x80xi32, #tpu.memory_space<vmem>> -> memref<1x80xi32, #tpu.memory_space<vmem>>
    %dma_start3A_145 = tpu.memref_squeeze %dma_start3A_144 : memref<1x80xi32, #tpu.memory_space<vmem>> -> memref<80xi32, #tpu.memory_space<vmem>>
    %dma_start3A_146 = arith.constant 0 : i32
    %dma_start3A_147 = arith.constant 0 : i32
    %dma_start3A_148 = tpu.memref_slice %arg3[%dma_start3A_146, %dma_start3A_147] : memref<10000x128xbf16, #tpu.memory_space<hbm>> -> memref<10000x128xbf16, #tpu.memory_space<hbm>>
    tpu.enqueue_indirect_dma source(%dma_start3A_148 : memref<10000x128xbf16, #tpu.memory_space<hbm>>) target(%arg8 : memref<80x128xbf16, #tpu.memory_space<vmem>>) offsets(%dma_start3A_145 : memref<80xi32, #tpu.memory_space<vmem>>) semaphore(%arg17 : memref<!tpu.dma_semaphore, #tpu.memory_space<semaphore_mem>>)
    %dma_wait3A_149 = arith.constant 0 : i32
    %dma_wait3A_150 = arith.constant 0 : i32
    %dma_wait3A_151 = tpu.memref_slice %arg6[%dma_wait3A_149, %dma_wait3A_150] : memref<125x80xi32, #tpu.memory_space<vmem>> -> memref<1x80xi32, #tpu.memory_space<vmem>>
    %dma_wait3A_152 = tpu.memref_squeeze %dma_wait3A_151 : memref<1x80xi32, #tpu.memory_space<vmem>> -> memref<80xi32, #tpu.memory_space<vmem>>
    %dma_wait3A_153 = arith.constant 0 : i32
    %dma_wait3A_154 = arith.constant 0 : i32
    %dma_wait3A_155 = tpu.memref_slice %arg3[%dma_wait3A_153, %dma_wait3A_154] : memref<10000x128xbf16, #tpu.memory_space<hbm>> -> memref<10000x128xbf16, #tpu.memory_space<hbm>>
    tpu.wait_indirect_dma semaphore(%arg19 : memref<!tpu.dma_semaphore, #tpu.memory_space<semaphore_mem>>) src(%dma_wait3A_155 : memref<10000x128xbf16, #tpu.memory_space<hbm>>) dst(%arg10 : memref<80x128xbf16, #tpu.memory_space<vmem>>)
    %dma_start3A_156 = arith.constant 2 : i32
    %dma_start3A_157 = arith.constant 0 : i32
    %dma_start3A_158 = tpu.memref_slice %arg7[%dma_start3A_156, %dma_start3A_157] : memref<125x80xi32, #tpu.memory_space<vmem>> -> memref<1x80xi32, #tpu.memory_space<vmem>>
    %dma_start3A_159 = tpu.memref_squeeze %dma_start3A_158 : memref<1x80xi32, #tpu.memory_space<vmem>> -> memref<80xi32, #tpu.memory_space<vmem>>
    %dma_start3A_160 = arith.constant 0 : i32
    %dma_start3A_161 = arith.constant 0 : i32
    %dma_start3A_162 = tpu.memref_slice %arg15[%dma_start3A_160, %dma_start3A_161] : memref<10016x128xbf16, #tpu.memory_space<vmem_shared>> -> memref<10016x128xbf16, #tpu.memory_space<vmem_shared>>
    tpu.enqueue_indirect_dma source(%arg10 : memref<80x128xbf16, #tpu.memory_space<vmem>>) target(%dma_start3A_162 : memref<10016x128xbf16, #tpu.memory_space<vmem_shared>>) offsets(%dma_start3A_159 : memref<80xi32, #tpu.memory_space<vmem>>) semaphore(%arg23 : memref<!tpu.dma_semaphore, #tpu.memory_space<semaphore_mem>>) {add = true}
    %dma_start3A_163 = arith.constant 2 : i32
    %dma_start3A_164 = arith.constant 0 : i32
    %dma_start3A_165 = tpu.memref_slice %arg7[%dma_start3A_163, %dma_start3A_164] : memref<125x80xi32, #tpu.memory_space<vmem>> -> memref<1x80xi32, #tpu.memory_space<vmem>>
    %dma_start3A_166 = tpu.memref_squeeze %dma_start3A_165 : memref<1x80xi32, #tpu.memory_space<vmem>> -> memref<80xi32, #tpu.memory_space<vmem>>
    %dma_start3A_167 = arith.constant 0 : i32
    %dma_start3A_168 = arith.constant 0 : i32
    %dma_start3A_169 = tpu.memref_slice %arg16[%dma_start3A_167, %dma_start3A_168] : memref<10016x16xf32, #tpu.memory_space<vmem_shared>> -> memref<10016x16xf32, #tpu.memory_space<vmem_shared>>
    tpu.enqueue_indirect_dma source(%arg13 : memref<80x16xf32, #tpu.memory_space<vmem>>) target(%dma_start3A_169 : memref<10016x16xf32, #tpu.memory_space<vmem_shared>>) offsets(%dma_start3A_166 : memref<80xi32, #tpu.memory_space<vmem>>) semaphore(%arg23 : memref<!tpu.dma_semaphore, #tpu.memory_space<semaphore_mem>>) {add = true}
    %dma_wait3A_170 = arith.constant 0 : i32
    %dma_wait3A_171 = arith.constant 0 : i32
    %dma_wait3A_172 = tpu.memref_slice %arg7[%dma_wait3A_170, %dma_wait3A_171] : memref<125x80xi32, #tpu.memory_space<vmem>> -> memref<1x80xi32, #tpu.memory_space<vmem>>
    %dma_wait3A_173 = tpu.memref_squeeze %dma_wait3A_172 : memref<1x80xi32, #tpu.memory_space<vmem>> -> memref<80xi32, #tpu.memory_space<vmem>>
    %dma_wait3A_174 = arith.constant 0 : i32
    %dma_wait3A_175 = arith.constant 0 : i32
    %dma_wait3A_176 = tpu.memref_slice %arg15[%dma_wait3A_174, %dma_wait3A_175] : memref<10016x128xbf16, #tpu.memory_space<vmem_shared>> -> memref<10016x128xbf16, #tpu.memory_space<vmem_shared>>
    tpu.wait_indirect_dma semaphore(%arg22 : memref<!tpu.dma_semaphore, #tpu.memory_space<semaphore_mem>>) src(%arg9 : memref<80x128xbf16, #tpu.memory_space<vmem>>) dst(%dma_wait3A_176 : memref<10016x128xbf16, #tpu.memory_space<vmem_shared>>)
    %dma_wait3A_177 = arith.constant 0 : i32
    %dma_wait3A_178 = arith.constant 0 : i32
    %dma_wait3A_179 = tpu.memref_slice %arg7[%dma_wait3A_177, %dma_wait3A_178] : memref<125x80xi32, #tpu.memory_space<vmem>> -> memref<1x80xi32, #tpu.memory_space<vmem>>
    %dma_wait3A_180 = tpu.memref_squeeze %dma_wait3A_179 : memref<1x80xi32, #tpu.memory_space<vmem>> -> memref<80xi32, #tpu.memory_space<vmem>>
    %dma_wait3A_181 = arith.constant 0 : i32
    %dma_wait3A_182 = arith.constant 0 : i32
    %dma_wait3A_183 = tpu.memref_slice %arg16[%dma_wait3A_181, %dma_wait3A_182] : memref<10016x16xf32, #tpu.memory_space<vmem_shared>> -> memref<10016x16xf32, #tpu.memory_space<vmem_shared>>
    tpu.wait_indirect_dma semaphore(%arg22 : memref<!tpu.dma_semaphore, #tpu.memory_space<semaphore_mem>>) src(%arg13 : memref<80x16xf32, #tpu.memory_space<vmem>>) dst(%dma_wait3A_183 : memref<10016x16xf32, #tpu.memory_space<vmem_shared>>)
    %dma_start3A_184 = arith.constant 5 : i32
    %dma_start3A_185 = arith.constant 0 : i32
    %dma_start3A_186 = tpu.memref_slice %arg6[%dma_start3A_184, %dma_start3A_185] : memref<125x80xi32, #tpu.memory_space<vmem>> -> memref<1x80xi32, #tpu.memory_space<vmem>>
    %dma_start3A_187 = tpu.memref_squeeze %dma_start3A_186 : memref<1x80xi32, #tpu.memory_space<vmem>> -> memref<80xi32, #tpu.memory_space<vmem>>
    %dma_start3A_188 = arith.constant 0 : i32
    %dma_start3A_189 = arith.constant 0 : i32
    %dma_start3A_190 = tpu.memref_slice %arg3[%dma_start3A_188, %dma_start3A_189] : memref<10000x128xbf16, #tpu.memory_space<hbm>> -> memref<10000x128xbf16, #tpu.memory_space<hbm>>
    tpu.enqueue_indirect_dma source(%dma_start3A_190 : memref<10000x128xbf16, #tpu.memory_space<hbm>>) target(%arg9 : memref<80x128xbf16, #tpu.memory_space<vmem>>) offsets(%dma_start3A_187 : memref<80xi32, #tpu.memory_space<vmem>>) semaphore(%arg18 : memref<!tpu.dma_semaphore, #tpu.memory_space<semaphore_mem>>)
    %dma_wait3A_191 = arith.constant 0 : i32
    %dma_wait3A_192 = arith.constant 0 : i32
    %dma_wait3A_193 = tpu.memref_slice %arg6[%dma_wait3A_191, %dma_wait3A_192] : memref<125x80xi32, #tpu.memory_space<vmem>> -> memref<1x80xi32, #tpu.memory_space<vmem>>
    %dma_wait3A_194 = tpu.memref_squeeze %dma_wait3A_193 : memref<1x80xi32, #tpu.memory_space<vmem>> -> memref<80xi32, #tpu.memory_space<vmem>>
    %dma_wait3A_195 = arith.constant 0 : i32
    %dma_wait3A_196 = arith.constant 0 : i32
    %dma_wait3A_197 = tpu.memref_slice %arg3[%dma_wait3A_195, %dma_wait3A_196] : memref<10000x128xbf16, #tpu.memory_space<hbm>> -> memref<10000x128xbf16, #tpu.memory_space<hbm>>
    tpu.wait_indirect_dma semaphore(%arg20 : memref<!tpu.dma_semaphore, #tpu.memory_space<semaphore_mem>>) src(%dma_wait3A_197 : memref<10000x128xbf16, #tpu.memory_space<hbm>>) dst(%arg11 : memref<80x128xbf16, #tpu.memory_space<vmem>>)
    %dma_start3A_198 = arith.constant 3 : i32
    %dma_start3A_199 = arith.constant 0 : i32
    %dma_start3A_200 = tpu.memref_slice %arg7[%dma_start3A_198, %dma_start3A_199] : memref<125x80xi32, #tpu.memory_space<vmem>> -> memref<1x80xi32, #tpu.memory_space<vmem>>
    %dma_start3A_201 = tpu.memref_squeeze %dma_start3A_200 : memref<1x80xi32, #tpu.memory_space<vmem>> -> memref<80xi32, #tpu.memory_space<vmem>>
    %dma_start3A_202 = arith.constant 0 : i32
    %dma_start3A_203 = arith.constant 0 : i32
    %dma_start3A_204 = tpu.memref_slice %arg15[%dma_start3A_202, %dma_start3A_203] : memref<10016x128xbf16, #tpu.memory_space<vmem_shared>> -> memref<10016x128xbf16, #tpu.memory_space<vmem_shared>>
    tpu.enqueue_indirect_dma source(%arg11 : memref<80x128xbf16, #tpu.memory_space<vmem>>) target(%dma_start3A_204 : memref<10016x128xbf16, #tpu.memory_space<vmem_shared>>) offsets(%dma_start3A_201 : memref<80xi32, #tpu.memory_space<vmem>>) semaphore(%arg24 : memref<!tpu.dma_semaphore, #tpu.memory_space<semaphore_mem>>) {add = true}
    %dma_start3A_205 = arith.constant 3 : i32
    %dma_start3A_206 = arith.constant 0 : i32
    %dma_start3A_207 = tpu.memref_slice %arg7[%dma_start3A_205, %dma_start3A_206] : memref<125x80xi32, #tpu.memory_space<vmem>> -> memref<1x80xi32, #tpu.memory_space<vmem>>
    %dma_start3A_208 = tpu.memref_squeeze %dma_start3A_207 : memref<1x80xi32, #tpu.memory_space<vmem>> -> memref<80xi32, #tpu.memory_space<vmem>>
    %dma_start3A_209 = arith.constant 0 : i32
    %dma_start3A_210 = arith.constant 0 : i32
    %dma_start3A_211 = tpu.memref_slice %arg16[%dma_start3A_209, %dma_start3A_210] : memref<10016x16xf32, #tpu.memory_space<vmem_shared>> -> memref<10016x16xf32, #tpu.memory_space<vmem_shared>>
    tpu.enqueue_indirect_dma source(%arg13 : memref<80x16xf32, #tpu.memory_space<vmem>>) target(%dma_start3A_211 : memref<10016x16xf32, #tpu.memory_space<vmem_shared>>) offsets(%dma_start3A_208 : memref<80xi32, #tpu.memory_space<vmem>>) semaphore(%arg24 : memref<!tpu.dma_semaphore, #tpu.memory_space<semaphore_mem>>) {add = true}
    %dma_wait3A_212 = arith.constant 0 : i32
    %dma_wait3A_213 = arith.constant 0 : i32
    %dma_wait3A_214 = tpu.memref_slice %arg7[%dma_wait3A_212, %dma_wait3A_213] : memref<125x80xi32, #tpu.memory_space<vmem>> -> memref<1x80xi32, #tpu.memory_space<vmem>>
    %dma_wait3A_215 = tpu.memref_squeeze %dma_wait3A_214 : memref<1x80xi32, #tpu.memory_space<vmem>> -> memref<80xi32, #tpu.memory_space<vmem>>
    %dma_wait3A_216 = arith.constant 0 : i32
    %dma_wait3A_217 = arith.constant 0 : i32
    %dma_wait3A_218 = tpu.memref_slice %arg15[%dma_wait3A_216, %dma_wait3A_217] : memref<10016x128xbf16, #tpu.memory_space<vmem_shared>> -> memref<10016x128xbf16, #tpu.memory_space<vmem_shared>>
    tpu.wait_indirect_dma semaphore(%arg23 : memref<!tpu.dma_semaphore, #tpu.memory_space<semaphore_mem>>) src(%arg10 : memref<80x128xbf16, #tpu.memory_space<vmem>>) dst(%dma_wait3A_218 : memref<10016x128xbf16, #tpu.memory_space<vmem_shared>>)
    %dma_wait3A_219 = arith.constant 0 : i32
    %dma_wait3A_220 = arith.constant 0 : i32
    %dma_wait3A_221 = tpu.memref_slice %arg7[%dma_wait3A_219, %dma_wait3A_220] : memref<125x80xi32, #tpu.memory_space<vmem>> -> memref<1x80xi32, #tpu.memory_space<vmem>>
    %dma_wait3A_222 = tpu.memref_squeeze %dma_wait3A_221 : memref<1x80xi32, #tpu.memory_space<vmem>> -> memref<80xi32, #tpu.memory_space<vmem>>
    %dma_wait3A_223 = arith.constant 0 : i32
    %dma_wait3A_224 = arith.constant 0 : i32
    %dma_wait3A_225 = tpu.memref_slice %arg16[%dma_wait3A_223, %dma_wait3A_224] : memref<10016x16xf32, #tpu.memory_space<vmem_shared>> -> memref<10016x16xf32, #tpu.memory_space<vmem_shared>>
    tpu.wait_indirect_dma semaphore(%arg23 : memref<!tpu.dma_semaphore, #tpu.memory_space<semaphore_mem>>) src(%arg13 : memref<80x16xf32, #tpu.memory_space<vmem>>) dst(%dma_wait3A_225 : memref<10016x16xf32, #tpu.memory_space<vmem_shared>>)
    %dma_start3A_226 = arith.constant 6 : i32
    %dma_start3A_227 = arith.constant 0 : i32
    %dma_start3A_228 = tpu.memref_slice %arg6[%dma_start3A_226, %dma_start3A_227] : memref<125x80xi32, #tpu.memory_space<vmem>> -> memref<1x80xi32, #tpu.memory_space<vmem>>
    %dma_start3A_229 = tpu.memref_squeeze %dma_start3A_228 : memref<1x80xi32, #tpu.memory_space<vmem>> -> memref<80xi32, #tpu.memory_space<vmem>>
    %dma_start3A_230 = arith.constant 0 : i32
    %dma_start3A_231 = arith.constant 0 : i32
    %dma_start3A_232 = tpu.memref_slice %arg3[%dma_start3A_230, %dma_start3A_231] : memref<10000x128xbf16, #tpu.memory_space<hbm>> -> memref<10000x128xbf16, #tpu.memory_space<hbm>>
    tpu.enqueue_indirect_dma source(%dma_start3A_232 : memref<10000x128xbf16, #tpu.memory_space<hbm>>) target(%arg10 : memref<80x128xbf16, #tpu.memory_space<vmem>>) offsets(%dma_start3A_229 : memref<80xi32, #tpu.memory_space<vmem>>) semaphore(%arg19 : memref<!tpu.dma_semaphore, #tpu.memory_space<semaphore_mem>>)
    %scan3A_233 = arith.constant 0 : i32
    %scan3A_234 = arith.constant 1 : i32
    %scan3A_235 = arith.constant 30 : i32
    %scan3A_236 = arith.addi %scan3A_234, %scan3A_235 : i32
    %scan3A_237 = arith.constant 1 : i32
    scf.for %scan3A_297 = %scan3A_234 to %scan3A_236 step %scan3A_237  : i32 {
      %mul3A_298 = arith.constant 4 : i32
      %mul3A_299 = arith.muli %mul3A_298, %scan3A_297 : i32
      %add3A_300 = arith.constant 0 : i32
      %add3A_301 = arith.addi %mul3A_299, %add3A_300 : i32
      %dma_wait3A_302 = arith.constant 0 : i32
      %dma_wait3A_303 = arith.constant 0 : i32
      %dma_wait3A_304 = tpu.memref_slice %arg6[%dma_wait3A_302, %dma_wait3A_303] : memref<125x80xi32, #tpu.memory_space<vmem>> -> memref<1x80xi32, #tpu.memory_space<vmem>>
      %dma_wait3A_305 = tpu.memref_squeeze %dma_wait3A_304 : memref<1x80xi32, #tpu.memory_space<vmem>> -> memref<80xi32, #tpu.memory_space<vmem>>
      %dma_wait3A_306 = arith.constant 0 : i32
      %dma_wait3A_307 = arith.constant 0 : i32
      %dma_wait3A_308 = tpu.memref_slice %arg3[%dma_wait3A_306, %dma_wait3A_307] : memref<10000x128xbf16, #tpu.memory_space<hbm>> -> memref<10000x128xbf16, #tpu.memory_space<hbm>>
      tpu.wait_indirect_dma semaphore(%arg17 : memref<!tpu.dma_semaphore, #tpu.memory_space<semaphore_mem>>) src(%dma_wait3A_308 : memref<10000x128xbf16, #tpu.memory_space<hbm>>) dst(%arg8 : memref<80x128xbf16, #tpu.memory_space<vmem>>)
      %dma_start3A_309 = arith.constant 0 : i32
      %dma_start3A_310 = tpu.memref_slice %arg7[%add3A_301, %dma_start3A_309] : memref<125x80xi32, #tpu.memory_space<vmem>> -> memref<1x80xi32, #tpu.memory_space<vmem>>
      %dma_start3A_311 = tpu.memref_squeeze %dma_start3A_310 : memref<1x80xi32, #tpu.memory_space<vmem>> -> memref<80xi32, #tpu.memory_space<vmem>>
      %dma_start3A_312 = arith.constant 0 : i32
      %dma_start3A_313 = arith.constant 0 : i32
      %dma_start3A_314 = tpu.memref_slice %arg15[%dma_start3A_312, %dma_start3A_313] : memref<10016x128xbf16, #tpu.memory_space<vmem_shared>> -> memref<10016x128xbf16, #tpu.memory_space<vmem_shared>>
      tpu.enqueue_indirect_dma source(%arg8 : memref<80x128xbf16, #tpu.memory_space<vmem>>) target(%dma_start3A_314 : memref<10016x128xbf16, #tpu.memory_space<vmem_shared>>) offsets(%dma_start3A_311 : memref<80xi32, #tpu.memory_space<vmem>>) semaphore(%arg21 : memref<!tpu.dma_semaphore, #tpu.memory_space<semaphore_mem>>) {add = true}
      %dma_start3A_315 = arith.constant 0 : i32
      %dma_start3A_316 = tpu.memref_slice %arg7[%add3A_301, %dma_start3A_315] : memref<125x80xi32, #tpu.memory_space<vmem>> -> memref<1x80xi32, #tpu.memory_space<vmem>>
      %dma_start3A_317 = tpu.memref_squeeze %dma_start3A_316 : memref<1x80xi32, #tpu.memory_space<vmem>> -> memref<80xi32, #tpu.memory_space<vmem>>
      %dma_start3A_318 = arith.constant 0 : i32
      %dma_start3A_319 = arith.constant 0 : i32
      %dma_start3A_320 = tpu.memref_slice %arg16[%dma_start3A_318, %dma_start3A_319] : memref<10016x16xf32, #tpu.memory_space<vmem_shared>> -> memref<10016x16xf32, #tpu.memory_space<vmem_shared>>
      tpu.enqueue_indirect_dma source(%arg13 : memref<80x16xf32, #tpu.memory_space<vmem>>) target(%dma_start3A_320 : memref<10016x16xf32, #tpu.memory_space<vmem_shared>>) offsets(%dma_start3A_317 : memref<80xi32, #tpu.memory_space<vmem>>) semaphore(%arg21 : memref<!tpu.dma_semaphore, #tpu.memory_space<semaphore_mem>>) {add = true}
      %dma_wait3A_321 = arith.constant 0 : i32
      %dma_wait3A_322 = arith.constant 0 : i32
      %dma_wait3A_323 = tpu.memref_slice %arg7[%dma_wait3A_321, %dma_wait3A_322] : memref<125x80xi32, #tpu.memory_space<vmem>> -> memref<1x80xi32, #tpu.memory_space<vmem>>
      %dma_wait3A_324 = tpu.memref_squeeze %dma_wait3A_323 : memref<1x80xi32, #tpu.memory_space<vmem>> -> memref<80xi32, #tpu.memory_space<vmem>>
      %dma_wait3A_325 = arith.constant 0 : i32
      %dma_wait3A_326 = arith.constant 0 : i32
      %dma_wait3A_327 = tpu.memref_slice %arg15[%dma_wait3A_325, %dma_wait3A_326] : memref<10016x128xbf16, #tpu.memory_space<vmem_shared>> -> memref<10016x128xbf16, #tpu.memory_space<vmem_shared>>
      tpu.wait_indirect_dma semaphore(%arg24 : memref<!tpu.dma_semaphore, #tpu.memory_space<semaphore_mem>>) src(%arg11 : memref<80x128xbf16, #tpu.memory_space<vmem>>) dst(%dma_wait3A_327 : memref<10016x128xbf16, #tpu.memory_space<vmem_shared>>)
      %dma_wait3A_328 = arith.constant 0 : i32
      %dma_wait3A_329 = arith.constant 0 : i32
      %dma_wait3A_330 = tpu.memref_slice %arg7[%dma_wait3A_328, %dma_wait3A_329] : memref<125x80xi32, #tpu.memory_space<vmem>> -> memref<1x80xi32, #tpu.memory_space<vmem>>
      %dma_wait3A_331 = tpu.memref_squeeze %dma_wait3A_330 : memref<1x80xi32, #tpu.memory_space<vmem>> -> memref<80xi32, #tpu.memory_space<vmem>>
      %dma_wait3A_332 = arith.constant 0 : i32
      %dma_wait3A_333 = arith.constant 0 : i32
      %dma_wait3A_334 = tpu.memref_slice %arg16[%dma_wait3A_332, %dma_wait3A_333] : memref<10016x16xf32, #tpu.memory_space<vmem_shared>> -> memref<10016x16xf32, #tpu.memory_space<vmem_shared>>
      tpu.wait_indirect_dma semaphore(%arg24 : memref<!tpu.dma_semaphore, #tpu.memory_space<semaphore_mem>>) src(%arg13 : memref<80x16xf32, #tpu.memory_space<vmem>>) dst(%dma_wait3A_334 : memref<10016x16xf32, #tpu.memory_space<vmem_shared>>)
      %add3A_335 = arith.constant 4 : i32
      %add3A_336 = arith.addi %add3A_301, %add3A_335 : i32
      %sub3A = arith.constant 1 : i32
      %sub3A_337 = arith.subi %add3A_336, %sub3A : i32
      %lt3A = arith.constant 125 : i32
      %lt3A_338 = arith.cmpi slt, %sub3A_337, %lt3A : i32
      %convert_element_type3A_339 = arith.extui %lt3A_338 : i1 to i32
      %cond3A_340 = arith.constant 0 : i32
      %cond3A_341 = arith.cmpi ne, %convert_element_type3A_339, %cond3A_340 : i32
      scf.if %cond3A_341 {
        %add3A_480 = arith.constant 4 : i32
        %add3A_481 = arith.addi %add3A_301, %add3A_480 : i32
        %sub3A_482 = arith.constant 1 : i32
        %sub3A_483 = arith.subi %add3A_481, %sub3A_482 : i32
        %dma_start3A_484 = arith.constant 0 : i32
        %dma_start3A_485 = tpu.memref_slice %arg6[%sub3A_483, %dma_start3A_484] : memref<125x80xi32, #tpu.memory_space<vmem>> -> memref<1x80xi32, #tpu.memory_space<vmem>>
        %dma_start3A_486 = tpu.memref_squeeze %dma_start3A_485 : memref<1x80xi32, #tpu.memory_space<vmem>> -> memref<80xi32, #tpu.memory_space<vmem>>
        %dma_start3A_487 = arith.constant 0 : i32
        %dma_start3A_488 = arith.constant 0 : i32
        %dma_start3A_489 = tpu.memref_slice %arg3[%dma_start3A_487, %dma_start3A_488] : memref<10000x128xbf16, #tpu.memory_space<hbm>> -> memref<10000x128xbf16, #tpu.memory_space<hbm>>
        tpu.enqueue_indirect_dma source(%dma_start3A_489 : memref<10000x128xbf16, #tpu.memory_space<hbm>>) target(%arg11 : memref<80x128xbf16, #tpu.memory_space<vmem>>) offsets(%dma_start3A_486 : memref<80xi32, #tpu.memory_space<vmem>>) semaphore(%arg20 : memref<!tpu.dma_semaphore, #tpu.memory_space<semaphore_mem>>)
      } else {
      }
      %mul3A_342 = arith.constant 4 : i32
      %mul3A_343 = arith.muli %mul3A_342, %scan3A_297 : i32
      %add3A_344 = arith.constant 1 : i32
      %add3A_345 = arith.addi %mul3A_343, %add3A_344 : i32
      %dma_wait3A_346 = arith.constant 0 : i32
      %dma_wait3A_347 = arith.constant 0 : i32
      %dma_wait3A_348 = tpu.memref_slice %arg6[%dma_wait3A_346, %dma_wait3A_347] : memref<125x80xi32, #tpu.memory_space<vmem>> -> memref<1x80xi32, #tpu.memory_space<vmem>>
      %dma_wait3A_349 = tpu.memref_squeeze %dma_wait3A_348 : memref<1x80xi32, #tpu.memory_space<vmem>> -> memref<80xi32, #tpu.memory_space<vmem>>
      %dma_wait3A_350 = arith.constant 0 : i32
      %dma_wait3A_351 = arith.constant 0 : i32
      %dma_wait3A_352 = tpu.memref_slice %arg3[%dma_wait3A_350, %dma_wait3A_351] : memref<10000x128xbf16, #tpu.memory_space<hbm>> -> memref<10000x128xbf16, #tpu.memory_space<hbm>>
      tpu.wait_indirect_dma semaphore(%arg18 : memref<!tpu.dma_semaphore, #tpu.memory_space<semaphore_mem>>) src(%dma_wait3A_352 : memref<10000x128xbf16, #tpu.memory_space<hbm>>) dst(%arg9 : memref<80x128xbf16, #tpu.memory_space<vmem>>)
      %dma_start3A_353 = arith.constant 0 : i32
      %dma_start3A_354 = tpu.memref_slice %arg7[%add3A_345, %dma_start3A_353] : memref<125x80xi32, #tpu.memory_space<vmem>> -> memref<1x80xi32, #tpu.memory_space<vmem>>
      %dma_start3A_355 = tpu.memref_squeeze %dma_start3A_354 : memref<1x80xi32, #tpu.memory_space<vmem>> -> memref<80xi32, #tpu.memory_space<vmem>>
      %dma_start3A_356 = arith.constant 0 : i32
      %dma_start3A_357 = arith.constant 0 : i32
      %dma_start3A_358 = tpu.memref_slice %arg15[%dma_start3A_356, %dma_start3A_357] : memref<10016x128xbf16, #tpu.memory_space<vmem_shared>> -> memref<10016x128xbf16, #tpu.memory_space<vmem_shared>>
      tpu.enqueue_indirect_dma source(%arg9 : memref<80x128xbf16, #tpu.memory_space<vmem>>) target(%dma_start3A_358 : memref<10016x128xbf16, #tpu.memory_space<vmem_shared>>) offsets(%dma_start3A_355 : memref<80xi32, #tpu.memory_space<vmem>>) semaphore(%arg22 : memref<!tpu.dma_semaphore, #tpu.memory_space<semaphore_mem>>) {add = true}
      %dma_start3A_359 = arith.constant 0 : i32
      %dma_start3A_360 = tpu.memref_slice %arg7[%add3A_345, %dma_start3A_359] : memref<125x80xi32, #tpu.memory_space<vmem>> -> memref<1x80xi32, #tpu.memory_space<vmem>>
      %dma_start3A_361 = tpu.memref_squeeze %dma_start3A_360 : memref<1x80xi32, #tpu.memory_space<vmem>> -> memref<80xi32, #tpu.memory_space<vmem>>
      %dma_start3A_362 = arith.constant 0 : i32
      %dma_start3A_363 = arith.constant 0 : i32
      %dma_start3A_364 = tpu.memref_slice %arg16[%dma_start3A_362, %dma_start3A_363] : memref<10016x16xf32, #tpu.memory_space<vmem_shared>> -> memref<10016x16xf32, #tpu.memory_space<vmem_shared>>
      tpu.enqueue_indirect_dma source(%arg13 : memref<80x16xf32, #tpu.memory_space<vmem>>) target(%dma_start3A_364 : memref<10016x16xf32, #tpu.memory_space<vmem_shared>>) offsets(%dma_start3A_361 : memref<80xi32, #tpu.memory_space<vmem>>) semaphore(%arg22 : memref<!tpu.dma_semaphore, #tpu.memory_space<semaphore_mem>>) {add = true}
      %dma_wait3A_365 = arith.constant 0 : i32
      %dma_wait3A_366 = arith.constant 0 : i32
      %dma_wait3A_367 = tpu.memref_slice %arg7[%dma_wait3A_365, %dma_wait3A_366] : memref<125x80xi32, #tpu.memory_space<vmem>> -> memref<1x80xi32, #tpu.memory_space<vmem>>
      %dma_wait3A_368 = tpu.memref_squeeze %dma_wait3A_367 : memref<1x80xi32, #tpu.memory_space<vmem>> -> memref<80xi32, #tpu.memory_space<vmem>>
      %dma_wait3A_369 = arith.constant 0 : i32
      %dma_wait3A_370 = arith.constant 0 : i32
      %dma_wait3A_371 = tpu.memref_slice %arg15[%dma_wait3A_369, %dma_wait3A_370] : memref<10016x128xbf16, #tpu.memory_space<vmem_shared>> -> memref<10016x128xbf16, #tpu.memory_space<vmem_shared>>
      tpu.wait_indirect_dma semaphore(%arg21 : memref<!tpu.dma_semaphore, #tpu.memory_space<semaphore_mem>>) src(%arg8 : memref<80x128xbf16, #tpu.memory_space<vmem>>) dst(%dma_wait3A_371 : memref<10016x128xbf16, #tpu.memory_space<vmem_shared>>)
      %dma_wait3A_372 = arith.constant 0 : i32
      %dma_wait3A_373 = arith.constant 0 : i32
      %dma_wait3A_374 = tpu.memref_slice %arg7[%dma_wait3A_372, %dma_wait3A_373] : memref<125x80xi32, #tpu.memory_space<vmem>> -> memref<1x80xi32, #tpu.memory_space<vmem>>
      %dma_wait3A_375 = tpu.memref_squeeze %dma_wait3A_374 : memref<1x80xi32, #tpu.memory_space<vmem>> -> memref<80xi32, #tpu.memory_space<vmem>>
      %dma_wait3A_376 = arith.constant 0 : i32
      %dma_wait3A_377 = arith.constant 0 : i32
      %dma_wait3A_378 = tpu.memref_slice %arg16[%dma_wait3A_376, %dma_wait3A_377] : memref<10016x16xf32, #tpu.memory_space<vmem_shared>> -> memref<10016x16xf32, #tpu.memory_space<vmem_shared>>
      tpu.wait_indirect_dma semaphore(%arg21 : memref<!tpu.dma_semaphore, #tpu.memory_space<semaphore_mem>>) src(%arg13 : memref<80x16xf32, #tpu.memory_space<vmem>>) dst(%dma_wait3A_378 : memref<10016x16xf32, #tpu.memory_space<vmem_shared>>)
      %add3A_379 = arith.constant 4 : i32
      %add3A_380 = arith.addi %add3A_345, %add3A_379 : i32
      %sub3A_381 = arith.constant 1 : i32
      %sub3A_382 = arith.subi %add3A_380, %sub3A_381 : i32
      %lt3A_383 = arith.constant 125 : i32
      %lt3A_384 = arith.cmpi slt, %sub3A_382, %lt3A_383 : i32
      %convert_element_type3A_385 = arith.extui %lt3A_384 : i1 to i32
      %cond3A_386 = arith.constant 0 : i32
      %cond3A_387 = arith.cmpi ne, %convert_element_type3A_385, %cond3A_386 : i32
      scf.if %cond3A_387 {
        %add3A_480 = arith.constant 4 : i32
        %add3A_481 = arith.addi %add3A_345, %add3A_480 : i32
        %sub3A_482 = arith.constant 1 : i32
        %sub3A_483 = arith.subi %add3A_481, %sub3A_482 : i32
        %dma_start3A_484 = arith.constant 0 : i32
        %dma_start3A_485 = tpu.memref_slice %arg6[%sub3A_483, %dma_start3A_484] : memref<125x80xi32, #tpu.memory_space<vmem>> -> memref<1x80xi32, #tpu.memory_space<vmem>>
        %dma_start3A_486 = tpu.memref_squeeze %dma_start3A_485 : memref<1x80xi32, #tpu.memory_space<vmem>> -> memref<80xi32, #tpu.memory_space<vmem>>
        %dma_start3A_487 = arith.constant 0 : i32
        %dma_start3A_488 = arith.constant 0 : i32
        %dma_start3A_489 = tpu.memref_slice %arg3[%dma_start3A_487, %dma_start3A_488] : memref<10000x128xbf16, #tpu.memory_space<hbm>> -> memref<10000x128xbf16, #tpu.memory_space<hbm>>
        tpu.enqueue_indirect_dma source(%dma_start3A_489 : memref<10000x128xbf16, #tpu.memory_space<hbm>>) target(%arg8 : memref<80x128xbf16, #tpu.memory_space<vmem>>) offsets(%dma_start3A_486 : memref<80xi32, #tpu.memory_space<vmem>>) semaphore(%arg17 : memref<!tpu.dma_semaphore, #tpu.memory_space<semaphore_mem>>)
      } else {
      }
      %mul3A_388 = arith.constant 4 : i32
      %mul3A_389 = arith.muli %mul3A_388, %scan3A_297 : i32
      %add3A_390 = arith.constant 2 : i32
      %add3A_391 = arith.addi %mul3A_389, %add3A_390 : i32
      %dma_wait3A_392 = arith.constant 0 : i32
      %dma_wait3A_393 = arith.constant 0 : i32
      %dma_wait3A_394 = tpu.memref_slice %arg6[%dma_wait3A_392, %dma_wait3A_393] : memref<125x80xi32, #tpu.memory_space<vmem>> -> memref<1x80xi32, #tpu.memory_space<vmem>>
      %dma_wait3A_395 = tpu.memref_squeeze %dma_wait3A_394 : memref<1x80xi32, #tpu.memory_space<vmem>> -> memref<80xi32, #tpu.memory_space<vmem>>
      %dma_wait3A_396 = arith.constant 0 : i32
      %dma_wait3A_397 = arith.constant 0 : i32
      %dma_wait3A_398 = tpu.memref_slice %arg3[%dma_wait3A_396, %dma_wait3A_397] : memref<10000x128xbf16, #tpu.memory_space<hbm>> -> memref<10000x128xbf16, #tpu.memory_space<hbm>>
      tpu.wait_indirect_dma semaphore(%arg19 : memref<!tpu.dma_semaphore, #tpu.memory_space<semaphore_mem>>) src(%dma_wait3A_398 : memref<10000x128xbf16, #tpu.memory_space<hbm>>) dst(%arg10 : memref<80x128xbf16, #tpu.memory_space<vmem>>)
      %dma_start3A_399 = arith.constant 0 : i32
      %dma_start3A_400 = tpu.memref_slice %arg7[%add3A_391, %dma_start3A_399] : memref<125x80xi32, #tpu.memory_space<vmem>> -> memref<1x80xi32, #tpu.memory_space<vmem>>
      %dma_start3A_401 = tpu.memref_squeeze %dma_start3A_400 : memref<1x80xi32, #tpu.memory_space<vmem>> -> memref<80xi32, #tpu.memory_space<vmem>>
      %dma_start3A_402 = arith.constant 0 : i32
      %dma_start3A_403 = arith.constant 0 : i32
      %dma_start3A_404 = tpu.memref_slice %arg15[%dma_start3A_402, %dma_start3A_403] : memref<10016x128xbf16, #tpu.memory_space<vmem_shared>> -> memref<10016x128xbf16, #tpu.memory_space<vmem_shared>>
      tpu.enqueue_indirect_dma source(%arg10 : memref<80x128xbf16, #tpu.memory_space<vmem>>) target(%dma_start3A_404 : memref<10016x128xbf16, #tpu.memory_space<vmem_shared>>) offsets(%dma_start3A_401 : memref<80xi32, #tpu.memory_space<vmem>>) semaphore(%arg23 : memref<!tpu.dma_semaphore, #tpu.memory_space<semaphore_mem>>) {add = true}
      %dma_start3A_405 = arith.constant 0 : i32
      %dma_start3A_406 = tpu.memref_slice %arg7[%add3A_391, %dma_start3A_405] : memref<125x80xi32, #tpu.memory_space<vmem>> -> memref<1x80xi32, #tpu.memory_space<vmem>>
      %dma_start3A_407 = tpu.memref_squeeze %dma_start3A_406 : memref<1x80xi32, #tpu.memory_space<vmem>> -> memref<80xi32, #tpu.memory_space<vmem>>
      %dma_start3A_408 = arith.constant 0 : i32
      %dma_start3A_409 = arith.constant 0 : i32
      %dma_start3A_410 = tpu.memref_slice %arg16[%dma_start3A_408, %dma_start3A_409] : memref<10016x16xf32, #tpu.memory_space<vmem_shared>> -> memref<10016x16xf32, #tpu.memory_space<vmem_shared>>
      tpu.enqueue_indirect_dma source(%arg13 : memref<80x16xf32, #tpu.memory_space<vmem>>) target(%dma_start3A_410 : memref<10016x16xf32, #tpu.memory_space<vmem_shared>>) offsets(%dma_start3A_407 : memref<80xi32, #tpu.memory_space<vmem>>) semaphore(%arg23 : memref<!tpu.dma_semaphore, #tpu.memory_space<semaphore_mem>>) {add = true}
      %dma_wait3A_411 = arith.constant 0 : i32
      %dma_wait3A_412 = arith.constant 0 : i32
      %dma_wait3A_413 = tpu.memref_slice %arg7[%dma_wait3A_411, %dma_wait3A_412] : memref<125x80xi32, #tpu.memory_space<vmem>> -> memref<1x80xi32, #tpu.memory_space<vmem>>
      %dma_wait3A_414 = tpu.memref_squeeze %dma_wait3A_413 : memref<1x80xi32, #tpu.memory_space<vmem>> -> memref<80xi32, #tpu.memory_space<vmem>>
      %dma_wait3A_415 = arith.constant 0 : i32
      %dma_wait3A_416 = arith.constant 0 : i32
      %dma_wait3A_417 = tpu.memref_slice %arg15[%dma_wait3A_415, %dma_wait3A_416] : memref<10016x128xbf16, #tpu.memory_space<vmem_shared>> -> memref<10016x128xbf16, #tpu.memory_space<vmem_shared>>
      tpu.wait_indirect_dma semaphore(%arg22 : memref<!tpu.dma_semaphore, #tpu.memory_space<semaphore_mem>>) src(%arg9 : memref<80x128xbf16, #tpu.memory_space<vmem>>) dst(%dma_wait3A_417 : memref<10016x128xbf16, #tpu.memory_space<vmem_shared>>)
      %dma_wait3A_418 = arith.constant 0 : i32
      %dma_wait3A_419 = arith.constant 0 : i32
      %dma_wait3A_420 = tpu.memref_slice %arg7[%dma_wait3A_418, %dma_wait3A_419] : memref<125x80xi32, #tpu.memory_space<vmem>> -> memref<1x80xi32, #tpu.memory_space<vmem>>
      %dma_wait3A_421 = tpu.memref_squeeze %dma_wait3A_420 : memref<1x80xi32, #tpu.memory_space<vmem>> -> memref<80xi32, #tpu.memory_space<vmem>>
      %dma_wait3A_422 = arith.constant 0 : i32
      %dma_wait3A_423 = arith.constant 0 : i32
      %dma_wait3A_424 = tpu.memref_slice %arg16[%dma_wait3A_422, %dma_wait3A_423] : memref<10016x16xf32, #tpu.memory_space<vmem_shared>> -> memref<10016x16xf32, #tpu.memory_space<vmem_shared>>
      tpu.wait_indirect_dma semaphore(%arg22 : memref<!tpu.dma_semaphore, #tpu.memory_space<semaphore_mem>>) src(%arg13 : memref<80x16xf32, #tpu.memory_space<vmem>>) dst(%dma_wait3A_424 : memref<10016x16xf32, #tpu.memory_space<vmem_shared>>)
      %add3A_425 = arith.constant 4 : i32
      %add3A_426 = arith.addi %add3A_391, %add3A_425 : i32
      %sub3A_427 = arith.constant 1 : i32
      %sub3A_428 = arith.subi %add3A_426, %sub3A_427 : i32
      %lt3A_429 = arith.constant 125 : i32
      %lt3A_430 = arith.cmpi slt, %sub3A_428, %lt3A_429 : i32
      %convert_element_type3A_431 = arith.extui %lt3A_430 : i1 to i32
      %cond3A_432 = arith.constant 0 : i32
      %cond3A_433 = arith.cmpi ne, %convert_element_type3A_431, %cond3A_432 : i32
      scf.if %cond3A_433 {
        %add3A_480 = arith.constant 4 : i32
        %add3A_481 = arith.addi %add3A_391, %add3A_480 : i32
        %sub3A_482 = arith.constant 1 : i32
        %sub3A_483 = arith.subi %add3A_481, %sub3A_482 : i32
        %dma_start3A_484 = arith.constant 0 : i32
        %dma_start3A_485 = tpu.memref_slice %arg6[%sub3A_483, %dma_start3A_484] : memref<125x80xi32, #tpu.memory_space<vmem>> -> memref<1x80xi32, #tpu.memory_space<vmem>>
        %dma_start3A_486 = tpu.memref_squeeze %dma_start3A_485 : memref<1x80xi32, #tpu.memory_space<vmem>> -> memref<80xi32, #tpu.memory_space<vmem>>
        %dma_start3A_487 = arith.constant 0 : i32
        %dma_start3A_488 = arith.constant 0 : i32
        %dma_start3A_489 = tpu.memref_slice %arg3[%dma_start3A_487, %dma_start3A_488] : memref<10000x128xbf16, #tpu.memory_space<hbm>> -> memref<10000x128xbf16, #tpu.memory_space<hbm>>
        tpu.enqueue_indirect_dma source(%dma_start3A_489 : memref<10000x128xbf16, #tpu.memory_space<hbm>>) target(%arg9 : memref<80x128xbf16, #tpu.memory_space<vmem>>) offsets(%dma_start3A_486 : memref<80xi32, #tpu.memory_space<vmem>>) semaphore(%arg18 : memref<!tpu.dma_semaphore, #tpu.memory_space<semaphore_mem>>)
      } else {
      }
      %mul3A_434 = arith.constant 4 : i32
      %mul3A_435 = arith.muli %mul3A_434, %scan3A_297 : i32
      %add3A_436 = arith.constant 3 : i32
      %add3A_437 = arith.addi %mul3A_435, %add3A_436 : i32
      %dma_wait3A_438 = arith.constant 0 : i32
      %dma_wait3A_439 = arith.constant 0 : i32
      %dma_wait3A_440 = tpu.memref_slice %arg6[%dma_wait3A_438, %dma_wait3A_439] : memref<125x80xi32, #tpu.memory_space<vmem>> -> memref<1x80xi32, #tpu.memory_space<vmem>>
      %dma_wait3A_441 = tpu.memref_squeeze %dma_wait3A_440 : memref<1x80xi32, #tpu.memory_space<vmem>> -> memref<80xi32, #tpu.memory_space<vmem>>
      %dma_wait3A_442 = arith.constant 0 : i32
      %dma_wait3A_443 = arith.constant 0 : i32
      %dma_wait3A_444 = tpu.memref_slice %arg3[%dma_wait3A_442, %dma_wait3A_443] : memref<10000x128xbf16, #tpu.memory_space<hbm>> -> memref<10000x128xbf16, #tpu.memory_space<hbm>>
      tpu.wait_indirect_dma semaphore(%arg20 : memref<!tpu.dma_semaphore, #tpu.memory_space<semaphore_mem>>) src(%dma_wait3A_444 : memref<10000x128xbf16, #tpu.memory_space<hbm>>) dst(%arg11 : memref<80x128xbf16, #tpu.memory_space<vmem>>)
      %dma_start3A_445 = arith.constant 0 : i32
      %dma_start3A_446 = tpu.memref_slice %arg7[%add3A_437, %dma_start3A_445] : memref<125x80xi32, #tpu.memory_space<vmem>> -> memref<1x80xi32, #tpu.memory_space<vmem>>
      %dma_start3A_447 = tpu.memref_squeeze %dma_start3A_446 : memref<1x80xi32, #tpu.memory_space<vmem>> -> memref<80xi32, #tpu.memory_space<vmem>>
      %dma_start3A_448 = arith.constant 0 : i32
      %dma_start3A_449 = arith.constant 0 : i32
      %dma_start3A_450 = tpu.memref_slice %arg15[%dma_start3A_448, %dma_start3A_449] : memref<10016x128xbf16, #tpu.memory_space<vmem_shared>> -> memref<10016x128xbf16, #tpu.memory_space<vmem_shared>>
      tpu.enqueue_indirect_dma source(%arg11 : memref<80x128xbf16, #tpu.memory_space<vmem>>) target(%dma_start3A_450 : memref<10016x128xbf16, #tpu.memory_space<vmem_shared>>) offsets(%dma_start3A_447 : memref<80xi32, #tpu.memory_space<vmem>>) semaphore(%arg24 : memref<!tpu.dma_semaphore, #tpu.memory_space<semaphore_mem>>) {add = true}
      %dma_start3A_451 = arith.constant 0 : i32
      %dma_start3A_452 = tpu.memref_slice %arg7[%add3A_437, %dma_start3A_451] : memref<125x80xi32, #tpu.memory_space<vmem>> -> memref<1x80xi32, #tpu.memory_space<vmem>>
      %dma_start3A_453 = tpu.memref_squeeze %dma_start3A_452 : memref<1x80xi32, #tpu.memory_space<vmem>> -> memref<80xi32, #tpu.memory_space<vmem>>
      %dma_start3A_454 = arith.constant 0 : i32
      %dma_start3A_455 = arith.constant 0 : i32
      %dma_start3A_456 = tpu.memref_slice %arg16[%dma_start3A_454, %dma_start3A_455] : memref<10016x16xf32, #tpu.memory_space<vmem_shared>> -> memref<10016x16xf32, #tpu.memory_space<vmem_shared>>
      tpu.enqueue_indirect_dma source(%arg13 : memref<80x16xf32, #tpu.memory_space<vmem>>) target(%dma_start3A_456 : memref<10016x16xf32, #tpu.memory_space<vmem_shared>>) offsets(%dma_start3A_453 : memref<80xi32, #tpu.memory_space<vmem>>) semaphore(%arg24 : memref<!tpu.dma_semaphore, #tpu.memory_space<semaphore_mem>>) {add = true}
      %dma_wait3A_457 = arith.constant 0 : i32
      %dma_wait3A_458 = arith.constant 0 : i32
      %dma_wait3A_459 = tpu.memref_slice %arg7[%dma_wait3A_457, %dma_wait3A_458] : memref<125x80xi32, #tpu.memory_space<vmem>> -> memref<1x80xi32, #tpu.memory_space<vmem>>
      %dma_wait3A_460 = tpu.memref_squeeze %dma_wait3A_459 : memref<1x80xi32, #tpu.memory_space<vmem>> -> memref<80xi32, #tpu.memory_space<vmem>>
      %dma_wait3A_461 = arith.constant 0 : i32
      %dma_wait3A_462 = arith.constant 0 : i32
      %dma_wait3A_463 = tpu.memref_slice %arg15[%dma_wait3A_461, %dma_wait3A_462] : memref<10016x128xbf16, #tpu.memory_space<vmem_shared>> -> memref<10016x128xbf16, #tpu.memory_space<vmem_shared>>
      tpu.wait_indirect_dma semaphore(%arg23 : memref<!tpu.dma_semaphore, #tpu.memory_space<semaphore_mem>>) src(%arg10 : memref<80x128xbf16, #tpu.memory_space<vmem>>) dst(%dma_wait3A_463 : memref<10016x128xbf16, #tpu.memory_space<vmem_shared>>)
      %dma_wait3A_464 = arith.constant 0 : i32
      %dma_wait3A_465 = arith.constant 0 : i32
      %dma_wait3A_466 = tpu.memref_slice %arg7[%dma_wait3A_464, %dma_wait3A_465] : memref<125x80xi32, #tpu.memory_space<vmem>> -> memref<1x80xi32, #tpu.memory_space<vmem>>
      %dma_wait3A_467 = tpu.memref_squeeze %dma_wait3A_466 : memref<1x80xi32, #tpu.memory_space<vmem>> -> memref<80xi32, #tpu.memory_space<vmem>>
      %dma_wait3A_468 = arith.constant 0 : i32
      %dma_wait3A_469 = arith.constant 0 : i32
      %dma_wait3A_470 = tpu.memref_slice %arg16[%dma_wait3A_468, %dma_wait3A_469] : memref<10016x16xf32, #tpu.memory_space<vmem_shared>> -> memref<10016x16xf32, #tpu.memory_space<vmem_shared>>
      tpu.wait_indirect_dma semaphore(%arg23 : memref<!tpu.dma_semaphore, #tpu.memory_space<semaphore_mem>>) src(%arg13 : memref<80x16xf32, #tpu.memory_space<vmem>>) dst(%dma_wait3A_470 : memref<10016x16xf32, #tpu.memory_space<vmem_shared>>)
      %add3A_471 = arith.constant 4 : i32
      %add3A_472 = arith.addi %add3A_437, %add3A_471 : i32
      %sub3A_473 = arith.constant 1 : i32
      %sub3A_474 = arith.subi %add3A_472, %sub3A_473 : i32
      %lt3A_475 = arith.constant 125 : i32
      %lt3A_476 = arith.cmpi slt, %sub3A_474, %lt3A_475 : i32
      %convert_element_type3A_477 = arith.extui %lt3A_476 : i1 to i32
      %cond3A_478 = arith.constant 0 : i32
      %cond3A_479 = arith.cmpi ne, %convert_element_type3A_477, %cond3A_478 : i32
      scf.if %cond3A_479 {
        %add3A_480 = arith.constant 4 : i32
        %add3A_481 = arith.addi %add3A_437, %add3A_480 : i32
        %sub3A_482 = arith.constant 1 : i32
        %sub3A_483 = arith.subi %add3A_481, %sub3A_482 : i32
        %dma_start3A_484 = arith.constant 0 : i32
        %dma_start3A_485 = tpu.memref_slice %arg6[%sub3A_483, %dma_start3A_484] : memref<125x80xi32, #tpu.memory_space<vmem>> -> memref<1x80xi32, #tpu.memory_space<vmem>>
        %dma_start3A_486 = tpu.memref_squeeze %dma_start3A_485 : memref<1x80xi32, #tpu.memory_space<vmem>> -> memref<80xi32, #tpu.memory_space<vmem>>
        %dma_start3A_487 = arith.constant 0 : i32
        %dma_start3A_488 = arith.constant 0 : i32
        %dma_start3A_489 = tpu.memref_slice %arg3[%dma_start3A_487, %dma_start3A_488] : memref<10000x128xbf16, #tpu.memory_space<hbm>> -> memref<10000x128xbf16, #tpu.memory_space<hbm>>
        tpu.enqueue_indirect_dma source(%dma_start3A_489 : memref<10000x128xbf16, #tpu.memory_space<hbm>>) target(%arg10 : memref<80x128xbf16, #tpu.memory_space<vmem>>) offsets(%dma_start3A_486 : memref<80xi32, #tpu.memory_space<vmem>>) semaphore(%arg19 : memref<!tpu.dma_semaphore, #tpu.memory_space<semaphore_mem>>)
      } else {
      }
    }
    %scan3A_238 = arith.constant 30 : i32
    %dma_wait3A_239 = arith.constant 0 : i32
    %dma_wait3A_240 = arith.constant 0 : i32
    %dma_wait3A_241 = tpu.memref_slice %arg6[%dma_wait3A_239, %dma_wait3A_240] : memref<125x80xi32, #tpu.memory_space<vmem>> -> memref<1x80xi32, #tpu.memory_space<vmem>>
    %dma_wait3A_242 = tpu.memref_squeeze %dma_wait3A_241 : memref<1x80xi32, #tpu.memory_space<vmem>> -> memref<80xi32, #tpu.memory_space<vmem>>
    %dma_wait3A_243 = arith.constant 0 : i32
    %dma_wait3A_244 = arith.constant 0 : i32
    %dma_wait3A_245 = tpu.memref_slice %arg3[%dma_wait3A_243, %dma_wait3A_244] : memref<10000x128xbf16, #tpu.memory_space<hbm>> -> memref<10000x128xbf16, #tpu.memory_space<hbm>>
    tpu.wait_indirect_dma semaphore(%arg17 : memref<!tpu.dma_semaphore, #tpu.memory_space<semaphore_mem>>) src(%dma_wait3A_245 : memref<10000x128xbf16, #tpu.memory_space<hbm>>) dst(%arg8 : memref<80x128xbf16, #tpu.memory_space<vmem>>)
    %dma_start3A_246 = arith.constant 124 : i32
    %dma_start3A_247 = arith.constant 0 : i32
    %dma_start3A_248 = tpu.memref_slice %arg7[%dma_start3A_246, %dma_start3A_247] : memref<125x80xi32, #tpu.memory_space<vmem>> -> memref<1x80xi32, #tpu.memory_space<vmem>>
    %dma_start3A_249 = tpu.memref_squeeze %dma_start3A_248 : memref<1x80xi32, #tpu.memory_space<vmem>> -> memref<80xi32, #tpu.memory_space<vmem>>
    %dma_start3A_250 = arith.constant 0 : i32
    %dma_start3A_251 = arith.constant 0 : i32
    %dma_start3A_252 = tpu.memref_slice %arg15[%dma_start3A_250, %dma_start3A_251] : memref<10016x128xbf16, #tpu.memory_space<vmem_shared>> -> memref<10016x128xbf16, #tpu.memory_space<vmem_shared>>
    tpu.enqueue_indirect_dma source(%arg8 : memref<80x128xbf16, #tpu.memory_space<vmem>>) target(%dma_start3A_252 : memref<10016x128xbf16, #tpu.memory_space<vmem_shared>>) offsets(%dma_start3A_249 : memref<80xi32, #tpu.memory_space<vmem>>) semaphore(%arg21 : memref<!tpu.dma_semaphore, #tpu.memory_space<semaphore_mem>>) {add = true}
    %dma_start3A_253 = arith.constant 124 : i32
    %dma_start3A_254 = arith.constant 0 : i32
    %dma_start3A_255 = tpu.memref_slice %arg7[%dma_start3A_253, %dma_start3A_254] : memref<125x80xi32, #tpu.memory_space<vmem>> -> memref<1x80xi32, #tpu.memory_space<vmem>>
    %dma_start3A_256 = tpu.memref_squeeze %dma_start3A_255 : memref<1x80xi32, #tpu.memory_space<vmem>> -> memref<80xi32, #tpu.memory_space<vmem>>
    %dma_start3A_257 = arith.constant 0 : i32
    %dma_start3A_258 = arith.constant 0 : i32
    %dma_start3A_259 = tpu.memref_slice %arg16[%dma_start3A_257, %dma_start3A_258] : memref<10016x16xf32, #tpu.memory_space<vmem_shared>> -> memref<10016x16xf32, #tpu.memory_space<vmem_shared>>
    tpu.enqueue_indirect_dma source(%arg13 : memref<80x16xf32, #tpu.memory_space<vmem>>) target(%dma_start3A_259 : memref<10016x16xf32, #tpu.memory_space<vmem_shared>>) offsets(%dma_start3A_256 : memref<80xi32, #tpu.memory_space<vmem>>) semaphore(%arg21 : memref<!tpu.dma_semaphore, #tpu.memory_space<semaphore_mem>>) {add = true}
    %dma_wait3A_260 = arith.constant 0 : i32
    %dma_wait3A_261 = arith.constant 0 : i32
    %dma_wait3A_262 = tpu.memref_slice %arg7[%dma_wait3A_260, %dma_wait3A_261] : memref<125x80xi32, #tpu.memory_space<vmem>> -> memref<1x80xi32, #tpu.memory_space<vmem>>
    %dma_wait3A_263 = tpu.memref_squeeze %dma_wait3A_262 : memref<1x80xi32, #tpu.memory_space<vmem>> -> memref<80xi32, #tpu.memory_space<vmem>>
    %dma_wait3A_264 = arith.constant 0 : i32
    %dma_wait3A_265 = arith.constant 0 : i32
    %dma_wait3A_266 = tpu.memref_slice %arg15[%dma_wait3A_264, %dma_wait3A_265] : memref<10016x128xbf16, #tpu.memory_space<vmem_shared>> -> memref<10016x128xbf16, #tpu.memory_space<vmem_shared>>
    tpu.wait_indirect_dma semaphore(%arg24 : memref<!tpu.dma_semaphore, #tpu.memory_space<semaphore_mem>>) src(%arg11 : memref<80x128xbf16, #tpu.memory_space<vmem>>) dst(%dma_wait3A_266 : memref<10016x128xbf16, #tpu.memory_space<vmem_shared>>)
    %dma_wait3A_267 = arith.constant 0 : i32
    %dma_wait3A_268 = arith.constant 0 : i32
    %dma_wait3A_269 = tpu.memref_slice %arg7[%dma_wait3A_267, %dma_wait3A_268] : memref<125x80xi32, #tpu.memory_space<vmem>> -> memref<1x80xi32, #tpu.memory_space<vmem>>
    %dma_wait3A_270 = tpu.memref_squeeze %dma_wait3A_269 : memref<1x80xi32, #tpu.memory_space<vmem>> -> memref<80xi32, #tpu.memory_space<vmem>>
    %dma_wait3A_271 = arith.constant 0 : i32
    %dma_wait3A_272 = arith.constant 0 : i32
    %dma_wait3A_273 = tpu.memref_slice %arg16[%dma_wait3A_271, %dma_wait3A_272] : memref<10016x16xf32, #tpu.memory_space<vmem_shared>> -> memref<10016x16xf32, #tpu.memory_space<vmem_shared>>
    tpu.wait_indirect_dma semaphore(%arg24 : memref<!tpu.dma_semaphore, #tpu.memory_space<semaphore_mem>>) src(%arg13 : memref<80x16xf32, #tpu.memory_space<vmem>>) dst(%dma_wait3A_273 : memref<10016x16xf32, #tpu.memory_space<vmem_shared>>)
    %dma_wait3A_274 = arith.constant 0 : i32
    %dma_wait3A_275 = arith.constant 0 : i32
    %dma_wait3A_276 = tpu.memref_slice %arg7[%dma_wait3A_274, %dma_wait3A_275] : memref<125x80xi32, #tpu.memory_space<vmem>> -> memref<1x80xi32, #tpu.memory_space<vmem>>
    %dma_wait3A_277 = tpu.memref_squeeze %dma_wait3A_276 : memref<1x80xi32, #tpu.memory_space<vmem>> -> memref<80xi32, #tpu.memory_space<vmem>>
    %dma_wait3A_278 = arith.constant 0 : i32
    %dma_wait3A_279 = arith.constant 0 : i32
    %dma_wait3A_280 = tpu.memref_slice %arg15[%dma_wait3A_278, %dma_wait3A_279] : memref<10016x128xbf16, #tpu.memory_space<vmem_shared>> -> memref<10016x128xbf16, #tpu.memory_space<vmem_shared>>
    tpu.wait_indirect_dma semaphore(%arg21 : memref<!tpu.dma_semaphore, #tpu.memory_space<semaphore_mem>>) src(%arg8 : memref<80x128xbf16, #tpu.memory_space<vmem>>) dst(%dma_wait3A_280 : memref<10016x128xbf16, #tpu.memory_space<vmem_shared>>)
    %dma_wait3A_281 = arith.constant 0 : i32
    %dma_wait3A_282 = arith.constant 0 : i32
    %dma_wait3A_283 = tpu.memref_slice %arg7[%dma_wait3A_281, %dma_wait3A_282] : memref<125x80xi32, #tpu.memory_space<vmem>> -> memref<1x80xi32, #tpu.memory_space<vmem>>
    %dma_wait3A_284 = tpu.memref_squeeze %dma_wait3A_283 : memref<1x80xi32, #tpu.memory_space<vmem>> -> memref<80xi32, #tpu.memory_space<vmem>>
    %dma_wait3A_285 = arith.constant 0 : i32
    %dma_wait3A_286 = arith.constant 0 : i32
    %dma_wait3A_287 = tpu.memref_slice %arg16[%dma_wait3A_285, %dma_wait3A_286] : memref<10016x16xf32, #tpu.memory_space<vmem_shared>> -> memref<10016x16xf32, #tpu.memory_space<vmem_shared>>
    tpu.wait_indirect_dma semaphore(%arg21 : memref<!tpu.dma_semaphore, #tpu.memory_space<semaphore_mem>>) src(%arg13 : memref<80x16xf32, #tpu.memory_space<vmem>>) dst(%dma_wait3A_287 : memref<10016x16xf32, #tpu.memory_space<vmem_shared>>)
    %barrier3A_288 = arith.constant 0 : index
    tpu.barrier barrier_id(%barrier3A_288)
    %mul3A_289 = arith.constant 624 : i32
    %mul3A_290 = arith.muli %arg1, %mul3A_289 : i32
    %multiple_of3A_291 = tpu.assume_multiple %mul3A_290, 8 : i32
    "tpu.region"() ({
      %run_scoped3A_297 = tpu.sem_alloc : memref<!tpu.dma_semaphore, #tpu.memory_space<semaphore_mem>>
      %dma_start3A_298 = arith.constant 0 : i32
      %dma_start3A_299 = arith.constant 0 : i32
      %dma_start3A_300 = tpu.memref_slice %arg4[%arg0, %dma_start3A_298, %dma_start3A_299] : memref<2x10000x128xbf16, #tpu.memory_space<hbm>> -> memref<1x10000x128xbf16, #tpu.memory_space<hbm>>
      %dma_start3A_301 = tpu.memref_squeeze %dma_start3A_300 : memref<1x10000x128xbf16, #tpu.memory_space<hbm>> -> memref<10000x128xbf16, #tpu.memory_space<hbm>>
      %dma_start3A_302 = arith.constant 0 : i32
      %dma_start3A_303 = tpu.memref_slice %dma_start3A_301[%multiple_of3A_291, %dma_start3A_302] : memref<10000x128xbf16, #tpu.memory_space<hbm>> -> memref<624x128xbf16, #tpu.memory_space<hbm>>
      %dma_start3A_304 = arith.constant 0 : i32
      %dma_start3A_305 = tpu.memref_slice %arg15[%multiple_of3A_291, %dma_start3A_304] : memref<10016x128xbf16, #tpu.memory_space<vmem_shared>> -> memref<624x128xbf16, #tpu.memory_space<vmem_shared>>
      tpu.enqueue_dma source(%dma_start3A_305 : memref<624x128xbf16, #tpu.memory_space<vmem_shared>>) target(%dma_start3A_303 : memref<624x128xbf16, #tpu.memory_space<hbm>>) target_semaphore(%run_scoped3A_297 : memref<!tpu.dma_semaphore, #tpu.memory_space<semaphore_mem>>)
      %dma_wait3A_306 = arith.constant 0 : i32
      %dma_wait3A_307 = arith.constant 0 : i32
      %dma_wait3A_308 = tpu.memref_slice %arg4[%arg0, %dma_wait3A_306, %dma_wait3A_307] : memref<2x10000x128xbf16, #tpu.memory_space<hbm>> -> memref<1x10000x128xbf16, #tpu.memory_space<hbm>>
      %dma_wait3A_309 = tpu.memref_squeeze %dma_wait3A_308 : memref<1x10000x128xbf16, #tpu.memory_space<hbm>> -> memref<10000x128xbf16, #tpu.memory_space<hbm>>
      %dma_wait3A_310 = arith.constant 0 : i32
      %dma_wait3A_311 = tpu.memref_slice %dma_wait3A_309[%multiple_of3A_291, %dma_wait3A_310] : memref<10000x128xbf16, #tpu.memory_space<hbm>> -> memref<624x128xbf16, #tpu.memory_space<hbm>>
      %dma_wait3A_312 = arith.constant 0 : i32
      %dma_wait3A_313 = tpu.memref_slice %arg15[%multiple_of3A_291, %dma_wait3A_312] : memref<10016x128xbf16, #tpu.memory_space<vmem_shared>> -> memref<624x128xbf16, #tpu.memory_space<vmem_shared>>
      tpu.wait_dma2 semaphore(%run_scoped3A_297 : memref<!tpu.dma_semaphore, #tpu.memory_space<semaphore_mem>>) src(%dma_wait3A_313 : memref<624x128xbf16, #tpu.memory_space<vmem_shared>>) dst(%dma_wait3A_311 : memref<624x128xbf16, #tpu.memory_space<hbm>>)
      tpu.yield
    }) : () -> ()
    "tpu.region"() ({
      %run_scoped3A_297 = tpu.sem_alloc : memref<!tpu.dma_semaphore, #tpu.memory_space<semaphore_mem>>
      %dma_start3A_298 = arith.constant 0 : i32
      %dma_start3A_299 = arith.constant 0 : i32
      %dma_start3A_300 = tpu.memref_slice %arg5[%arg0, %dma_start3A_298, %dma_start3A_299] : memref<2x10000x16xf32, #tpu.memory_space<hbm>> -> memref<1x10000x16xf32, #tpu.memory_space<hbm>>
      %dma_start3A_301 = tpu.memref_squeeze %dma_start3A_300 : memref<1x10000x16xf32, #tpu.memory_space<hbm>> -> memref<10000x16xf32, #tpu.memory_space<hbm>>
      %dma_start3A_302 = arith.constant 0 : i32
      %dma_start3A_303 = tpu.memref_slice %dma_start3A_301[%multiple_of3A_291, %dma_start3A_302] : memref<10000x16xf32, #tpu.memory_space<hbm>> -> memref<624x16xf32, #tpu.memory_space<hbm>>
      %dma_start3A_304 = arith.constant 0 : i32
      %dma_start3A_305 = tpu.memref_slice %arg16[%multiple_of3A_291, %dma_start3A_304] : memref<10016x16xf32, #tpu.memory_space<vmem_shared>> -> memref<624x16xf32, #tpu.memory_space<vmem_shared>>
      tpu.enqueue_dma source(%dma_start3A_305 : memref<624x16xf32, #tpu.memory_space<vmem_shared>>) target(%dma_start3A_303 : memref<624x16xf32, #tpu.memory_space<hbm>>) target_semaphore(%run_scoped3A_297 : memref<!tpu.dma_semaphore, #tpu.memory_space<semaphore_mem>>)
      %dma_wait3A_306 = arith.constant 0 : i32
      %dma_wait3A_307 = arith.constant 0 : i32
      %dma_wait3A_308 = tpu.memref_slice %arg5[%arg0, %dma_wait3A_306, %dma_wait3A_307] : memref<2x10000x16xf32, #tpu.memory_space<hbm>> -> memref<1x10000x16xf32, #tpu.memory_space<hbm>>
      %dma_wait3A_309 = tpu.memref_squeeze %dma_wait3A_308 : memref<1x10000x16xf32, #tpu.memory_space<hbm>> -> memref<10000x16xf32, #tpu.memory_space<hbm>>
      %dma_wait3A_310 = arith.constant 0 : i32
      %dma_wait3A_311 = tpu.memref_slice %dma_wait3A_309[%multiple_of3A_291, %dma_wait3A_310] : memref<10000x16xf32, #tpu.memory_space<hbm>> -> memref<624x16xf32, #tpu.memory_space<hbm>>
      %dma_wait3A_312 = arith.constant 0 : i32
      %dma_wait3A_313 = tpu.memref_slice %arg16[%multiple_of3A_291, %dma_wait3A_312] : memref<10016x16xf32, #tpu.memory_space<vmem_shared>> -> memref<624x16xf32, #tpu.memory_space<vmem_shared>>
      tpu.wait_dma2 semaphore(%run_scoped3A_297 : memref<!tpu.dma_semaphore, #tpu.memory_space<semaphore_mem>>) src(%dma_wait3A_313 : memref<624x16xf32, #tpu.memory_space<vmem_shared>>) dst(%dma_wait3A_311 : memref<624x16xf32, #tpu.memory_space<hbm>>)
      tpu.yield
    }) : () -> ()
    %eq3A_292 = arith.constant 15 : i32
    %eq3A_293 = arith.cmpi eq, %arg1, %eq3A_292 : i32
    %convert_element_type3A_294 = arith.extui %eq3A_293 : i1 to i32
    %cond3A_295 = arith.constant 0 : i32
    %cond3A_296 = arith.cmpi ne, %convert_element_type3A_294, %cond3A_295 : i32
    scf.if %cond3A_296 {
      "tpu.region"() ({
        %run_scoped3A_297 = tpu.sem_alloc : memref<!tpu.dma_semaphore, #tpu.memory_space<semaphore_mem>>
        %dma_start3A_298 = arith.constant 0 : i32
        %dma_start3A_299 = arith.constant 0 : i32
        %dma_start3A_300 = tpu.memref_slice %arg4[%arg0, %dma_start3A_298, %dma_start3A_299] : memref<2x10000x128xbf16, #tpu.memory_space<hbm>> -> memref<1x10000x128xbf16, #tpu.memory_space<hbm>>
        %dma_start3A_301 = tpu.memref_squeeze %dma_start3A_300 : memref<1x10000x128xbf16, #tpu.memory_space<hbm>> -> memref<10000x128xbf16, #tpu.memory_space<hbm>>
        %dma_start3A_302 = arith.constant 9984 : i32
        %dma_start3A_303 = arith.constant 0 : i32
        %dma_start3A_304 = tpu.memref_slice %dma_start3A_301[%dma_start3A_302, %dma_start3A_303] : memref<10000x128xbf16, #tpu.memory_space<hbm>> -> memref<16x128xbf16, #tpu.memory_space<hbm>>
        %dma_start3A_305 = arith.constant 9984 : i32
        %dma_start3A_306 = arith.constant 0 : i32
        %dma_start3A_307 = tpu.memref_slice %arg15[%dma_start3A_305, %dma_start3A_306] : memref<10016x128xbf16, #tpu.memory_space<vmem_shared>> -> memref<16x128xbf16, #tpu.memory_space<vmem_shared>>
        tpu.enqueue_dma source(%dma_start3A_307 : memref<16x128xbf16, #tpu.memory_space<vmem_shared>>) target(%dma_start3A_304 : memref<16x128xbf16, #tpu.memory_space<hbm>>) target_semaphore(%run_scoped3A_297 : memref<!tpu.dma_semaphore, #tpu.memory_space<semaphore_mem>>)
        %dma_wait3A_308 = arith.constant 0 : i32
        %dma_wait3A_309 = arith.constant 0 : i32
        %dma_wait3A_310 = tpu.memref_slice %arg4[%arg0, %dma_wait3A_308, %dma_wait3A_309] : memref<2x10000x128xbf16, #tpu.memory_space<hbm>> -> memref<1x10000x128xbf16, #tpu.memory_space<hbm>>
        %dma_wait3A_311 = tpu.memref_squeeze %dma_wait3A_310 : memref<1x10000x128xbf16, #tpu.memory_space<hbm>> -> memref<10000x128xbf16, #tpu.memory_space<hbm>>
        %dma_wait3A_312 = arith.constant 9984 : i32
        %dma_wait3A_313 = arith.constant 0 : i32
        %dma_wait3A_314 = tpu.memref_slice %dma_wait3A_311[%dma_wait3A_312, %dma_wait3A_313] : memref<10000x128xbf16, #tpu.memory_space<hbm>> -> memref<16x128xbf16, #tpu.memory_space<hbm>>
        %dma_wait3A_315 = arith.constant 9984 : i32
        %dma_wait3A_316 = arith.constant 0 : i32
        %dma_wait3A_317 = tpu.memref_slice %arg15[%dma_wait3A_315, %dma_wait3A_316] : memref<10016x128xbf16, #tpu.memory_space<vmem_shared>> -> memref<16x128xbf16, #tpu.memory_space<vmem_shared>>
        tpu.wait_dma2 semaphore(%run_scoped3A_297 : memref<!tpu.dma_semaphore, #tpu.memory_space<semaphore_mem>>) src(%dma_wait3A_317 : memref<16x128xbf16, #tpu.memory_space<vmem_shared>>) dst(%dma_wait3A_314 : memref<16x128xbf16, #tpu.memory_space<hbm>>)
        tpu.yield
      }) : () -> ()
      "tpu.region"() ({
        %run_scoped3A_297 = tpu.sem_alloc : memref<!tpu.dma_semaphore, #tpu.memory_space<semaphore_mem>>
        %dma_start3A_298 = arith.constant 0 : i32
        %dma_start3A_299 = arith.constant 0 : i32
        %dma_start3A_300 = tpu.memref_slice %arg5[%arg0, %dma_start3A_298, %dma_start3A_299] : memref<2x10000x16xf32, #tpu.memory_space<hbm>> -> memref<1x10000x16xf32, #tpu.memory_space<hbm>>
        %dma_start3A_301 = tpu.memref_squeeze %dma_start3A_300 : memref<1x10000x16xf32, #tpu.memory_space<hbm>> -> memref<10000x16xf32, #tpu.memory_space<hbm>>
        %dma_start3A_302 = arith.constant 9984 : i32
        %dma_start3A_303 = arith.constant 0 : i32
        %dma_start3A_304 = tpu.memref_slice %dma_start3A_301[%dma_start3A_302, %dma_start3A_303] : memref<10000x16xf32, #tpu.memory_space<hbm>> -> memref<16x16xf32, #tpu.memory_space<hbm>>
        %dma_start3A_305 = arith.constant 9984 : i32
        %dma_start3A_306 = arith.constant 0 : i32
        %dma_start3A_307 = tpu.memref_slice %arg16[%dma_start3A_305, %dma_start3A_306] : memref<10016x16xf32, #tpu.memory_space<vmem_shared>> -> memref<16x16xf32, #tpu.memory_space<vmem_shared>>
        tpu.enqueue_dma source(%dma_start3A_307 : memref<16x16xf32, #tpu.memory_space<vmem_shared>>) target(%dma_start3A_304 : memref<16x16xf32, #tpu.memory_space<hbm>>) target_semaphore(%run_scoped3A_297 : memref<!tpu.dma_semaphore, #tpu.memory_space<semaphore_mem>>)
        %dma_wait3A_308 = arith.constant 0 : i32
        %dma_wait3A_309 = arith.constant 0 : i32
        %dma_wait3A_310 = tpu.memref_slice %arg5[%arg0, %dma_wait3A_308, %dma_wait3A_309] : memref<2x10000x16xf32, #tpu.memory_space<hbm>> -> memref<1x10000x16xf32, #tpu.memory_space<hbm>>
        %dma_wait3A_311 = tpu.memref_squeeze %dma_wait3A_310 : memref<1x10000x16xf32, #tpu.memory_space<hbm>> -> memref<10000x16xf32, #tpu.memory_space<hbm>>
        %dma_wait3A_312 = arith.constant 9984 : i32
        %dma_wait3A_313 = arith.constant 0 : i32
        %dma_wait3A_314 = tpu.memref_slice %dma_wait3A_311[%dma_wait3A_312, %dma_wait3A_313] : memref<10000x16xf32, #tpu.memory_space<hbm>> -> memref<16x16xf32, #tpu.memory_space<hbm>>
        %dma_wait3A_315 = arith.constant 9984 : i32
        %dma_wait3A_316 = arith.constant 0 : i32
        %dma_wait3A_317 = tpu.memref_slice %arg16[%dma_wait3A_315, %dma_wait3A_316] : memref<10016x16xf32, #tpu.memory_space<vmem_shared>> -> memref<16x16xf32, #tpu.memory_space<vmem_shared>>
        tpu.wait_dma2 semaphore(%run_scoped3A_297 : memref<!tpu.dma_semaphore, #tpu.memory_space<semaphore_mem>>) src(%dma_wait3A_317 : memref<16x16xf32, #tpu.memory_space<vmem_shared>>) dst(%dma_wait3A_314 : memref<16x16xf32, #tpu.memory_space<hbm>>)
        tpu.yield
      }) : () -> ()
    } else {
    }
    return
  }
}

#map = affine_map<(d0, d1) -> (0, 0, 0, 0)>
#map1 = affine_map<(d0, d1) -> (0, 0)>
#map2 = affine_map<(d0, d1) -> (0, 0, 0)>
module attributes {stable_mosaic.version = 14 : i64} {
  func.func @body(%arg0: i32, %arg1: i32, %arg2: memref<2x32x125x80xi32, #tpu.memory_space<hbm>>, %arg3: memref<10000x128xbf16, #tpu.memory_space<hbm>>, %arg4: memref<2x10000x128xbf16, #tpu.memory_space<hbm>>, %arg5: memref<125x80xi32, #tpu.memory_space<vmem>>, %arg6: memref<125x80xi32, #tpu.memory_space<vmem>>, %arg7: memref<80x128xbf16, #tpu.memory_space<vmem>>, %arg8: memref<80x128xbf16, #tpu.memory_space<vmem>>, %arg9: memref<80x128xbf16, #tpu.memory_space<vmem>>, %arg10: memref<80x128xbf16, #tpu.memory_space<vmem>>, %arg11: memref<78x128xbf16, #tpu.memory_space<vmem>>, %arg12: memref<80x16xf32, #tpu.memory_space<vmem>>, %arg13: memref<78x16xf32, #tpu.memory_space<vmem>>, %arg14: memref<10016x128xbf16, #tpu.memory_space<vmem_shared>>, %arg15: memref<10016x16xf32, #tpu.memory_space<vmem_shared>>, %arg16: memref<!tpu.dma_semaphore, #tpu.memory_space<semaphore_mem>>, %arg17: memref<!tpu.dma_semaphore, #tpu.memory_space<semaphore_mem>>, %arg18: memref<!tpu.dma_semaphore, #tpu.memory_space<semaphore_mem>>, %arg19: memref<!tpu.dma_semaphore, #tpu.memory_space<semaphore_mem>>, %arg20: memref<!tpu.dma_semaphore, #tpu.memory_space<semaphore_mem>>, %arg21: memref<!tpu.dma_semaphore, #tpu.memory_space<semaphore_mem>>, %arg22: memref<!tpu.dma_semaphore, #tpu.memory_space<semaphore_mem>>, %arg23: memref<!tpu.dma_semaphore, #tpu.memory_space<semaphore_mem>>) attributes {dimension_semantics = [#tpu.dimension_semantics<core_parallel>, #tpu.dimension_semantics<subcore_parallel>], iteration_bounds = array<i64: 2, 16>, scalar_prefetch = 0 : i64, scratch_operands = 19 : i64, tpu.core_type = #tpu.core_type<sc_vector_subcore>, window_params = [{transform_indices = #map}, {transform_indices = #map1}, {transform_indices = #map2}]} {
    %mul3A = arith.constant 16 : i32
    %mul3A_0 = arith.muli %arg0, %mul3A : i32
    %add3A = arith.addi %mul3A_0, %arg1 : i32
    %run_scoped3A = arith.constant 0 : i32
    "tpu.region"() ({
      %run_scoped3A_195 = tpu.sem_alloc : memref<!tpu.dma_semaphore, #tpu.memory_space<semaphore_mem>>
      %dma_start3A_196 = arith.constant 0 : i32
      %dma_start3A_197 = arith.constant 0 : i32
      %dma_start3A_198 = arith.constant 0 : i32
      %dma_start3A_199 = tpu.memref_slice %arg2[%run_scoped3A, %dma_start3A_196, %dma_start3A_197, %dma_start3A_198] : memref<2x32x125x80xi32, #tpu.memory_space<hbm>> -> memref<1x32x125x80xi32, #tpu.memory_space<hbm>>
      %dma_start3A_200 = tpu.memref_squeeze %dma_start3A_199 : memref<1x32x125x80xi32, #tpu.memory_space<hbm>> -> memref<32x125x80xi32, #tpu.memory_space<hbm>>
      %dma_start3A_201 = arith.constant 0 : i32
      %dma_start3A_202 = arith.constant 0 : i32
      %dma_start3A_203 = tpu.memref_slice %dma_start3A_200[%add3A, %dma_start3A_201, %dma_start3A_202] : memref<32x125x80xi32, #tpu.memory_space<hbm>> -> memref<1x125x80xi32, #tpu.memory_space<hbm>>
      %dma_start3A_204 = tpu.memref_squeeze %dma_start3A_203 : memref<1x125x80xi32, #tpu.memory_space<hbm>> -> memref<125x80xi32, #tpu.memory_space<hbm>>
      %dma_start3A_205 = arith.constant 0 : i32
      %dma_start3A_206 = arith.constant 0 : i32
      %dma_start3A_207 = arith.constant 0 : i32
      %dma_start3A_208 = tpu.memref_slice %arg2[%run_scoped3A, %dma_start3A_205, %dma_start3A_206, %dma_start3A_207] : memref<2x32x125x80xi32, #tpu.memory_space<hbm>> -> memref<1x32x125x80xi32, #tpu.memory_space<hbm>>
      %dma_start3A_209 = tpu.memref_squeeze %dma_start3A_208 : memref<1x32x125x80xi32, #tpu.memory_space<hbm>> -> memref<32x125x80xi32, #tpu.memory_space<hbm>>
      %dma_start3A_210 = arith.constant 0 : i32
      %dma_start3A_211 = arith.constant 0 : i32
      %dma_start3A_212 = tpu.memref_slice %dma_start3A_209[%add3A, %dma_start3A_210, %dma_start3A_211] : memref<32x125x80xi32, #tpu.memory_space<hbm>> -> memref<1x125x80xi32, #tpu.memory_space<hbm>>
      %dma_start3A_213 = tpu.memref_squeeze %dma_start3A_212 : memref<1x125x80xi32, #tpu.memory_space<hbm>> -> memref<125x80xi32, #tpu.memory_space<hbm>>
      tpu.enqueue_dma source(%dma_start3A_213 : memref<125x80xi32, #tpu.memory_space<hbm>>) target(%arg5 : memref<125x80xi32, #tpu.memory_space<vmem>>) target_semaphore(%run_scoped3A_195 : memref<!tpu.dma_semaphore, #tpu.memory_space<semaphore_mem>>)
      %dma_wait3A_214 = arith.constant 0 : i32
      %dma_wait3A_215 = arith.constant 0 : i32
      %dma_wait3A_216 = arith.constant 0 : i32
      %dma_wait3A_217 = tpu.memref_slice %arg2[%run_scoped3A, %dma_wait3A_214, %dma_wait3A_215, %dma_wait3A_216] : memref<2x32x125x80xi32, #tpu.memory_space<hbm>> -> memref<1x32x125x80xi32, #tpu.memory_space<hbm>>
      %dma_wait3A_218 = tpu.memref_squeeze %dma_wait3A_217 : memref<1x32x125x80xi32, #tpu.memory_space<hbm>> -> memref<32x125x80xi32, #tpu.memory_space<hbm>>
      %dma_wait3A_219 = arith.constant 0 : i32
      %dma_wait3A_220 = arith.constant 0 : i32
      %dma_wait3A_221 = tpu.memref_slice %dma_wait3A_218[%add3A, %dma_wait3A_219, %dma_wait3A_220] : memref<32x125x80xi32, #tpu.memory_space<hbm>> -> memref<1x125x80xi32, #tpu.memory_space<hbm>>
      %dma_wait3A_222 = tpu.memref_squeeze %dma_wait3A_221 : memref<1x125x80xi32, #tpu.memory_space<hbm>> -> memref<125x80xi32, #tpu.memory_space<hbm>>
      %dma_wait3A_223 = arith.constant 0 : i32
      %dma_wait3A_224 = arith.constant 0 : i32
      %dma_wait3A_225 = arith.constant 0 : i32
      %dma_wait3A_226 = tpu.memref_slice %arg2[%run_scoped3A, %dma_wait3A_223, %dma_wait3A_224, %dma_wait3A_225] : memref<2x32x125x80xi32, #tpu.memory_space<hbm>> -> memref<1x32x125x80xi32, #tpu.memory_space<hbm>>
      %dma_wait3A_227 = tpu.memref_squeeze %dma_wait3A_226 : memref<1x32x125x80xi32, #tpu.memory_space<hbm>> -> memref<32x125x80xi32, #tpu.memory_space<hbm>>
      %dma_wait3A_228 = arith.constant 0 : i32
      %dma_wait3A_229 = arith.constant 0 : i32
      %dma_wait3A_230 = tpu.memref_slice %dma_wait3A_227[%add3A, %dma_wait3A_228, %dma_wait3A_229] : memref<32x125x80xi32, #tpu.memory_space<hbm>> -> memref<1x125x80xi32, #tpu.memory_space<hbm>>
      %dma_wait3A_231 = tpu.memref_squeeze %dma_wait3A_230 : memref<1x125x80xi32, #tpu.memory_space<hbm>> -> memref<125x80xi32, #tpu.memory_space<hbm>>
      tpu.wait_dma2 semaphore(%run_scoped3A_195 : memref<!tpu.dma_semaphore, #tpu.memory_space<semaphore_mem>>) src(%dma_wait3A_231 : memref<125x80xi32, #tpu.memory_space<hbm>>) dst(%arg5 : memref<125x80xi32, #tpu.memory_space<vmem>>)
      tpu.yield
    }) : () -> ()
    %run_scoped3A_1 = arith.constant 1 : i32
    "tpu.region"() ({
      %run_scoped3A_195 = tpu.sem_alloc : memref<!tpu.dma_semaphore, #tpu.memory_space<semaphore_mem>>
      %dma_start3A_196 = arith.constant 0 : i32
      %dma_start3A_197 = arith.constant 0 : i32
      %dma_start3A_198 = arith.constant 0 : i32
      %dma_start3A_199 = tpu.memref_slice %arg2[%run_scoped3A_1, %dma_start3A_196, %dma_start3A_197, %dma_start3A_198] : memref<2x32x125x80xi32, #tpu.memory_space<hbm>> -> memref<1x32x125x80xi32, #tpu.memory_space<hbm>>
      %dma_start3A_200 = tpu.memref_squeeze %dma_start3A_199 : memref<1x32x125x80xi32, #tpu.memory_space<hbm>> -> memref<32x125x80xi32, #tpu.memory_space<hbm>>
      %dma_start3A_201 = arith.constant 0 : i32
      %dma_start3A_202 = arith.constant 0 : i32
      %dma_start3A_203 = tpu.memref_slice %dma_start3A_200[%add3A, %dma_start3A_201, %dma_start3A_202] : memref<32x125x80xi32, #tpu.memory_space<hbm>> -> memref<1x125x80xi32, #tpu.memory_space<hbm>>
      %dma_start3A_204 = tpu.memref_squeeze %dma_start3A_203 : memref<1x125x80xi32, #tpu.memory_space<hbm>> -> memref<125x80xi32, #tpu.memory_space<hbm>>
      %dma_start3A_205 = arith.constant 0 : i32
      %dma_start3A_206 = arith.constant 0 : i32
      %dma_start3A_207 = arith.constant 0 : i32
      %dma_start3A_208 = tpu.memref_slice %arg2[%run_scoped3A_1, %dma_start3A_205, %dma_start3A_206, %dma_start3A_207] : memref<2x32x125x80xi32, #tpu.memory_space<hbm>> -> memref<1x32x125x80xi32, #tpu.memory_space<hbm>>
      %dma_start3A_209 = tpu.memref_squeeze %dma_start3A_208 : memref<1x32x125x80xi32, #tpu.memory_space<hbm>> -> memref<32x125x80xi32, #tpu.memory_space<hbm>>
      %dma_start3A_210 = arith.constant 0 : i32
      %dma_start3A_211 = arith.constant 0 : i32
      %dma_start3A_212 = tpu.memref_slice %dma_start3A_209[%add3A, %dma_start3A_210, %dma_start3A_211] : memref<32x125x80xi32, #tpu.memory_space<hbm>> -> memref<1x125x80xi32, #tpu.memory_space<hbm>>
      %dma_start3A_213 = tpu.memref_squeeze %dma_start3A_212 : memref<1x125x80xi32, #tpu.memory_space<hbm>> -> memref<125x80xi32, #tpu.memory_space<hbm>>
      tpu.enqueue_dma source(%dma_start3A_213 : memref<125x80xi32, #tpu.memory_space<hbm>>) target(%arg6 : memref<125x80xi32, #tpu.memory_space<vmem>>) target_semaphore(%run_scoped3A_195 : memref<!tpu.dma_semaphore, #tpu.memory_space<semaphore_mem>>)
      %dma_wait3A_214 = arith.constant 0 : i32
      %dma_wait3A_215 = arith.constant 0 : i32
      %dma_wait3A_216 = arith.constant 0 : i32
      %dma_wait3A_217 = tpu.memref_slice %arg2[%run_scoped3A_1, %dma_wait3A_214, %dma_wait3A_215, %dma_wait3A_216] : memref<2x32x125x80xi32, #tpu.memory_space<hbm>> -> memref<1x32x125x80xi32, #tpu.memory_space<hbm>>
      %dma_wait3A_218 = tpu.memref_squeeze %dma_wait3A_217 : memref<1x32x125x80xi32, #tpu.memory_space<hbm>> -> memref<32x125x80xi32, #tpu.memory_space<hbm>>
      %dma_wait3A_219 = arith.constant 0 : i32
      %dma_wait3A_220 = arith.constant 0 : i32
      %dma_wait3A_221 = tpu.memref_slice %dma_wait3A_218[%add3A, %dma_wait3A_219, %dma_wait3A_220] : memref<32x125x80xi32, #tpu.memory_space<hbm>> -> memref<1x125x80xi32, #tpu.memory_space<hbm>>
      %dma_wait3A_222 = tpu.memref_squeeze %dma_wait3A_221 : memref<1x125x80xi32, #tpu.memory_space<hbm>> -> memref<125x80xi32, #tpu.memory_space<hbm>>
      %dma_wait3A_223 = arith.constant 0 : i32
      %dma_wait3A_224 = arith.constant 0 : i32
      %dma_wait3A_225 = arith.constant 0 : i32
      %dma_wait3A_226 = tpu.memref_slice %arg2[%run_scoped3A_1, %dma_wait3A_223, %dma_wait3A_224, %dma_wait3A_225] : memref<2x32x125x80xi32, #tpu.memory_space<hbm>> -> memref<1x32x125x80xi32, #tpu.memory_space<hbm>>
      %dma_wait3A_227 = tpu.memref_squeeze %dma_wait3A_226 : memref<1x32x125x80xi32, #tpu.memory_space<hbm>> -> memref<32x125x80xi32, #tpu.memory_space<hbm>>
      %dma_wait3A_228 = arith.constant 0 : i32
      %dma_wait3A_229 = arith.constant 0 : i32
      %dma_wait3A_230 = tpu.memref_slice %dma_wait3A_227[%add3A, %dma_wait3A_228, %dma_wait3A_229] : memref<32x125x80xi32, #tpu.memory_space<hbm>> -> memref<1x125x80xi32, #tpu.memory_space<hbm>>
      %dma_wait3A_231 = tpu.memref_squeeze %dma_wait3A_230 : memref<1x125x80xi32, #tpu.memory_space<hbm>> -> memref<125x80xi32, #tpu.memory_space<hbm>>
      tpu.wait_dma2 semaphore(%run_scoped3A_195 : memref<!tpu.dma_semaphore, #tpu.memory_space<semaphore_mem>>) src(%dma_wait3A_231 : memref<125x80xi32, #tpu.memory_space<hbm>>) dst(%arg6 : memref<125x80xi32, #tpu.memory_space<vmem>>)
      tpu.yield
    }) : () -> ()
    %broadcast_in_dim3A = arith.constant 0.000000e+00 : bf16
    %broadcast_in_dim3A_2 = vector.broadcast %broadcast_in_dim3A : bf16 to vector<32xbf16>
    %scan3A = arith.constant 0 : i32
    %scan3A_3 = arith.constant 0 : i32
    %scan3A_4 = arith.constant 78 : i32
    %scan3A_5 = arith.addi %scan3A_3, %scan3A_4 : i32
    %scan3A_6 = arith.constant 1 : i32
    scf.for %scan3A_195 = %scan3A_3 to %scan3A_5 step %scan3A_6  : i32 {
      %swap3A = arith.index_cast %scan3A_195 : i32 to index
      %swap3A_196 = arith.constant 0 : index
      %swap3A_197 = tpu.vector_load %arg11[%swap3A, %swap3A_196] {strides = array<i32>} : memref<78x128xbf16, #tpu.memory_space<vmem>>, vector<1x32xbf16>,
      %swap3A_198 = vector.shape_cast %swap3A_197 : vector<1x32xbf16> to vector<32xbf16>
      %swap3A_199 = vector.shape_cast %broadcast_in_dim3A_2 : vector<32xbf16> to vector<1x32xbf16>
      tpu.vector_store %arg11[%swap3A, %swap3A_196], %swap3A_199 {strides = array<i32>} : memref<78x128xbf16, #tpu.memory_space<vmem>>, vector<1x32xbf16>,
      %swap3A_200 = arith.index_cast %scan3A_195 : i32 to index
      %swap3A_201 = arith.constant 32 : index
      %swap3A_202 = tpu.vector_load %arg11[%swap3A_200, %swap3A_201] {strides = array<i32>} : memref<78x128xbf16, #tpu.memory_space<vmem>>, vector<1x32xbf16>,
      %swap3A_203 = vector.shape_cast %swap3A_202 : vector<1x32xbf16> to vector<32xbf16>
      %swap3A_204 = vector.shape_cast %broadcast_in_dim3A_2 : vector<32xbf16> to vector<1x32xbf16>
      tpu.vector_store %arg11[%swap3A_200, %swap3A_201], %swap3A_204 {strides = array<i32>} : memref<78x128xbf16, #tpu.memory_space<vmem>>, vector<1x32xbf16>,
      %swap3A_205 = arith.index_cast %scan3A_195 : i32 to index
      %swap3A_206 = arith.constant 64 : index
      %swap3A_207 = tpu.vector_load %arg11[%swap3A_205, %swap3A_206] {strides = array<i32>} : memref<78x128xbf16, #tpu.memory_space<vmem>>, vector<1x32xbf16>,
      %swap3A_208 = vector.shape_cast %swap3A_207 : vector<1x32xbf16> to vector<32xbf16>
      %swap3A_209 = vector.shape_cast %broadcast_in_dim3A_2 : vector<32xbf16> to vector<1x32xbf16>
      tpu.vector_store %arg11[%swap3A_205, %swap3A_206], %swap3A_209 {strides = array<i32>} : memref<78x128xbf16, #tpu.memory_space<vmem>>, vector<1x32xbf16>,
      %swap3A_210 = arith.index_cast %scan3A_195 : i32 to index
      %swap3A_211 = arith.constant 96 : index
      %swap3A_212 = tpu.vector_load %arg11[%swap3A_210, %swap3A_211] {strides = array<i32>} : memref<78x128xbf16, #tpu.memory_space<vmem>>, vector<1x32xbf16>,
      %swap3A_213 = vector.shape_cast %swap3A_212 : vector<1x32xbf16> to vector<32xbf16>
      %swap3A_214 = vector.shape_cast %broadcast_in_dim3A_2 : vector<32xbf16> to vector<1x32xbf16>
      tpu.vector_store %arg11[%swap3A_210, %swap3A_211], %swap3A_214 {strides = array<i32>} : memref<78x128xbf16, #tpu.memory_space<vmem>>, vector<1x32xbf16>,
    }
    %scan3A_7 = arith.constant 78 : i32
    %mul3A_8 = arith.constant 624 : i32
    %mul3A_9 = arith.muli %arg1, %mul3A_8 : i32
    %multiple_of3A = tpu.assume_multiple %mul3A_9, 8 : i32
    %add3A_10 = arith.constant 0 : i32
    %add3A_11 = arith.addi %multiple_of3A, %add3A_10 : i32
    "tpu.region"() ({
      %run_scoped3A_195 = tpu.sem_alloc : memref<!tpu.dma_semaphore, #tpu.memory_space<semaphore_mem>>
      %dma_start3A_196 = arith.constant 0 : i32
      %dma_start3A_197 = tpu.memref_slice %arg14[%add3A_11, %dma_start3A_196] : memref<10016x128xbf16, #tpu.memory_space<vmem_shared>> -> memref<78x128xbf16, #tpu.memory_space<vmem_shared>>
      %dma_start3A_198 = arith.constant 0 : i32
      %dma_start3A_199 = tpu.memref_slice %arg14[%add3A_11, %dma_start3A_198] : memref<10016x128xbf16, #tpu.memory_space<vmem_shared>> -> memref<78x128xbf16, #tpu.memory_space<vmem_shared>>
      tpu.enqueue_dma source(%arg11 : memref<78x128xbf16, #tpu.memory_space<vmem>>) target(%dma_start3A_199 : memref<78x128xbf16, #tpu.memory_space<vmem_shared>>) target_semaphore(%run_scoped3A_195 : memref<!tpu.dma_semaphore, #tpu.memory_space<semaphore_mem>>)
      %dma_wait3A_200 = arith.constant 0 : i32
      %dma_wait3A_201 = tpu.memref_slice %arg14[%add3A_11, %dma_wait3A_200] : memref<10016x128xbf16, #tpu.memory_space<vmem_shared>> -> memref<78x128xbf16, #tpu.memory_space<vmem_shared>>
      %dma_wait3A_202 = arith.constant 0 : i32
      %dma_wait3A_203 = tpu.memref_slice %arg14[%add3A_11, %dma_wait3A_202] : memref<10016x128xbf16, #tpu.memory_space<vmem_shared>> -> memref<78x128xbf16, #tpu.memory_space<vmem_shared>>
      tpu.wait_dma2 semaphore(%run_scoped3A_195 : memref<!tpu.dma_semaphore, #tpu.memory_space<semaphore_mem>>) src(%arg11 : memref<78x128xbf16, #tpu.memory_space<vmem>>) dst(%dma_wait3A_203 : memref<78x128xbf16, #tpu.memory_space<vmem_shared>>)
      tpu.yield
    }) : () -> ()
    %add3A_12 = arith.constant 78 : i32
    %add3A_13 = arith.addi %multiple_of3A, %add3A_12 : i32
    "tpu.region"() ({
      %run_scoped3A_195 = tpu.sem_alloc : memref<!tpu.dma_semaphore, #tpu.memory_space<semaphore_mem>>
      %dma_start3A_196 = arith.constant 0 : i32
      %dma_start3A_197 = tpu.memref_slice %arg14[%add3A_13, %dma_start3A_196] : memref<10016x128xbf16, #tpu.memory_space<vmem_shared>> -> memref<78x128xbf16, #tpu.memory_space<vmem_shared>>
      %dma_start3A_198 = arith.constant 0 : i32
      %dma_start3A_199 = tpu.memref_slice %arg14[%add3A_13, %dma_start3A_198] : memref<10016x128xbf16, #tpu.memory_space<vmem_shared>> -> memref<78x128xbf16, #tpu.memory_space<vmem_shared>>
      tpu.enqueue_dma source(%arg11 : memref<78x128xbf16, #tpu.memory_space<vmem>>) target(%dma_start3A_199 : memref<78x128xbf16, #tpu.memory_space<vmem_shared>>) target_semaphore(%run_scoped3A_195 : memref<!tpu.dma_semaphore, #tpu.memory_space<semaphore_mem>>)
      %dma_wait3A_200 = arith.constant 0 : i32
      %dma_wait3A_201 = tpu.memref_slice %arg14[%add3A_13, %dma_wait3A_200] : memref<10016x128xbf16, #tpu.memory_space<vmem_shared>> -> memref<78x128xbf16, #tpu.memory_space<vmem_shared>>
      %dma_wait3A_202 = arith.constant 0 : i32
      %dma_wait3A_203 = tpu.memref_slice %arg14[%add3A_13, %dma_wait3A_202] : memref<10016x128xbf16, #tpu.memory_space<vmem_shared>> -> memref<78x128xbf16, #tpu.memory_space<vmem_shared>>
      tpu.wait_dma2 semaphore(%run_scoped3A_195 : memref<!tpu.dma_semaphore, #tpu.memory_space<semaphore_mem>>) src(%arg11 : memref<78x128xbf16, #tpu.memory_space<vmem>>) dst(%dma_wait3A_203 : memref<78x128xbf16, #tpu.memory_space<vmem_shared>>)
      tpu.yield
    }) : () -> ()
    %add3A_14 = arith.constant 156 : i32
    %add3A_15 = arith.addi %multiple_of3A, %add3A_14 : i32
    "tpu.region"() ({
      %run_scoped3A_195 = tpu.sem_alloc : memref<!tpu.dma_semaphore, #tpu.memory_space<semaphore_mem>>
      %dma_start3A_196 = arith.constant 0 : i32
      %dma_start3A_197 = tpu.memref_slice %arg14[%add3A_15, %dma_start3A_196] : memref<10016x128xbf16, #tpu.memory_space<vmem_shared>> -> memref<78x128xbf16, #tpu.memory_space<vmem_shared>>
      %dma_start3A_198 = arith.constant 0 : i32
      %dma_start3A_199 = tpu.memref_slice %arg14[%add3A_15, %dma_start3A_198] : memref<10016x128xbf16, #tpu.memory_space<vmem_shared>> -> memref<78x128xbf16, #tpu.memory_space<vmem_shared>>
      tpu.enqueue_dma source(%arg11 : memref<78x128xbf16, #tpu.memory_space<vmem>>) target(%dma_start3A_199 : memref<78x128xbf16, #tpu.memory_space<vmem_shared>>) target_semaphore(%run_scoped3A_195 : memref<!tpu.dma_semaphore, #tpu.memory_space<semaphore_mem>>)
      %dma_wait3A_200 = arith.constant 0 : i32
      %dma_wait3A_201 = tpu.memref_slice %arg14[%add3A_15, %dma_wait3A_200] : memref<10016x128xbf16, #tpu.memory_space<vmem_shared>> -> memref<78x128xbf16, #tpu.memory_space<vmem_shared>>
      %dma_wait3A_202 = arith.constant 0 : i32
      %dma_wait3A_203 = tpu.memref_slice %arg14[%add3A_15, %dma_wait3A_202] : memref<10016x128xbf16, #tpu.memory_space<vmem_shared>> -> memref<78x128xbf16, #tpu.memory_space<vmem_shared>>
      tpu.wait_dma2 semaphore(%run_scoped3A_195 : memref<!tpu.dma_semaphore, #tpu.memory_space<semaphore_mem>>) src(%arg11 : memref<78x128xbf16, #tpu.memory_space<vmem>>) dst(%dma_wait3A_203 : memref<78x128xbf16, #tpu.memory_space<vmem_shared>>)
      tpu.yield
    }) : () -> ()
    %add3A_16 = arith.constant 234 : i32
    %add3A_17 = arith.addi %multiple_of3A, %add3A_16 : i32
    "tpu.region"() ({
      %run_scoped3A_195 = tpu.sem_alloc : memref<!tpu.dma_semaphore, #tpu.memory_space<semaphore_mem>>
      %dma_start3A_196 = arith.constant 0 : i32
      %dma_start3A_197 = tpu.memref_slice %arg14[%add3A_17, %dma_start3A_196] : memref<10016x128xbf16, #tpu.memory_space<vmem_shared>> -> memref<78x128xbf16, #tpu.memory_space<vmem_shared>>
      %dma_start3A_198 = arith.constant 0 : i32
      %dma_start3A_199 = tpu.memref_slice %arg14[%add3A_17, %dma_start3A_198] : memref<10016x128xbf16, #tpu.memory_space<vmem_shared>> -> memref<78x128xbf16, #tpu.memory_space<vmem_shared>>
      tpu.enqueue_dma source(%arg11 : memref<78x128xbf16, #tpu.memory_space<vmem>>) target(%dma_start3A_199 : memref<78x128xbf16, #tpu.memory_space<vmem_shared>>) target_semaphore(%run_scoped3A_195 : memref<!tpu.dma_semaphore, #tpu.memory_space<semaphore_mem>>)
      %dma_wait3A_200 = arith.constant 0 : i32
      %dma_wait3A_201 = tpu.memref_slice %arg14[%add3A_17, %dma_wait3A_200] : memref<10016x128xbf16, #tpu.memory_space<vmem_shared>> -> memref<78x128xbf16, #tpu.memory_space<vmem_shared>>
      %dma_wait3A_202 = arith.constant 0 : i32
      %dma_wait3A_203 = tpu.memref_slice %arg14[%add3A_17, %dma_wait3A_202] : memref<10016x128xbf16, #tpu.memory_space<vmem_shared>> -> memref<78x128xbf16, #tpu.memory_space<vmem_shared>>
      tpu.wait_dma2 semaphore(%run_scoped3A_195 : memref<!tpu.dma_semaphore, #tpu.memory_space<semaphore_mem>>) src(%arg11 : memref<78x128xbf16, #tpu.memory_space<vmem>>) dst(%dma_wait3A_203 : memref<78x128xbf16, #tpu.memory_space<vmem_shared>>)
      tpu.yield
    }) : () -> ()
    %add3A_18 = arith.constant 312 : i32
    %add3A_19 = arith.addi %multiple_of3A, %add3A_18 : i32
    "tpu.region"() ({
      %run_scoped3A_195 = tpu.sem_alloc : memref<!tpu.dma_semaphore, #tpu.memory_space<semaphore_mem>>
      %dma_start3A_196 = arith.constant 0 : i32
      %dma_start3A_197 = tpu.memref_slice %arg14[%add3A_19, %dma_start3A_196] : memref<10016x128xbf16, #tpu.memory_space<vmem_shared>> -> memref<78x128xbf16, #tpu.memory_space<vmem_shared>>
      %dma_start3A_198 = arith.constant 0 : i32
      %dma_start3A_199 = tpu.memref_slice %arg14[%add3A_19, %dma_start3A_198] : memref<10016x128xbf16, #tpu.memory_space<vmem_shared>> -> memref<78x128xbf16, #tpu.memory_space<vmem_shared>>
      tpu.enqueue_dma source(%arg11 : memref<78x128xbf16, #tpu.memory_space<vmem>>) target(%dma_start3A_199 : memref<78x128xbf16, #tpu.memory_space<vmem_shared>>) target_semaphore(%run_scoped3A_195 : memref<!tpu.dma_semaphore, #tpu.memory_space<semaphore_mem>>)
      %dma_wait3A_200 = arith.constant 0 : i32
      %dma_wait3A_201 = tpu.memref_slice %arg14[%add3A_19, %dma_wait3A_200] : memref<10016x128xbf16, #tpu.memory_space<vmem_shared>> -> memref<78x128xbf16, #tpu.memory_space<vmem_shared>>
      %dma_wait3A_202 = arith.constant 0 : i32
      %dma_wait3A_203 = tpu.memref_slice %arg14[%add3A_19, %dma_wait3A_202] : memref<10016x128xbf16, #tpu.memory_space<vmem_shared>> -> memref<78x128xbf16, #tpu.memory_space<vmem_shared>>
      tpu.wait_dma2 semaphore(%run_scoped3A_195 : memref<!tpu.dma_semaphore, #tpu.memory_space<semaphore_mem>>) src(%arg11 : memref<78x128xbf16, #tpu.memory_space<vmem>>) dst(%dma_wait3A_203 : memref<78x128xbf16, #tpu.memory_space<vmem_shared>>)
      tpu.yield
    }) : () -> ()
    %add3A_20 = arith.constant 390 : i32
    %add3A_21 = arith.addi %multiple_of3A, %add3A_20 : i32
    "tpu.region"() ({
      %run_scoped3A_195 = tpu.sem_alloc : memref<!tpu.dma_semaphore, #tpu.memory_space<semaphore_mem>>
      %dma_start3A_196 = arith.constant 0 : i32
      %dma_start3A_197 = tpu.memref_slice %arg14[%add3A_21, %dma_start3A_196] : memref<10016x128xbf16, #tpu.memory_space<vmem_shared>> -> memref<78x128xbf16, #tpu.memory_space<vmem_shared>>
      %dma_start3A_198 = arith.constant 0 : i32
      %dma_start3A_199 = tpu.memref_slice %arg14[%add3A_21, %dma_start3A_198] : memref<10016x128xbf16, #tpu.memory_space<vmem_shared>> -> memref<78x128xbf16, #tpu.memory_space<vmem_shared>>
      tpu.enqueue_dma source(%arg11 : memref<78x128xbf16, #tpu.memory_space<vmem>>) target(%dma_start3A_199 : memref<78x128xbf16, #tpu.memory_space<vmem_shared>>) target_semaphore(%run_scoped3A_195 : memref<!tpu.dma_semaphore, #tpu.memory_space<semaphore_mem>>)
      %dma_wait3A_200 = arith.constant 0 : i32
      %dma_wait3A_201 = tpu.memref_slice %arg14[%add3A_21, %dma_wait3A_200] : memref<10016x128xbf16, #tpu.memory_space<vmem_shared>> -> memref<78x128xbf16, #tpu.memory_space<vmem_shared>>
      %dma_wait3A_202 = arith.constant 0 : i32
      %dma_wait3A_203 = tpu.memref_slice %arg14[%add3A_21, %dma_wait3A_202] : memref<10016x128xbf16, #tpu.memory_space<vmem_shared>> -> memref<78x128xbf16, #tpu.memory_space<vmem_shared>>
      tpu.wait_dma2 semaphore(%run_scoped3A_195 : memref<!tpu.dma_semaphore, #tpu.memory_space<semaphore_mem>>) src(%arg11 : memref<78x128xbf16, #tpu.memory_space<vmem>>) dst(%dma_wait3A_203 : memref<78x128xbf16, #tpu.memory_space<vmem_shared>>)
      tpu.yield
    }) : () -> ()
    %add3A_22 = arith.constant 468 : i32
    %add3A_23 = arith.addi %multiple_of3A, %add3A_22 : i32
    "tpu.region"() ({
      %run_scoped3A_195 = tpu.sem_alloc : memref<!tpu.dma_semaphore, #tpu.memory_space<semaphore_mem>>
      %dma_start3A_196 = arith.constant 0 : i32
      %dma_start3A_197 = tpu.memref_slice %arg14[%add3A_23, %dma_start3A_196] : memref<10016x128xbf16, #tpu.memory_space<vmem_shared>> -> memref<78x128xbf16, #tpu.memory_space<vmem_shared>>
      %dma_start3A_198 = arith.constant 0 : i32
      %dma_start3A_199 = tpu.memref_slice %arg14[%add3A_23, %dma_start3A_198] : memref<10016x128xbf16, #tpu.memory_space<vmem_shared>> -> memref<78x128xbf16, #tpu.memory_space<vmem_shared>>
      tpu.enqueue_dma source(%arg11 : memref<78x128xbf16, #tpu.memory_space<vmem>>) target(%dma_start3A_199 : memref<78x128xbf16, #tpu.memory_space<vmem_shared>>) target_semaphore(%run_scoped3A_195 : memref<!tpu.dma_semaphore, #tpu.memory_space<semaphore_mem>>)
      %dma_wait3A_200 = arith.constant 0 : i32
      %dma_wait3A_201 = tpu.memref_slice %arg14[%add3A_23, %dma_wait3A_200] : memref<10016x128xbf16, #tpu.memory_space<vmem_shared>> -> memref<78x128xbf16, #tpu.memory_space<vmem_shared>>
      %dma_wait3A_202 = arith.constant 0 : i32
      %dma_wait3A_203 = tpu.memref_slice %arg14[%add3A_23, %dma_wait3A_202] : memref<10016x128xbf16, #tpu.memory_space<vmem_shared>> -> memref<78x128xbf16, #tpu.memory_space<vmem_shared>>
      tpu.wait_dma2 semaphore(%run_scoped3A_195 : memref<!tpu.dma_semaphore, #tpu.memory_space<semaphore_mem>>) src(%arg11 : memref<78x128xbf16, #tpu.memory_space<vmem>>) dst(%dma_wait3A_203 : memref<78x128xbf16, #tpu.memory_space<vmem_shared>>)
      tpu.yield
    }) : () -> ()
    %add3A_24 = arith.constant 546 : i32
    %add3A_25 = arith.addi %multiple_of3A, %add3A_24 : i32
    "tpu.region"() ({
      %run_scoped3A_195 = tpu.sem_alloc : memref<!tpu.dma_semaphore, #tpu.memory_space<semaphore_mem>>
      %dma_start3A_196 = arith.constant 0 : i32
      %dma_start3A_197 = tpu.memref_slice %arg14[%add3A_25, %dma_start3A_196] : memref<10016x128xbf16, #tpu.memory_space<vmem_shared>> -> memref<78x128xbf16, #tpu.memory_space<vmem_shared>>
      %dma_start3A_198 = arith.constant 0 : i32
      %dma_start3A_199 = tpu.memref_slice %arg14[%add3A_25, %dma_start3A_198] : memref<10016x128xbf16, #tpu.memory_space<vmem_shared>> -> memref<78x128xbf16, #tpu.memory_space<vmem_shared>>
      tpu.enqueue_dma source(%arg11 : memref<78x128xbf16, #tpu.memory_space<vmem>>) target(%dma_start3A_199 : memref<78x128xbf16, #tpu.memory_space<vmem_shared>>) target_semaphore(%run_scoped3A_195 : memref<!tpu.dma_semaphore, #tpu.memory_space<semaphore_mem>>)
      %dma_wait3A_200 = arith.constant 0 : i32
      %dma_wait3A_201 = tpu.memref_slice %arg14[%add3A_25, %dma_wait3A_200] : memref<10016x128xbf16, #tpu.memory_space<vmem_shared>> -> memref<78x128xbf16, #tpu.memory_space<vmem_shared>>
      %dma_wait3A_202 = arith.constant 0 : i32
      %dma_wait3A_203 = tpu.memref_slice %arg14[%add3A_25, %dma_wait3A_202] : memref<10016x128xbf16, #tpu.memory_space<vmem_shared>> -> memref<78x128xbf16, #tpu.memory_space<vmem_shared>>
      tpu.wait_dma2 semaphore(%run_scoped3A_195 : memref<!tpu.dma_semaphore, #tpu.memory_space<semaphore_mem>>) src(%arg11 : memref<78x128xbf16, #tpu.memory_space<vmem>>) dst(%dma_wait3A_203 : memref<78x128xbf16, #tpu.memory_space<vmem_shared>>)
      tpu.yield
    }) : () -> ()
    %eq3A = arith.constant 15 : i32
    %eq3A_26 = arith.cmpi eq, %arg1, %eq3A : i32
    %convert_element_type3A = arith.extui %eq3A_26 : i1 to i32
    %cond3A = arith.constant 0 : i32
    %cond3A_27 = arith.cmpi ne, %convert_element_type3A, %cond3A : i32
    scf.if %cond3A_27 {
      "tpu.region"() ({
        %run_scoped3A_195 = tpu.sem_alloc : memref<!tpu.dma_semaphore, #tpu.memory_space<semaphore_mem>>
        %dma_start3A_196 = arith.constant 0 : i32
        %dma_start3A_197 = arith.constant 0 : i32
        %dma_start3A_198 = tpu.memref_slice %arg11[%dma_start3A_196, %dma_start3A_197] : memref<78x128xbf16, #tpu.memory_space<vmem>> -> memref<32x128xbf16, #tpu.memory_space<vmem>>
        %dma_start3A_199 = arith.constant 9984 : i32
        %dma_start3A_200 = arith.constant 0 : i32
        %dma_start3A_201 = tpu.memref_slice %arg14[%dma_start3A_199, %dma_start3A_200] : memref<10016x128xbf16, #tpu.memory_space<vmem_shared>> -> memref<32x128xbf16, #tpu.memory_space<vmem_shared>>
        %dma_start3A_202 = arith.constant 9984 : i32
        %dma_start3A_203 = arith.constant 0 : i32
        %dma_start3A_204 = tpu.memref_slice %arg14[%dma_start3A_202, %dma_start3A_203] : memref<10016x128xbf16, #tpu.memory_space<vmem_shared>> -> memref<32x128xbf16, #tpu.memory_space<vmem_shared>>
        %dma_start3A_205 = arith.constant 0 : i32
        %dma_start3A_206 = arith.constant 0 : i32
        %dma_start3A_207 = tpu.memref_slice %arg11[%dma_start3A_205, %dma_start3A_206] : memref<78x128xbf16, #tpu.memory_space<vmem>> -> memref<32x128xbf16, #tpu.memory_space<vmem>>
        tpu.enqueue_dma source(%dma_start3A_207 : memref<32x128xbf16, #tpu.memory_space<vmem>>) target(%dma_start3A_204 : memref<32x128xbf16, #tpu.memory_space<vmem_shared>>) target_semaphore(%run_scoped3A_195 : memref<!tpu.dma_semaphore, #tpu.memory_space<semaphore_mem>>)
        %dma_wait3A_208 = arith.constant 0 : i32
        %dma_wait3A_209 = arith.constant 0 : i32
        %dma_wait3A_210 = tpu.memref_slice %arg11[%dma_wait3A_208, %dma_wait3A_209] : memref<78x128xbf16, #tpu.memory_space<vmem>> -> memref<32x128xbf16, #tpu.memory_space<vmem>>
        %dma_wait3A_211 = arith.constant 9984 : i32
        %dma_wait3A_212 = arith.constant 0 : i32
        %dma_wait3A_213 = tpu.memref_slice %arg14[%dma_wait3A_211, %dma_wait3A_212] : memref<10016x128xbf16, #tpu.memory_space<vmem_shared>> -> memref<32x128xbf16, #tpu.memory_space<vmem_shared>>
        %dma_wait3A_214 = arith.constant 9984 : i32
        %dma_wait3A_215 = arith.constant 0 : i32
        %dma_wait3A_216 = tpu.memref_slice %arg14[%dma_wait3A_214, %dma_wait3A_215] : memref<10016x128xbf16, #tpu.memory_space<vmem_shared>> -> memref<32x128xbf16, #tpu.memory_space<vmem_shared>>
        %dma_wait3A_217 = arith.constant 0 : i32
        %dma_wait3A_218 = arith.constant 0 : i32
        %dma_wait3A_219 = tpu.memref_slice %arg11[%dma_wait3A_217, %dma_wait3A_218] : memref<78x128xbf16, #tpu.memory_space<vmem>> -> memref<32x128xbf16, #tpu.memory_space<vmem>>
        tpu.wait_dma2 semaphore(%run_scoped3A_195 : memref<!tpu.dma_semaphore, #tpu.memory_space<semaphore_mem>>) src(%dma_wait3A_219 : memref<32x128xbf16, #tpu.memory_space<vmem>>) dst(%dma_wait3A_216 : memref<32x128xbf16, #tpu.memory_space<vmem_shared>>)
        tpu.yield
      }) : () -> ()
    } else {
    }
    %barrier3A = arith.constant 0 : index
    tpu.barrier barrier_id(%barrier3A)
    %dma_start3A = arith.constant 0 : i32
    %dma_start3A_28 = arith.constant 0 : i32
    %dma_start3A_29 = tpu.memref_slice %arg5[%dma_start3A, %dma_start3A_28] : memref<125x80xi32, #tpu.memory_space<vmem>> -> memref<1x80xi32, #tpu.memory_space<vmem>>
    %dma_start3A_30 = tpu.memref_squeeze %dma_start3A_29 : memref<1x80xi32, #tpu.memory_space<vmem>> -> memref<80xi32, #tpu.memory_space<vmem>>
    %dma_start3A_31 = arith.constant 0 : i32
    %dma_start3A_32 = arith.constant 0 : i32
    %dma_start3A_33 = tpu.memref_slice %arg3[%dma_start3A_31, %dma_start3A_32] : memref<10000x128xbf16, #tpu.memory_space<hbm>> -> memref<10000x128xbf16, #tpu.memory_space<hbm>>
    tpu.enqueue_indirect_dma source(%dma_start3A_33 : memref<10000x128xbf16, #tpu.memory_space<hbm>>) target(%arg7 : memref<80x128xbf16, #tpu.memory_space<vmem>>) offsets(%dma_start3A_30 : memref<80xi32, #tpu.memory_space<vmem>>) semaphore(%arg16 : memref<!tpu.dma_semaphore, #tpu.memory_space<semaphore_mem>>)
    %dma_start3A_34 = arith.constant 1 : i32
    %dma_start3A_35 = arith.constant 0 : i32
    %dma_start3A_36 = tpu.memref_slice %arg5[%dma_start3A_34, %dma_start3A_35] : memref<125x80xi32, #tpu.memory_space<vmem>> -> memref<1x80xi32, #tpu.memory_space<vmem>>
    %dma_start3A_37 = tpu.memref_squeeze %dma_start3A_36 : memref<1x80xi32, #tpu.memory_space<vmem>> -> memref<80xi32, #tpu.memory_space<vmem>>
    %dma_start3A_38 = arith.constant 0 : i32
    %dma_start3A_39 = arith.constant 0 : i32
    %dma_start3A_40 = tpu.memref_slice %arg3[%dma_start3A_38, %dma_start3A_39] : memref<10000x128xbf16, #tpu.memory_space<hbm>> -> memref<10000x128xbf16, #tpu.memory_space<hbm>>
    tpu.enqueue_indirect_dma source(%dma_start3A_40 : memref<10000x128xbf16, #tpu.memory_space<hbm>>) target(%arg8 : memref<80x128xbf16, #tpu.memory_space<vmem>>) offsets(%dma_start3A_37 : memref<80xi32, #tpu.memory_space<vmem>>) semaphore(%arg17 : memref<!tpu.dma_semaphore, #tpu.memory_space<semaphore_mem>>)
    %dma_start3A_41 = arith.constant 2 : i32
    %dma_start3A_42 = arith.constant 0 : i32
    %dma_start3A_43 = tpu.memref_slice %arg5[%dma_start3A_41, %dma_start3A_42] : memref<125x80xi32, #tpu.memory_space<vmem>> -> memref<1x80xi32, #tpu.memory_space<vmem>>
    %dma_start3A_44 = tpu.memref_squeeze %dma_start3A_43 : memref<1x80xi32, #tpu.memory_space<vmem>> -> memref<80xi32, #tpu.memory_space<vmem>>
    %dma_start3A_45 = arith.constant 0 : i32
    %dma_start3A_46 = arith.constant 0 : i32
    %dma_start3A_47 = tpu.memref_slice %arg3[%dma_start3A_45, %dma_start3A_46] : memref<10000x128xbf16, #tpu.memory_space<hbm>> -> memref<10000x128xbf16, #tpu.memory_space<hbm>>
    tpu.enqueue_indirect_dma source(%dma_start3A_47 : memref<10000x128xbf16, #tpu.memory_space<hbm>>) target(%arg9 : memref<80x128xbf16, #tpu.memory_space<vmem>>) offsets(%dma_start3A_44 : memref<80xi32, #tpu.memory_space<vmem>>) semaphore(%arg18 : memref<!tpu.dma_semaphore, #tpu.memory_space<semaphore_mem>>)
    %dma_wait3A = arith.constant 0 : i32
    %dma_wait3A_48 = arith.constant 0 : i32
    %dma_wait3A_49 = tpu.memref_slice %arg5[%dma_wait3A, %dma_wait3A_48] : memref<125x80xi32, #tpu.memory_space<vmem>> -> memref<1x80xi32, #tpu.memory_space<vmem>>
    %dma_wait3A_50 = tpu.memref_squeeze %dma_wait3A_49 : memref<1x80xi32, #tpu.memory_space<vmem>> -> memref<80xi32, #tpu.memory_space<vmem>>
    %dma_wait3A_51 = arith.constant 0 : i32
    %dma_wait3A_52 = arith.constant 0 : i32
    %dma_wait3A_53 = tpu.memref_slice %arg3[%dma_wait3A_51, %dma_wait3A_52] : memref<10000x128xbf16, #tpu.memory_space<hbm>> -> memref<10000x128xbf16, #tpu.memory_space<hbm>>
    tpu.wait_indirect_dma semaphore(%arg16 : memref<!tpu.dma_semaphore, #tpu.memory_space<semaphore_mem>>) src(%dma_wait3A_53 : memref<10000x128xbf16, #tpu.memory_space<hbm>>) dst(%arg7 : memref<80x128xbf16, #tpu.memory_space<vmem>>)
    %dma_start3A_54 = arith.constant 0 : i32
    %dma_start3A_55 = arith.constant 0 : i32
    %dma_start3A_56 = tpu.memref_slice %arg6[%dma_start3A_54, %dma_start3A_55] : memref<125x80xi32, #tpu.memory_space<vmem>> -> memref<1x80xi32, #tpu.memory_space<vmem>>
    %dma_start3A_57 = tpu.memref_squeeze %dma_start3A_56 : memref<1x80xi32, #tpu.memory_space<vmem>> -> memref<80xi32, #tpu.memory_space<vmem>>
    %dma_start3A_58 = arith.constant 0 : i32
    %dma_start3A_59 = arith.constant 0 : i32
    %dma_start3A_60 = tpu.memref_slice %arg14[%dma_start3A_58, %dma_start3A_59] : memref<10016x128xbf16, #tpu.memory_space<vmem_shared>> -> memref<10016x128xbf16, #tpu.memory_space<vmem_shared>>
    tpu.enqueue_indirect_dma source(%arg7 : memref<80x128xbf16, #tpu.memory_space<vmem>>) target(%dma_start3A_60 : memref<10016x128xbf16, #tpu.memory_space<vmem_shared>>) offsets(%dma_start3A_57 : memref<80xi32, #tpu.memory_space<vmem>>) semaphore(%arg20 : memref<!tpu.dma_semaphore, #tpu.memory_space<semaphore_mem>>) {add = true}
    %dma_start3A_61 = arith.constant 3 : i32
    %dma_start3A_62 = arith.constant 0 : i32
    %dma_start3A_63 = tpu.memref_slice %arg5[%dma_start3A_61, %dma_start3A_62] : memref<125x80xi32, #tpu.memory_space<vmem>> -> memref<1x80xi32, #tpu.memory_space<vmem>>
    %dma_start3A_64 = tpu.memref_squeeze %dma_start3A_63 : memref<1x80xi32, #tpu.memory_space<vmem>> -> memref<80xi32, #tpu.memory_space<vmem>>
    %dma_start3A_65 = arith.constant 0 : i32
    %dma_start3A_66 = arith.constant 0 : i32
    %dma_start3A_67 = tpu.memref_slice %arg3[%dma_start3A_65, %dma_start3A_66] : memref<10000x128xbf16, #tpu.memory_space<hbm>> -> memref<10000x128xbf16, #tpu.memory_space<hbm>>
    tpu.enqueue_indirect_dma source(%dma_start3A_67 : memref<10000x128xbf16, #tpu.memory_space<hbm>>) target(%arg10 : memref<80x128xbf16, #tpu.memory_space<vmem>>) offsets(%dma_start3A_64 : memref<80xi32, #tpu.memory_space<vmem>>) semaphore(%arg19 : memref<!tpu.dma_semaphore, #tpu.memory_space<semaphore_mem>>)
    %dma_wait3A_68 = arith.constant 0 : i32
    %dma_wait3A_69 = arith.constant 0 : i32
    %dma_wait3A_70 = tpu.memref_slice %arg5[%dma_wait3A_68, %dma_wait3A_69] : memref<125x80xi32, #tpu.memory_space<vmem>> -> memref<1x80xi32, #tpu.memory_space<vmem>>
    %dma_wait3A_71 = tpu.memref_squeeze %dma_wait3A_70 : memref<1x80xi32, #tpu.memory_space<vmem>> -> memref<80xi32, #tpu.memory_space<vmem>>
    %dma_wait3A_72 = arith.constant 0 : i32
    %dma_wait3A_73 = arith.constant 0 : i32
    %dma_wait3A_74 = tpu.memref_slice %arg3[%dma_wait3A_72, %dma_wait3A_73] : memref<10000x128xbf16, #tpu.memory_space<hbm>> -> memref<10000x128xbf16, #tpu.memory_space<hbm>>
    tpu.wait_indirect_dma semaphore(%arg17 : memref<!tpu.dma_semaphore, #tpu.memory_space<semaphore_mem>>) src(%dma_wait3A_74 : memref<10000x128xbf16, #tpu.memory_space<hbm>>) dst(%arg8 : memref<80x128xbf16, #tpu.memory_space<vmem>>)
    %dma_start3A_75 = arith.constant 1 : i32
    %dma_start3A_76 = arith.constant 0 : i32
    %dma_start3A_77 = tpu.memref_slice %arg6[%dma_start3A_75, %dma_start3A_76] : memref<125x80xi32, #tpu.memory_space<vmem>> -> memref<1x80xi32, #tpu.memory_space<vmem>>
    %dma_start3A_78 = tpu.memref_squeeze %dma_start3A_77 : memref<1x80xi32, #tpu.memory_space<vmem>> -> memref<80xi32, #tpu.memory_space<vmem>>
    %dma_start3A_79 = arith.constant 0 : i32
    %dma_start3A_80 = arith.constant 0 : i32
    %dma_start3A_81 = tpu.memref_slice %arg14[%dma_start3A_79, %dma_start3A_80] : memref<10016x128xbf16, #tpu.memory_space<vmem_shared>> -> memref<10016x128xbf16, #tpu.memory_space<vmem_shared>>
    tpu.enqueue_indirect_dma source(%arg8 : memref<80x128xbf16, #tpu.memory_space<vmem>>) target(%dma_start3A_81 : memref<10016x128xbf16, #tpu.memory_space<vmem_shared>>) offsets(%dma_start3A_78 : memref<80xi32, #tpu.memory_space<vmem>>) semaphore(%arg21 : memref<!tpu.dma_semaphore, #tpu.memory_space<semaphore_mem>>) {add = true}
    %dma_wait3A_82 = arith.constant 0 : i32
    %dma_wait3A_83 = arith.constant 0 : i32
    %dma_wait3A_84 = tpu.memref_slice %arg6[%dma_wait3A_82, %dma_wait3A_83] : memref<125x80xi32, #tpu.memory_space<vmem>> -> memref<1x80xi32, #tpu.memory_space<vmem>>
    %dma_wait3A_85 = tpu.memref_squeeze %dma_wait3A_84 : memref<1x80xi32, #tpu.memory_space<vmem>> -> memref<80xi32, #tpu.memory_space<vmem>>
    %dma_wait3A_86 = arith.constant 0 : i32
    %dma_wait3A_87 = arith.constant 0 : i32
    %dma_wait3A_88 = tpu.memref_slice %arg14[%dma_wait3A_86, %dma_wait3A_87] : memref<10016x128xbf16, #tpu.memory_space<vmem_shared>> -> memref<10016x128xbf16, #tpu.memory_space<vmem_shared>>
    tpu.wait_indirect_dma semaphore(%arg20 : memref<!tpu.dma_semaphore, #tpu.memory_space<semaphore_mem>>) src(%arg7 : memref<80x128xbf16, #tpu.memory_space<vmem>>) dst(%dma_wait3A_88 : memref<10016x128xbf16, #tpu.memory_space<vmem_shared>>)
    %dma_start3A_89 = arith.constant 4 : i32
    %dma_start3A_90 = arith.constant 0 : i32
    %dma_start3A_91 = tpu.memref_slice %arg5[%dma_start3A_89, %dma_start3A_90] : memref<125x80xi32, #tpu.memory_space<vmem>> -> memref<1x80xi32, #tpu.memory_space<vmem>>
    %dma_start3A_92 = tpu.memref_squeeze %dma_start3A_91 : memref<1x80xi32, #tpu.memory_space<vmem>> -> memref<80xi32, #tpu.memory_space<vmem>>
    %dma_start3A_93 = arith.constant 0 : i32
    %dma_start3A_94 = arith.constant 0 : i32
    %dma_start3A_95 = tpu.memref_slice %arg3[%dma_start3A_93, %dma_start3A_94] : memref<10000x128xbf16, #tpu.memory_space<hbm>> -> memref<10000x128xbf16, #tpu.memory_space<hbm>>
    tpu.enqueue_indirect_dma source(%dma_start3A_95 : memref<10000x128xbf16, #tpu.memory_space<hbm>>) target(%arg7 : memref<80x128xbf16, #tpu.memory_space<vmem>>) offsets(%dma_start3A_92 : memref<80xi32, #tpu.memory_space<vmem>>) semaphore(%arg16 : memref<!tpu.dma_semaphore, #tpu.memory_space<semaphore_mem>>)
    %dma_wait3A_96 = arith.constant 0 : i32
    %dma_wait3A_97 = arith.constant 0 : i32
    %dma_wait3A_98 = tpu.memref_slice %arg5[%dma_wait3A_96, %dma_wait3A_97] : memref<125x80xi32, #tpu.memory_space<vmem>> -> memref<1x80xi32, #tpu.memory_space<vmem>>
    %dma_wait3A_99 = tpu.memref_squeeze %dma_wait3A_98 : memref<1x80xi32, #tpu.memory_space<vmem>> -> memref<80xi32, #tpu.memory_space<vmem>>
    %dma_wait3A_100 = arith.constant 0 : i32
    %dma_wait3A_101 = arith.constant 0 : i32
    %dma_wait3A_102 = tpu.memref_slice %arg3[%dma_wait3A_100, %dma_wait3A_101] : memref<10000x128xbf16, #tpu.memory_space<hbm>> -> memref<10000x128xbf16, #tpu.memory_space<hbm>>
    tpu.wait_indirect_dma semaphore(%arg18 : memref<!tpu.dma_semaphore, #tpu.memory_space<semaphore_mem>>) src(%dma_wait3A_102 : memref<10000x128xbf16, #tpu.memory_space<hbm>>) dst(%arg9 : memref<80x128xbf16, #tpu.memory_space<vmem>>)
    %dma_start3A_103 = arith.constant 2 : i32
    %dma_start3A_104 = arith.constant 0 : i32
    %dma_start3A_105 = tpu.memref_slice %arg6[%dma_start3A_103, %dma_start3A_104] : memref<125x80xi32, #tpu.memory_space<vmem>> -> memref<1x80xi32, #tpu.memory_space<vmem>>
    %dma_start3A_106 = tpu.memref_squeeze %dma_start3A_105 : memref<1x80xi32, #tpu.memory_space<vmem>> -> memref<80xi32, #tpu.memory_space<vmem>>
    %dma_start3A_107 = arith.constant 0 : i32
    %dma_start3A_108 = arith.constant 0 : i32
    %dma_start3A_109 = tpu.memref_slice %arg14[%dma_start3A_107, %dma_start3A_108] : memref<10016x128xbf16, #tpu.memory_space<vmem_shared>> -> memref<10016x128xbf16, #tpu.memory_space<vmem_shared>>
    tpu.enqueue_indirect_dma source(%arg9 : memref<80x128xbf16, #tpu.memory_space<vmem>>) target(%dma_start3A_109 : memref<10016x128xbf16, #tpu.memory_space<vmem_shared>>) offsets(%dma_start3A_106 : memref<80xi32, #tpu.memory_space<vmem>>) semaphore(%arg22 : memref<!tpu.dma_semaphore, #tpu.memory_space<semaphore_mem>>) {add = true}
    %dma_wait3A_110 = arith.constant 0 : i32
    %dma_wait3A_111 = arith.constant 0 : i32
    %dma_wait3A_112 = tpu.memref_slice %arg6[%dma_wait3A_110, %dma_wait3A_111] : memref<125x80xi32, #tpu.memory_space<vmem>> -> memref<1x80xi32, #tpu.memory_space<vmem>>
    %dma_wait3A_113 = tpu.memref_squeeze %dma_wait3A_112 : memref<1x80xi32, #tpu.memory_space<vmem>> -> memref<80xi32, #tpu.memory_space<vmem>>
    %dma_wait3A_114 = arith.constant 0 : i32
    %dma_wait3A_115 = arith.constant 0 : i32
    %dma_wait3A_116 = tpu.memref_slice %arg14[%dma_wait3A_114, %dma_wait3A_115] : memref<10016x128xbf16, #tpu.memory_space<vmem_shared>> -> memref<10016x128xbf16, #tpu.memory_space<vmem_shared>>
    tpu.wait_indirect_dma semaphore(%arg21 : memref<!tpu.dma_semaphore, #tpu.memory_space<semaphore_mem>>) src(%arg8 : memref<80x128xbf16, #tpu.memory_space<vmem>>) dst(%dma_wait3A_116 : memref<10016x128xbf16, #tpu.memory_space<vmem_shared>>)
    %dma_start3A_117 = arith.constant 5 : i32
    %dma_start3A_118 = arith.constant 0 : i32
    %dma_start3A_119 = tpu.memref_slice %arg5[%dma_start3A_117, %dma_start3A_118] : memref<125x80xi32, #tpu.memory_space<vmem>> -> memref<1x80xi32, #tpu.memory_space<vmem>>
    %dma_start3A_120 = tpu.memref_squeeze %dma_start3A_119 : memref<1x80xi32, #tpu.memory_space<vmem>> -> memref<80xi32, #tpu.memory_space<vmem>>
    %dma_start3A_121 = arith.constant 0 : i32
    %dma_start3A_122 = arith.constant 0 : i32
    %dma_start3A_123 = tpu.memref_slice %arg3[%dma_start3A_121, %dma_start3A_122] : memref<10000x128xbf16, #tpu.memory_space<hbm>> -> memref<10000x128xbf16, #tpu.memory_space<hbm>>
    tpu.enqueue_indirect_dma source(%dma_start3A_123 : memref<10000x128xbf16, #tpu.memory_space<hbm>>) target(%arg8 : memref<80x128xbf16, #tpu.memory_space<vmem>>) offsets(%dma_start3A_120 : memref<80xi32, #tpu.memory_space<vmem>>) semaphore(%arg17 : memref<!tpu.dma_semaphore, #tpu.memory_space<semaphore_mem>>)
    %dma_wait3A_124 = arith.constant 0 : i32
    %dma_wait3A_125 = arith.constant 0 : i32
    %dma_wait3A_126 = tpu.memref_slice %arg5[%dma_wait3A_124, %dma_wait3A_125] : memref<125x80xi32, #tpu.memory_space<vmem>> -> memref<1x80xi32, #tpu.memory_space<vmem>>
    %dma_wait3A_127 = tpu.memref_squeeze %dma_wait3A_126 : memref<1x80xi32, #tpu.memory_space<vmem>> -> memref<80xi32, #tpu.memory_space<vmem>>
    %dma_wait3A_128 = arith.constant 0 : i32
    %dma_wait3A_129 = arith.constant 0 : i32
    %dma_wait3A_130 = tpu.memref_slice %arg3[%dma_wait3A_128, %dma_wait3A_129] : memref<10000x128xbf16, #tpu.memory_space<hbm>> -> memref<10000x128xbf16, #tpu.memory_space<hbm>>
    tpu.wait_indirect_dma semaphore(%arg19 : memref<!tpu.dma_semaphore, #tpu.memory_space<semaphore_mem>>) src(%dma_wait3A_130 : memref<10000x128xbf16, #tpu.memory_space<hbm>>) dst(%arg10 : memref<80x128xbf16, #tpu.memory_space<vmem>>)
    %dma_start3A_131 = arith.constant 3 : i32
    %dma_start3A_132 = arith.constant 0 : i32
    %dma_start3A_133 = tpu.memref_slice %arg6[%dma_start3A_131, %dma_start3A_132] : memref<125x80xi32, #tpu.memory_space<vmem>> -> memref<1x80xi32, #tpu.memory_space<vmem>>
    %dma_start3A_134 = tpu.memref_squeeze %dma_start3A_133 : memref<1x80xi32, #tpu.memory_space<vmem>> -> memref<80xi32, #tpu.memory_space<vmem>>
    %dma_start3A_135 = arith.constant 0 : i32
    %dma_start3A_136 = arith.constant 0 : i32
    %dma_start3A_137 = tpu.memref_slice %arg14[%dma_start3A_135, %dma_start3A_136] : memref<10016x128xbf16, #tpu.memory_space<vmem_shared>> -> memref<10016x128xbf16, #tpu.memory_space<vmem_shared>>
    tpu.enqueue_indirect_dma source(%arg10 : memref<80x128xbf16, #tpu.memory_space<vmem>>) target(%dma_start3A_137 : memref<10016x128xbf16, #tpu.memory_space<vmem_shared>>) offsets(%dma_start3A_134 : memref<80xi32, #tpu.memory_space<vmem>>) semaphore(%arg23 : memref<!tpu.dma_semaphore, #tpu.memory_space<semaphore_mem>>) {add = true}
    %dma_wait3A_138 = arith.constant 0 : i32
    %dma_wait3A_139 = arith.constant 0 : i32
    %dma_wait3A_140 = tpu.memref_slice %arg6[%dma_wait3A_138, %dma_wait3A_139] : memref<125x80xi32, #tpu.memory_space<vmem>> -> memref<1x80xi32, #tpu.memory_space<vmem>>
    %dma_wait3A_141 = tpu.memref_squeeze %dma_wait3A_140 : memref<1x80xi32, #tpu.memory_space<vmem>> -> memref<80xi32, #tpu.memory_space<vmem>>
    %dma_wait3A_142 = arith.constant 0 : i32
    %dma_wait3A_143 = arith.constant 0 : i32
    %dma_wait3A_144 = tpu.memref_slice %arg14[%dma_wait3A_142, %dma_wait3A_143] : memref<10016x128xbf16, #tpu.memory_space<vmem_shared>> -> memref<10016x128xbf16, #tpu.memory_space<vmem_shared>>
    tpu.wait_indirect_dma semaphore(%arg22 : memref<!tpu.dma_semaphore, #tpu.memory_space<semaphore_mem>>) src(%arg9 : memref<80x128xbf16, #tpu.memory_space<vmem>>) dst(%dma_wait3A_144 : memref<10016x128xbf16, #tpu.memory_space<vmem_shared>>)
    %dma_start3A_145 = arith.constant 6 : i32
    %dma_start3A_146 = arith.constant 0 : i32
    %dma_start3A_147 = tpu.memref_slice %arg5[%dma_start3A_145, %dma_start3A_146] : memref<125x80xi32, #tpu.memory_space<vmem>> -> memref<1x80xi32, #tpu.memory_space<vmem>>
    %dma_start3A_148 = tpu.memref_squeeze %dma_start3A_147 : memref<1x80xi32, #tpu.memory_space<vmem>> -> memref<80xi32, #tpu.memory_space<vmem>>
    %dma_start3A_149 = arith.constant 0 : i32
    %dma_start3A_150 = arith.constant 0 : i32
    %dma_start3A_151 = tpu.memref_slice %arg3[%dma_start3A_149, %dma_start3A_150] : memref<10000x128xbf16, #tpu.memory_space<hbm>> -> memref<10000x128xbf16, #tpu.memory_space<hbm>>
    tpu.enqueue_indirect_dma source(%dma_start3A_151 : memref<10000x128xbf16, #tpu.memory_space<hbm>>) target(%arg9 : memref<80x128xbf16, #tpu.memory_space<vmem>>) offsets(%dma_start3A_148 : memref<80xi32, #tpu.memory_space<vmem>>) semaphore(%arg18 : memref<!tpu.dma_semaphore, #tpu.memory_space<semaphore_mem>>)
    %scan3A_152 = arith.constant 0 : i32
    %scan3A_153 = arith.constant 1 : i32
    %scan3A_154 = arith.constant 30 : i32
    %scan3A_155 = arith.addi %scan3A_153, %scan3A_154 : i32
    %scan3A_156 = arith.constant 1 : i32
    scf.for %scan3A_195 = %scan3A_153 to %scan3A_155 step %scan3A_156  : i32 {
      %mul3A_196 = arith.constant 4 : i32
      %mul3A_197 = arith.muli %mul3A_196, %scan3A_195 : i32
      %add3A_198 = arith.constant 0 : i32
      %add3A_199 = arith.addi %mul3A_197, %add3A_198 : i32
      %dma_wait3A_200 = arith.constant 0 : i32
      %dma_wait3A_201 = arith.constant 0 : i32
      %dma_wait3A_202 = tpu.memref_slice %arg5[%dma_wait3A_200, %dma_wait3A_201] : memref<125x80xi32, #tpu.memory_space<vmem>> -> memref<1x80xi32, #tpu.memory_space<vmem>>
      %dma_wait3A_203 = tpu.memref_squeeze %dma_wait3A_202 : memref<1x80xi32, #tpu.memory_space<vmem>> -> memref<80xi32, #tpu.memory_space<vmem>>
      %dma_wait3A_204 = arith.constant 0 : i32
      %dma_wait3A_205 = arith.constant 0 : i32
      %dma_wait3A_206 = tpu.memref_slice %arg3[%dma_wait3A_204, %dma_wait3A_205] : memref<10000x128xbf16, #tpu.memory_space<hbm>> -> memref<10000x128xbf16, #tpu.memory_space<hbm>>
      tpu.wait_indirect_dma semaphore(%arg16 : memref<!tpu.dma_semaphore, #tpu.memory_space<semaphore_mem>>) src(%dma_wait3A_206 : memref<10000x128xbf16, #tpu.memory_space<hbm>>) dst(%arg7 : memref<80x128xbf16, #tpu.memory_space<vmem>>)
      %dma_start3A_207 = arith.constant 0 : i32
      %dma_start3A_208 = tpu.memref_slice %arg6[%add3A_199, %dma_start3A_207] : memref<125x80xi32, #tpu.memory_space<vmem>> -> memref<1x80xi32, #tpu.memory_space<vmem>>
      %dma_start3A_209 = tpu.memref_squeeze %dma_start3A_208 : memref<1x80xi32, #tpu.memory_space<vmem>> -> memref<80xi32, #tpu.memory_space<vmem>>
      %dma_start3A_210 = arith.constant 0 : i32
      %dma_start3A_211 = arith.constant 0 : i32
      %dma_start3A_212 = tpu.memref_slice %arg14[%dma_start3A_210, %dma_start3A_211] : memref<10016x128xbf16, #tpu.memory_space<vmem_shared>> -> memref<10016x128xbf16, #tpu.memory_space<vmem_shared>>
      tpu.enqueue_indirect_dma source(%arg7 : memref<80x128xbf16, #tpu.memory_space<vmem>>) target(%dma_start3A_212 : memref<10016x128xbf16, #tpu.memory_space<vmem_shared>>) offsets(%dma_start3A_209 : memref<80xi32, #tpu.memory_space<vmem>>) semaphore(%arg20 : memref<!tpu.dma_semaphore, #tpu.memory_space<semaphore_mem>>) {add = true}
      %dma_wait3A_213 = arith.constant 0 : i32
      %dma_wait3A_214 = arith.constant 0 : i32
      %dma_wait3A_215 = tpu.memref_slice %arg6[%dma_wait3A_213, %dma_wait3A_214] : memref<125x80xi32, #tpu.memory_space<vmem>> -> memref<1x80xi32, #tpu.memory_space<vmem>>
      %dma_wait3A_216 = tpu.memref_squeeze %dma_wait3A_215 : memref<1x80xi32, #tpu.memory_space<vmem>> -> memref<80xi32, #tpu.memory_space<vmem>>
      %dma_wait3A_217 = arith.constant 0 : i32
      %dma_wait3A_218 = arith.constant 0 : i32
      %dma_wait3A_219 = tpu.memref_slice %arg14[%dma_wait3A_217, %dma_wait3A_218] : memref<10016x128xbf16, #tpu.memory_space<vmem_shared>> -> memref<10016x128xbf16, #tpu.memory_space<vmem_shared>>
      tpu.wait_indirect_dma semaphore(%arg23 : memref<!tpu.dma_semaphore, #tpu.memory_space<semaphore_mem>>) src(%arg10 : memref<80x128xbf16, #tpu.memory_space<vmem>>) dst(%dma_wait3A_219 : memref<10016x128xbf16, #tpu.memory_space<vmem_shared>>)
      %add3A_220 = arith.constant 4 : i32
      %add3A_221 = arith.addi %add3A_199, %add3A_220 : i32
      %sub3A = arith.constant 1 : i32
      %sub3A_222 = arith.subi %add3A_221, %sub3A : i32
      %lt3A = arith.constant 125 : i32
      %lt3A_223 = arith.cmpi slt, %sub3A_222, %lt3A : i32
      %convert_element_type3A_224 = arith.extui %lt3A_223 : i1 to i32
      %cond3A_225 = arith.constant 0 : i32
      %cond3A_226 = arith.cmpi ne, %convert_element_type3A_224, %cond3A_225 : i32
      scf.if %cond3A_226 {
        %add3A_326 = arith.constant 4 : i32
        %add3A_327 = arith.addi %add3A_199, %add3A_326 : i32
        %sub3A_328 = arith.constant 1 : i32
        %sub3A_329 = arith.subi %add3A_327, %sub3A_328 : i32
        %dma_start3A_330 = arith.constant 0 : i32
        %dma_start3A_331 = tpu.memref_slice %arg5[%sub3A_329, %dma_start3A_330] : memref<125x80xi32, #tpu.memory_space<vmem>> -> memref<1x80xi32, #tpu.memory_space<vmem>>
        %dma_start3A_332 = tpu.memref_squeeze %dma_start3A_331 : memref<1x80xi32, #tpu.memory_space<vmem>> -> memref<80xi32, #tpu.memory_space<vmem>>
        %dma_start3A_333 = arith.constant 0 : i32
        %dma_start3A_334 = arith.constant 0 : i32
        %dma_start3A_335 = tpu.memref_slice %arg3[%dma_start3A_333, %dma_start3A_334] : memref<10000x128xbf16, #tpu.memory_space<hbm>> -> memref<10000x128xbf16, #tpu.memory_space<hbm>>
        tpu.enqueue_indirect_dma source(%dma_start3A_335 : memref<10000x128xbf16, #tpu.memory_space<hbm>>) target(%arg10 : memref<80x128xbf16, #tpu.memory_space<vmem>>) offsets(%dma_start3A_332 : memref<80xi32, #tpu.memory_space<vmem>>) semaphore(%arg19 : memref<!tpu.dma_semaphore, #tpu.memory_space<semaphore_mem>>)
      } else {
      }
      %mul3A_227 = arith.constant 4 : i32
      %mul3A_228 = arith.muli %mul3A_227, %scan3A_195 : i32
      %add3A_229 = arith.constant 1 : i32
      %add3A_230 = arith.addi %mul3A_228, %add3A_229 : i32
      %dma_wait3A_231 = arith.constant 0 : i32
      %dma_wait3A_232 = arith.constant 0 : i32
      %dma_wait3A_233 = tpu.memref_slice %arg5[%dma_wait3A_231, %dma_wait3A_232] : memref<125x80xi32, #tpu.memory_space<vmem>> -> memref<1x80xi32, #tpu.memory_space<vmem>>
      %dma_wait3A_234 = tpu.memref_squeeze %dma_wait3A_233 : memref<1x80xi32, #tpu.memory_space<vmem>> -> memref<80xi32, #tpu.memory_space<vmem>>
      %dma_wait3A_235 = arith.constant 0 : i32
      %dma_wait3A_236 = arith.constant 0 : i32
      %dma_wait3A_237 = tpu.memref_slice %arg3[%dma_wait3A_235, %dma_wait3A_236] : memref<10000x128xbf16, #tpu.memory_space<hbm>> -> memref<10000x128xbf16, #tpu.memory_space<hbm>>
      tpu.wait_indirect_dma semaphore(%arg17 : memref<!tpu.dma_semaphore, #tpu.memory_space<semaphore_mem>>) src(%dma_wait3A_237 : memref<10000x128xbf16, #tpu.memory_space<hbm>>) dst(%arg8 : memref<80x128xbf16, #tpu.memory_space<vmem>>)
      %dma_start3A_238 = arith.constant 0 : i32
      %dma_start3A_239 = tpu.memref_slice %arg6[%add3A_230, %dma_start3A_238] : memref<125x80xi32, #tpu.memory_space<vmem>> -> memref<1x80xi32, #tpu.memory_space<vmem>>
      %dma_start3A_240 = tpu.memref_squeeze %dma_start3A_239 : memref<1x80xi32, #tpu.memory_space<vmem>> -> memref<80xi32, #tpu.memory_space<vmem>>
      %dma_start3A_241 = arith.constant 0 : i32
      %dma_start3A_242 = arith.constant 0 : i32
      %dma_start3A_243 = tpu.memref_slice %arg14[%dma_start3A_241, %dma_start3A_242] : memref<10016x128xbf16, #tpu.memory_space<vmem_shared>> -> memref<10016x128xbf16, #tpu.memory_space<vmem_shared>>
      tpu.enqueue_indirect_dma source(%arg8 : memref<80x128xbf16, #tpu.memory_space<vmem>>) target(%dma_start3A_243 : memref<10016x128xbf16, #tpu.memory_space<vmem_shared>>) offsets(%dma_start3A_240 : memref<80xi32, #tpu.memory_space<vmem>>) semaphore(%arg21 : memref<!tpu.dma_semaphore, #tpu.memory_space<semaphore_mem>>) {add = true}
      %dma_wait3A_244 = arith.constant 0 : i32
      %dma_wait3A_245 = arith.constant 0 : i32
      %dma_wait3A_246 = tpu.memref_slice %arg6[%dma_wait3A_244, %dma_wait3A_245] : memref<125x80xi32, #tpu.memory_space<vmem>> -> memref<1x80xi32, #tpu.memory_space<vmem>>
      %dma_wait3A_247 = tpu.memref_squeeze %dma_wait3A_246 : memref<1x80xi32, #tpu.memory_space<vmem>> -> memref<80xi32, #tpu.memory_space<vmem>>
      %dma_wait3A_248 = arith.constant 0 : i32
      %dma_wait3A_249 = arith.constant 0 : i32
      %dma_wait3A_250 = tpu.memref_slice %arg14[%dma_wait3A_248, %dma_wait3A_249] : memref<10016x128xbf16, #tpu.memory_space<vmem_shared>> -> memref<10016x128xbf16, #tpu.memory_space<vmem_shared>>
      tpu.wait_indirect_dma semaphore(%arg20 : memref<!tpu.dma_semaphore, #tpu.memory_space<semaphore_mem>>) src(%arg7 : memref<80x128xbf16, #tpu.memory_space<vmem>>) dst(%dma_wait3A_250 : memref<10016x128xbf16, #tpu.memory_space<vmem_shared>>)
      %add3A_251 = arith.constant 4 : i32
      %add3A_252 = arith.addi %add3A_230, %add3A_251 : i32
      %sub3A_253 = arith.constant 1 : i32
      %sub3A_254 = arith.subi %add3A_252, %sub3A_253 : i32
      %lt3A_255 = arith.constant 125 : i32
      %lt3A_256 = arith.cmpi slt, %sub3A_254, %lt3A_255 : i32
      %convert_element_type3A_257 = arith.extui %lt3A_256 : i1 to i32
      %cond3A_258 = arith.constant 0 : i32
      %cond3A_259 = arith.cmpi ne, %convert_element_type3A_257, %cond3A_258 : i32
      scf.if %cond3A_259 {
        %add3A_326 = arith.constant 4 : i32
        %add3A_327 = arith.addi %add3A_230, %add3A_326 : i32
        %sub3A_328 = arith.constant 1 : i32
        %sub3A_329 = arith.subi %add3A_327, %sub3A_328 : i32
        %dma_start3A_330 = arith.constant 0 : i32
        %dma_start3A_331 = tpu.memref_slice %arg5[%sub3A_329, %dma_start3A_330] : memref<125x80xi32, #tpu.memory_space<vmem>> -> memref<1x80xi32, #tpu.memory_space<vmem>>
        %dma_start3A_332 = tpu.memref_squeeze %dma_start3A_331 : memref<1x80xi32, #tpu.memory_space<vmem>> -> memref<80xi32, #tpu.memory_space<vmem>>
        %dma_start3A_333 = arith.constant 0 : i32
        %dma_start3A_334 = arith.constant 0 : i32
        %dma_start3A_335 = tpu.memref_slice %arg3[%dma_start3A_333, %dma_start3A_334] : memref<10000x128xbf16, #tpu.memory_space<hbm>> -> memref<10000x128xbf16, #tpu.memory_space<hbm>>
        tpu.enqueue_indirect_dma source(%dma_start3A_335 : memref<10000x128xbf16, #tpu.memory_space<hbm>>) target(%arg7 : memref<80x128xbf16, #tpu.memory_space<vmem>>) offsets(%dma_start3A_332 : memref<80xi32, #tpu.memory_space<vmem>>) semaphore(%arg16 : memref<!tpu.dma_semaphore, #tpu.memory_space<semaphore_mem>>)
      } else {
      }
      %mul3A_260 = arith.constant 4 : i32
      %mul3A_261 = arith.muli %mul3A_260, %scan3A_195 : i32
      %add3A_262 = arith.constant 2 : i32
      %add3A_263 = arith.addi %mul3A_261, %add3A_262 : i32
      %dma_wait3A_264 = arith.constant 0 : i32
      %dma_wait3A_265 = arith.constant 0 : i32
      %dma_wait3A_266 = tpu.memref_slice %arg5[%dma_wait3A_264, %dma_wait3A_265] : memref<125x80xi32, #tpu.memory_space<vmem>> -> memref<1x80xi32, #tpu.memory_space<vmem>>
      %dma_wait3A_267 = tpu.memref_squeeze %dma_wait3A_266 : memref<1x80xi32, #tpu.memory_space<vmem>> -> memref<80xi32, #tpu.memory_space<vmem>>
      %dma_wait3A_268 = arith.constant 0 : i32
      %dma_wait3A_269 = arith.constant 0 : i32
      %dma_wait3A_270 = tpu.memref_slice %arg3[%dma_wait3A_268, %dma_wait3A_269] : memref<10000x128xbf16, #tpu.memory_space<hbm>> -> memref<10000x128xbf16, #tpu.memory_space<hbm>>
      tpu.wait_indirect_dma semaphore(%arg18 : memref<!tpu.dma_semaphore, #tpu.memory_space<semaphore_mem>>) src(%dma_wait3A_270 : memref<10000x128xbf16, #tpu.memory_space<hbm>>) dst(%arg9 : memref<80x128xbf16, #tpu.memory_space<vmem>>)
      %dma_start3A_271 = arith.constant 0 : i32
      %dma_start3A_272 = tpu.memref_slice %arg6[%add3A_263, %dma_start3A_271] : memref<125x80xi32, #tpu.memory_space<vmem>> -> memref<1x80xi32, #tpu.memory_space<vmem>>
      %dma_start3A_273 = tpu.memref_squeeze %dma_start3A_272 : memref<1x80xi32, #tpu.memory_space<vmem>> -> memref<80xi32, #tpu.memory_space<vmem>>
      %dma_start3A_274 = arith.constant 0 : i32
      %dma_start3A_275 = arith.constant 0 : i32
      %dma_start3A_276 = tpu.memref_slice %arg14[%dma_start3A_274, %dma_start3A_275] : memref<10016x128xbf16, #tpu.memory_space<vmem_shared>> -> memref<10016x128xbf16, #tpu.memory_space<vmem_shared>>
      tpu.enqueue_indirect_dma source(%arg9 : memref<80x128xbf16, #tpu.memory_space<vmem>>) target(%dma_start3A_276 : memref<10016x128xbf16, #tpu.memory_space<vmem_shared>>) offsets(%dma_start3A_273 : memref<80xi32, #tpu.memory_space<vmem>>) semaphore(%arg22 : memref<!tpu.dma_semaphore, #tpu.memory_space<semaphore_mem>>) {add = true}
      %dma_wait3A_277 = arith.constant 0 : i32
      %dma_wait3A_278 = arith.constant 0 : i32
      %dma_wait3A_279 = tpu.memref_slice %arg6[%dma_wait3A_277, %dma_wait3A_278] : memref<125x80xi32, #tpu.memory_space<vmem>> -> memref<1x80xi32, #tpu.memory_space<vmem>>
      %dma_wait3A_280 = tpu.memref_squeeze %dma_wait3A_279 : memref<1x80xi32, #tpu.memory_space<vmem>> -> memref<80xi32, #tpu.memory_space<vmem>>
      %dma_wait3A_281 = arith.constant 0 : i32
      %dma_wait3A_282 = arith.constant 0 : i32
      %dma_wait3A_283 = tpu.memref_slice %arg14[%dma_wait3A_281, %dma_wait3A_282] : memref<10016x128xbf16, #tpu.memory_space<vmem_shared>> -> memref<10016x128xbf16, #tpu.memory_space<vmem_shared>>
      tpu.wait_indirect_dma semaphore(%arg21 : memref<!tpu.dma_semaphore, #tpu.memory_space<semaphore_mem>>) src(%arg8 : memref<80x128xbf16, #tpu.memory_space<vmem>>) dst(%dma_wait3A_283 : memref<10016x128xbf16, #tpu.memory_space<vmem_shared>>)
      %add3A_284 = arith.constant 4 : i32
      %add3A_285 = arith.addi %add3A_263, %add3A_284 : i32
      %sub3A_286 = arith.constant 1 : i32
      %sub3A_287 = arith.subi %add3A_285, %sub3A_286 : i32
      %lt3A_288 = arith.constant 125 : i32
      %lt3A_289 = arith.cmpi slt, %sub3A_287, %lt3A_288 : i32
      %convert_element_type3A_290 = arith.extui %lt3A_289 : i1 to i32
      %cond3A_291 = arith.constant 0 : i32
      %cond3A_292 = arith.cmpi ne, %convert_element_type3A_290, %cond3A_291 : i32
      scf.if %cond3A_292 {
        %add3A_326 = arith.constant 4 : i32
        %add3A_327 = arith.addi %add3A_263, %add3A_326 : i32
        %sub3A_328 = arith.constant 1 : i32
        %sub3A_329 = arith.subi %add3A_327, %sub3A_328 : i32
        %dma_start3A_330 = arith.constant 0 : i32
        %dma_start3A_331 = tpu.memref_slice %arg5[%sub3A_329, %dma_start3A_330] : memref<125x80xi32, #tpu.memory_space<vmem>> -> memref<1x80xi32, #tpu.memory_space<vmem>>
        %dma_start3A_332 = tpu.memref_squeeze %dma_start3A_331 : memref<1x80xi32, #tpu.memory_space<vmem>> -> memref<80xi32, #tpu.memory_space<vmem>>
        %dma_start3A_333 = arith.constant 0 : i32
        %dma_start3A_334 = arith.constant 0 : i32
        %dma_start3A_335 = tpu.memref_slice %arg3[%dma_start3A_333, %dma_start3A_334] : memref<10000x128xbf16, #tpu.memory_space<hbm>> -> memref<10000x128xbf16, #tpu.memory_space<hbm>>
        tpu.enqueue_indirect_dma source(%dma_start3A_335 : memref<10000x128xbf16, #tpu.memory_space<hbm>>) target(%arg8 : memref<80x128xbf16, #tpu.memory_space<vmem>>) offsets(%dma_start3A_332 : memref<80xi32, #tpu.memory_space<vmem>>) semaphore(%arg17 : memref<!tpu.dma_semaphore, #tpu.memory_space<semaphore_mem>>)
      } else {
      }
      %mul3A_293 = arith.constant 4 : i32
      %mul3A_294 = arith.muli %mul3A_293, %scan3A_195 : i32
      %add3A_295 = arith.constant 3 : i32
      %add3A_296 = arith.addi %mul3A_294, %add3A_295 : i32
      %dma_wait3A_297 = arith.constant 0 : i32
      %dma_wait3A_298 = arith.constant 0 : i32
      %dma_wait3A_299 = tpu.memref_slice %arg5[%dma_wait3A_297, %dma_wait3A_298] : memref<125x80xi32, #tpu.memory_space<vmem>> -> memref<1x80xi32, #tpu.memory_space<vmem>>
      %dma_wait3A_300 = tpu.memref_squeeze %dma_wait3A_299 : memref<1x80xi32, #tpu.memory_space<vmem>> -> memref<80xi32, #tpu.memory_space<vmem>>
      %dma_wait3A_301 = arith.constant 0 : i32
      %dma_wait3A_302 = arith.constant 0 : i32
      %dma_wait3A_303 = tpu.memref_slice %arg3[%dma_wait3A_301, %dma_wait3A_302] : memref<10000x128xbf16, #tpu.memory_space<hbm>> -> memref<10000x128xbf16, #tpu.memory_space<hbm>>
      tpu.wait_indirect_dma semaphore(%arg19 : memref<!tpu.dma_semaphore, #tpu.memory_space<semaphore_mem>>) src(%dma_wait3A_303 : memref<10000x128xbf16, #tpu.memory_space<hbm>>) dst(%arg10 : memref<80x128xbf16, #tpu.memory_space<vmem>>)
      %dma_start3A_304 = arith.constant 0 : i32
      %dma_start3A_305 = tpu.memref_slice %arg6[%add3A_296, %dma_start3A_304] : memref<125x80xi32, #tpu.memory_space<vmem>> -> memref<1x80xi32, #tpu.memory_space<vmem>>
      %dma_start3A_306 = tpu.memref_squeeze %dma_start3A_305 : memref<1x80xi32, #tpu.memory_space<vmem>> -> memref<80xi32, #tpu.memory_space<vmem>>
      %dma_start3A_307 = arith.constant 0 : i32
      %dma_start3A_308 = arith.constant 0 : i32
      %dma_start3A_309 = tpu.memref_slice %arg14[%dma_start3A_307, %dma_start3A_308] : memref<10016x128xbf16, #tpu.memory_space<vmem_shared>> -> memref<10016x128xbf16, #tpu.memory_space<vmem_shared>>
      tpu.enqueue_indirect_dma source(%arg10 : memref<80x128xbf16, #tpu.memory_space<vmem>>) target(%dma_start3A_309 : memref<10016x128xbf16, #tpu.memory_space<vmem_shared>>) offsets(%dma_start3A_306 : memref<80xi32, #tpu.memory_space<vmem>>) semaphore(%arg23 : memref<!tpu.dma_semaphore, #tpu.memory_space<semaphore_mem>>) {add = true}
      %dma_wait3A_310 = arith.constant 0 : i32
      %dma_wait3A_311 = arith.constant 0 : i32
      %dma_wait3A_312 = tpu.memref_slice %arg6[%dma_wait3A_310, %dma_wait3A_311] : memref<125x80xi32, #tpu.memory_space<vmem>> -> memref<1x80xi32, #tpu.memory_space<vmem>>
      %dma_wait3A_313 = tpu.memref_squeeze %dma_wait3A_312 : memref<1x80xi32, #tpu.memory_space<vmem>> -> memref<80xi32, #tpu.memory_space<vmem>>
      %dma_wait3A_314 = arith.constant 0 : i32
      %dma_wait3A_315 = arith.constant 0 : i32
      %dma_wait3A_316 = tpu.memref_slice %arg14[%dma_wait3A_314, %dma_wait3A_315] : memref<10016x128xbf16, #tpu.memory_space<vmem_shared>> -> memref<10016x128xbf16, #tpu.memory_space<vmem_shared>>
      tpu.wait_indirect_dma semaphore(%arg22 : memref<!tpu.dma_semaphore, #tpu.memory_space<semaphore_mem>>) src(%arg9 : memref<80x128xbf16, #tpu.memory_space<vmem>>) dst(%dma_wait3A_316 : memref<10016x128xbf16, #tpu.memory_space<vmem_shared>>)
      %add3A_317 = arith.constant 4 : i32
      %add3A_318 = arith.addi %add3A_296, %add3A_317 : i32
      %sub3A_319 = arith.constant 1 : i32
      %sub3A_320 = arith.subi %add3A_318, %sub3A_319 : i32
      %lt3A_321 = arith.constant 125 : i32
      %lt3A_322 = arith.cmpi slt, %sub3A_320, %lt3A_321 : i32
      %convert_element_type3A_323 = arith.extui %lt3A_322 : i1 to i32
      %cond3A_324 = arith.constant 0 : i32
      %cond3A_325 = arith.cmpi ne, %convert_element_type3A_323, %cond3A_324 : i32
      scf.if %cond3A_325 {
        %add3A_326 = arith.constant 4 : i32
        %add3A_327 = arith.addi %add3A_296, %add3A_326 : i32
        %sub3A_328 = arith.constant 1 : i32
        %sub3A_329 = arith.subi %add3A_327, %sub3A_328 : i32
        %dma_start3A_330 = arith.constant 0 : i32
        %dma_start3A_331 = tpu.memref_slice %arg5[%sub3A_329, %dma_start3A_330] : memref<125x80xi32, #tpu.memory_space<vmem>> -> memref<1x80xi32, #tpu.memory_space<vmem>>
        %dma_start3A_332 = tpu.memref_squeeze %dma_start3A_331 : memref<1x80xi32, #tpu.memory_space<vmem>> -> memref<80xi32, #tpu.memory_space<vmem>>
        %dma_start3A_333 = arith.constant 0 : i32
        %dma_start3A_334 = arith.constant 0 : i32
        %dma_start3A_335 = tpu.memref_slice %arg3[%dma_start3A_333, %dma_start3A_334] : memref<10000x128xbf16, #tpu.memory_space<hbm>> -> memref<10000x128xbf16, #tpu.memory_space<hbm>>
        tpu.enqueue_indirect_dma source(%dma_start3A_335 : memref<10000x128xbf16, #tpu.memory_space<hbm>>) target(%arg9 : memref<80x128xbf16, #tpu.memory_space<vmem>>) offsets(%dma_start3A_332 : memref<80xi32, #tpu.memory_space<vmem>>) semaphore(%arg18 : memref<!tpu.dma_semaphore, #tpu.memory_space<semaphore_mem>>)
      } else {
      }
    }
    %scan3A_157 = arith.constant 30 : i32
    %dma_wait3A_158 = arith.constant 0 : i32
    %dma_wait3A_159 = arith.constant 0 : i32
    %dma_wait3A_160 = tpu.memref_slice %arg5[%dma_wait3A_158, %dma_wait3A_159] : memref<125x80xi32, #tpu.memory_space<vmem>> -> memref<1x80xi32, #tpu.memory_space<vmem>>
    %dma_wait3A_161 = tpu.memref_squeeze %dma_wait3A_160 : memref<1x80xi32, #tpu.memory_space<vmem>> -> memref<80xi32, #tpu.memory_space<vmem>>
    %dma_wait3A_162 = arith.constant 0 : i32
    %dma_wait3A_163 = arith.constant 0 : i32
    %dma_wait3A_164 = tpu.memref_slice %arg3[%dma_wait3A_162, %dma_wait3A_163] : memref<10000x128xbf16, #tpu.memory_space<hbm>> -> memref<10000x128xbf16, #tpu.memory_space<hbm>>
    tpu.wait_indirect_dma semaphore(%arg16 : memref<!tpu.dma_semaphore, #tpu.memory_space<semaphore_mem>>) src(%dma_wait3A_164 : memref<10000x128xbf16, #tpu.memory_space<hbm>>) dst(%arg7 : memref<80x128xbf16, #tpu.memory_space<vmem>>)
    %dma_start3A_165 = arith.constant 124 : i32
    %dma_start3A_166 = arith.constant 0 : i32
    %dma_start3A_167 = tpu.memref_slice %arg6[%dma_start3A_165, %dma_start3A_166] : memref<125x80xi32, #tpu.memory_space<vmem>> -> memref<1x80xi32, #tpu.memory_space<vmem>>
    %dma_start3A_168 = tpu.memref_squeeze %dma_start3A_167 : memref<1x80xi32, #tpu.memory_space<vmem>> -> memref<80xi32, #tpu.memory_space<vmem>>
    %dma_start3A_169 = arith.constant 0 : i32
    %dma_start3A_170 = arith.constant 0 : i32
    %dma_start3A_171 = tpu.memref_slice %arg14[%dma_start3A_169, %dma_start3A_170] : memref<10016x128xbf16, #tpu.memory_space<vmem_shared>> -> memref<10016x128xbf16, #tpu.memory_space<vmem_shared>>
    tpu.enqueue_indirect_dma source(%arg7 : memref<80x128xbf16, #tpu.memory_space<vmem>>) target(%dma_start3A_171 : memref<10016x128xbf16, #tpu.memory_space<vmem_shared>>) offsets(%dma_start3A_168 : memref<80xi32, #tpu.memory_space<vmem>>) semaphore(%arg20 : memref<!tpu.dma_semaphore, #tpu.memory_space<semaphore_mem>>) {add = true}
    %dma_wait3A_172 = arith.constant 0 : i32
    %dma_wait3A_173 = arith.constant 0 : i32
    %dma_wait3A_174 = tpu.memref_slice %arg6[%dma_wait3A_172, %dma_wait3A_173] : memref<125x80xi32, #tpu.memory_space<vmem>> -> memref<1x80xi32, #tpu.memory_space<vmem>>
    %dma_wait3A_175 = tpu.memref_squeeze %dma_wait3A_174 : memref<1x80xi32, #tpu.memory_space<vmem>> -> memref<80xi32, #tpu.memory_space<vmem>>
    %dma_wait3A_176 = arith.constant 0 : i32
    %dma_wait3A_177 = arith.constant 0 : i32
    %dma_wait3A_178 = tpu.memref_slice %arg14[%dma_wait3A_176, %dma_wait3A_177] : memref<10016x128xbf16, #tpu.memory_space<vmem_shared>> -> memref<10016x128xbf16, #tpu.memory_space<vmem_shared>>
    tpu.wait_indirect_dma semaphore(%arg23 : memref<!tpu.dma_semaphore, #tpu.memory_space<semaphore_mem>>) src(%arg10 : memref<80x128xbf16, #tpu.memory_space<vmem>>) dst(%dma_wait3A_178 : memref<10016x128xbf16, #tpu.memory_space<vmem_shared>>)
    %dma_wait3A_179 = arith.constant 0 : i32
    %dma_wait3A_180 = arith.constant 0 : i32
    %dma_wait3A_181 = tpu.memref_slice %arg6[%dma_wait3A_179, %dma_wait3A_180] : memref<125x80xi32, #tpu.memory_space<vmem>> -> memref<1x80xi32, #tpu.memory_space<vmem>>
    %dma_wait3A_182 = tpu.memref_squeeze %dma_wait3A_181 : memref<1x80xi32, #tpu.memory_space<vmem>> -> memref<80xi32, #tpu.memory_space<vmem>>
    %dma_wait3A_183 = arith.constant 0 : i32
    %dma_wait3A_184 = arith.constant 0 : i32
    %dma_wait3A_185 = tpu.memref_slice %arg14[%dma_wait3A_183, %dma_wait3A_184] : memref<10016x128xbf16, #tpu.memory_space<vmem_shared>> -> memref<10016x128xbf16, #tpu.memory_space<vmem_shared>>
    tpu.wait_indirect_dma semaphore(%arg20 : memref<!tpu.dma_semaphore, #tpu.memory_space<semaphore_mem>>) src(%arg7 : memref<80x128xbf16, #tpu.memory_space<vmem>>) dst(%dma_wait3A_185 : memref<10016x128xbf16, #tpu.memory_space<vmem_shared>>)
    %barrier3A_186 = arith.constant 0 : index
    tpu.barrier barrier_id(%barrier3A_186)
    %mul3A_187 = arith.constant 624 : i32
    %mul3A_188 = arith.muli %arg1, %mul3A_187 : i32
    %multiple_of3A_189 = tpu.assume_multiple %mul3A_188, 8 : i32
    "tpu.region"() ({
      %run_scoped3A_195 = tpu.sem_alloc : memref<!tpu.dma_semaphore, #tpu.memory_space<semaphore_mem>>
      %dma_start3A_196 = arith.constant 0 : i32
      %dma_start3A_197 = arith.constant 0 : i32
      %dma_start3A_198 = tpu.memref_slice %arg4[%arg0, %dma_start3A_196, %dma_start3A_197] : memref<2x10000x128xbf16, #tpu.memory_space<hbm>> -> memref<1x10000x128xbf16, #tpu.memory_space<hbm>>
      %dma_start3A_199 = tpu.memref_squeeze %dma_start3A_198 : memref<1x10000x128xbf16, #tpu.memory_space<hbm>> -> memref<10000x128xbf16, #tpu.memory_space<hbm>>
      %dma_start3A_200 = arith.constant 0 : i32
      %dma_start3A_201 = tpu.memref_slice %dma_start3A_199[%multiple_of3A_189, %dma_start3A_200] : memref<10000x128xbf16, #tpu.memory_space<hbm>> -> memref<624x128xbf16, #tpu.memory_space<hbm>>
      %dma_start3A_202 = arith.constant 0 : i32
      %dma_start3A_203 = tpu.memref_slice %arg14[%multiple_of3A_189, %dma_start3A_202] : memref<10016x128xbf16, #tpu.memory_space<vmem_shared>> -> memref<624x128xbf16, #tpu.memory_space<vmem_shared>>
      tpu.enqueue_dma source(%dma_start3A_203 : memref<624x128xbf16, #tpu.memory_space<vmem_shared>>) target(%dma_start3A_201 : memref<624x128xbf16, #tpu.memory_space<hbm>>) target_semaphore(%run_scoped3A_195 : memref<!tpu.dma_semaphore, #tpu.memory_space<semaphore_mem>>)
      %dma_wait3A_204 = arith.constant 0 : i32
      %dma_wait3A_205 = arith.constant 0 : i32
      %dma_wait3A_206 = tpu.memref_slice %arg4[%arg0, %dma_wait3A_204, %dma_wait3A_205] : memref<2x10000x128xbf16, #tpu.memory_space<hbm>> -> memref<1x10000x128xbf16, #tpu.memory_space<hbm>>
      %dma_wait3A_207 = tpu.memref_squeeze %dma_wait3A_206 : memref<1x10000x128xbf16, #tpu.memory_space<hbm>> -> memref<10000x128xbf16, #tpu.memory_space<hbm>>
      %dma_wait3A_208 = arith.constant 0 : i32
      %dma_wait3A_209 = tpu.memref_slice %dma_wait3A_207[%multiple_of3A_189, %dma_wait3A_208] : memref<10000x128xbf16, #tpu.memory_space<hbm>> -> memref<624x128xbf16, #tpu.memory_space<hbm>>
      %dma_wait3A_210 = arith.constant 0 : i32
      %dma_wait3A_211 = tpu.memref_slice %arg14[%multiple_of3A_189, %dma_wait3A_210] : memref<10016x128xbf16, #tpu.memory_space<vmem_shared>> -> memref<624x128xbf16, #tpu.memory_space<vmem_shared>>
      tpu.wait_dma2 semaphore(%run_scoped3A_195 : memref<!tpu.dma_semaphore, #tpu.memory_space<semaphore_mem>>) src(%dma_wait3A_211 : memref<624x128xbf16, #tpu.memory_space<vmem_shared>>) dst(%dma_wait3A_209 : memref<624x128xbf16, #tpu.memory_space<hbm>>)
      tpu.yield
    }) : () -> ()
    %eq3A_190 = arith.constant 15 : i32
    %eq3A_191 = arith.cmpi eq, %arg1, %eq3A_190 : i32
    %convert_element_type3A_192 = arith.extui %eq3A_191 : i1 to i32
    %cond3A_193 = arith.constant 0 : i32
    %cond3A_194 = arith.cmpi ne, %convert_element_type3A_192, %cond3A_193 : i32
    scf.if %cond3A_194 {
      "tpu.region"() ({
        %run_scoped3A_195 = tpu.sem_alloc : memref<!tpu.dma_semaphore, #tpu.memory_space<semaphore_mem>>
        %dma_start3A_196 = arith.constant 0 : i32
        %dma_start3A_197 = arith.constant 0 : i32
        %dma_start3A_198 = tpu.memref_slice %arg4[%arg0, %dma_start3A_196, %dma_start3A_197] : memref<2x10000x128xbf16, #tpu.memory_space<hbm>> -> memref<1x10000x128xbf16, #tpu.memory_space<hbm>>
        %dma_start3A_199 = tpu.memref_squeeze %dma_start3A_198 : memref<1x10000x128xbf16, #tpu.memory_space<hbm>> -> memref<10000x128xbf16, #tpu.memory_space<hbm>>
        %dma_start3A_200 = arith.constant 9984 : i32
        %dma_start3A_201 = arith.constant 0 : i32
        %dma_start3A_202 = tpu.memref_slice %dma_start3A_199[%dma_start3A_200, %dma_start3A_201] : memref<10000x128xbf16, #tpu.memory_space<hbm>> -> memref<16x128xbf16, #tpu.memory_space<hbm>>
        %dma_start3A_203 = arith.constant 9984 : i32
        %dma_start3A_204 = arith.constant 0 : i32
        %dma_start3A_205 = tpu.memref_slice %arg14[%dma_start3A_203, %dma_start3A_204] : memref<10016x128xbf16, #tpu.memory_space<vmem_shared>> -> memref<16x128xbf16, #tpu.memory_space<vmem_shared>>
        tpu.enqueue_dma source(%dma_start3A_205 : memref<16x128xbf16, #tpu.memory_space<vmem_shared>>) target(%dma_start3A_202 : memref<16x128xbf16, #tpu.memory_space<hbm>>) target_semaphore(%run_scoped3A_195 : memref<!tpu.dma_semaphore, #tpu.memory_space<semaphore_mem>>)
        %dma_wait3A_206 = arith.constant 0 : i32
        %dma_wait3A_207 = arith.constant 0 : i32
        %dma_wait3A_208 = tpu.memref_slice %arg4[%arg0, %dma_wait3A_206, %dma_wait3A_207] : memref<2x10000x128xbf16, #tpu.memory_space<hbm>> -> memref<1x10000x128xbf16, #tpu.memory_space<hbm>>
        %dma_wait3A_209 = tpu.memref_squeeze %dma_wait3A_208 : memref<1x10000x128xbf16, #tpu.memory_space<hbm>> -> memref<10000x128xbf16, #tpu.memory_space<hbm>>
        %dma_wait3A_210 = arith.constant 9984 : i32
        %dma_wait3A_211 = arith.constant 0 : i32
        %dma_wait3A_212 = tpu.memref_slice %dma_wait3A_209[%dma_wait3A_210, %dma_wait3A_211] : memref<10000x128xbf16, #tpu.memory_space<hbm>> -> memref<16x128xbf16, #tpu.memory_space<hbm>>
        %dma_wait3A_213 = arith.constant 9984 : i32
        %dma_wait3A_214 = arith.constant 0 : i32
        %dma_wait3A_215 = tpu.memref_slice %arg14[%dma_wait3A_213, %dma_wait3A_214] : memref<10016x128xbf16, #tpu.memory_space<vmem_shared>> -> memref<16x128xbf16, #tpu.memory_space<vmem_shared>>
        tpu.wait_dma2 semaphore(%run_scoped3A_195 : memref<!tpu.dma_semaphore, #tpu.memory_space<semaphore_mem>>) src(%dma_wait3A_215 : memref<16x128xbf16, #tpu.memory_space<vmem_shared>>) dst(%dma_wait3A_212 : memref<16x128xbf16, #tpu.memory_space<hbm>>)
        tpu.yield
      }) : () -> ()
    } else {
    }
    return
  }
}

module attributes {stable_mosaic.version = 14 : i64} {
  func.func @_mm0_body(%arg0: i32, %arg1: memref<2000x128xf32, #tpu.memory_space<vmem>>, %arg2: memref<128x128xf32, #tpu.memory_space<vmem>>, %arg3: memref<128x128xf32, #tpu.memory_space<vmem>>, %arg4: memref<2000x128xbf16, #tpu.memory_space<vmem>>, %arg5: memref<2000x128xf32, #tpu.memory_space<vmem>>) attributes {dimension_semantics = [#tpu.dimension_semantics<arbitrary>], iteration_bounds = array<i64: 5>, scalar_prefetch = 0 : i64, scratch_operands = 0 : i64, tpu.core_type = #tpu.core_type<tc>, window_params = [{transform_indices = @transform_0, window_bounds = array<i64: 2000, 128>}, {pipeline_mode = #tpu.pipeline_mode<synchronous>, transform_indices = @transform_1, window_bounds = array<i64: 128, 128>}, {pipeline_mode = #tpu.pipeline_mode<synchronous>, transform_indices = @transform_2, window_bounds = array<i64: 128, 128>}, {transform_indices = @transform_3, window_bounds = array<i64: 2000, 128>}, {transform_indices = @transform_4, window_bounds = array<i64: 2000, 128>}]} {
    %get3A = arith.constant 0 : index
    %get3A_0 = arith.constant 0 : index
    %get3A_1 = vector.load %arg1[%get3A, %get3A_0] : memref<2000x128xf32, #tpu.memory_space<vmem>>, vector<2000x128xf32>
    %get3A_2 = arith.constant 0 : index
    %get3A_3 = arith.constant 0 : index
    %get3A_4 = vector.load %arg2[%get3A_2, %get3A_3] : memref<128x128xf32, #tpu.memory_space<vmem>>, vector<128x128xf32>
    %dot_general3A = arith.constant dense<0.000000e+00> : vector<2000x128xf32>
    %dot_general3A_5 = tpu.matmul %get3A_1, %get3A_4, %dot_general3A {dimension_numbers = #tpu.dot_dimension_numbers<[1], [0], [0], [1], [0, 0, 1, 1], [], []>, transpose_lhs_hint = false} : vector<2000x128xf32>, vector<128x128xf32>, vector<2000x128xf32> -> vector<2000x128xf32>
    %convert_element_type3A = arith.truncf %dot_general3A_5 : vector<2000x128xf32> to vector<2000x128xbf16>
    %swap3A = arith.constant 0 : index
    %swap3A_6 = arith.constant 0 : index
    %swap3A_7 = vector.load %arg4[%swap3A, %swap3A_6] : memref<2000x128xbf16, #tpu.memory_space<vmem>>, vector<2000x128xbf16>
    tpu.vector_store %arg4[%swap3A, %swap3A_6], %convert_element_type3A {strides = array<i32>} : memref<2000x128xbf16, #tpu.memory_space<vmem>>, vector<2000x128xbf16>,
    %get3A_8 = arith.constant 0 : index
    %get3A_9 = arith.constant 0 : index
    %get3A_10 = vector.load %arg3[%get3A_8, %get3A_9] : memref<128x128xf32, #tpu.memory_space<vmem>>, vector<128x128xf32>
    %dot_general3A_11 = arith.constant dense<0.000000e+00> : vector<2000x128xf32>
    %dot_general3A_12 = tpu.matmul %get3A_1, %get3A_10, %dot_general3A_11 {dimension_numbers = #tpu.dot_dimension_numbers<[1], [0], [0], [1], [0, 0, 1, 1], [], []>, transpose_lhs_hint = false} : vector<2000x128xf32>, vector<128x128xf32>, vector<2000x128xf32> -> vector<2000x128xf32>
    %swap3A_13 = arith.constant 0 : index
    %swap3A_14 = arith.constant 0 : index
    %swap3A_15 = vector.load %arg5[%swap3A_13, %swap3A_14] : memref<2000x128xf32, #tpu.memory_space<vmem>>, vector<2000x128xf32>
    tpu.vector_store %arg5[%swap3A_13, %swap3A_14], %dot_general3A_12 {strides = array<i32>} : memref<2000x128xf32, #tpu.memory_space<vmem>>, vector<2000x128xf32>,
    return
  }
  func.func @transform_0(%arg0: i32) -> (i32, i32) {
    %c0_i32 = arith.constant 0 : i32
    %c0_i32_0 = arith.constant 0 : i32
    return %arg0, %c0_i32 : i32, i32
  }
  func.func @transform_1(%arg0: i32) -> (i32, i32) {
    %c0_i32 = arith.constant 0 : i32
    %c0_i32_0 = arith.constant 0 : i32
    %c0_i32_1 = arith.constant 0 : i32
    return %c0_i32, %c0_i32_0 : i32, i32
  }
  func.func @transform_2(%arg0: i32) -> (i32, i32) {
    %c0_i32 = arith.constant 0 : i32
    %c0_i32_0 = arith.constant 0 : i32
    %c0_i32_1 = arith.constant 0 : i32
    return %c0_i32, %c0_i32_0 : i32, i32
  }
  func.func @transform_3(%arg0: i32) -> (i32, i32) {
    %c0_i32 = arith.constant 0 : i32
    %c0_i32_0 = arith.constant 0 : i32
    return %arg0, %c0_i32 : i32, i32
  }
  func.func @transform_4(%arg0: i32) -> (i32, i32) {
    %c0_i32 = arith.constant 0 : i32
    %c0_i32_0 = arith.constant 0 : i32
    return %arg0, %c0_i32 : i32, i32
  }
}

module attributes {stable_mosaic.version = 14 : i64} {
  func.func @_mm1_body(%arg0: i32, %arg1: memref<2x2000x128xbf16, #tpu.memory_space<vmem>>, %arg2: memref<2x2000x16xf32, #tpu.memory_space<vmem>>, %arg3: memref<2000x128xf32, #tpu.memory_space<vmem>>, %arg4: memref<128x128xf32, #tpu.memory_space<vmem>>, %arg5: memref<128x128xf32, #tpu.memory_space<vmem>>, %arg6: memref<2000x128xbf16, #tpu.memory_space<vmem>>, %arg7: memref<2000x128xf32, #tpu.memory_space<vmem>>) attributes {dimension_semantics = [#tpu.dimension_semantics<arbitrary>], iteration_bounds = array<i64: 5>, scalar_prefetch = 0 : i64, scratch_operands = 0 : i64, tpu.core_type = #tpu.core_type<tc>, window_params = [{transform_indices = @transform_0, window_bounds = array<i64: 2, 2000, 128>}, {transform_indices = @transform_1, window_bounds = array<i64: 2, 2000, 16>}, {transform_indices = @transform_2, window_bounds = array<i64: 2000, 128>}, {pipeline_mode = #tpu.pipeline_mode<synchronous>, transform_indices = @transform_3, window_bounds = array<i64: 128, 128>}, {pipeline_mode = #tpu.pipeline_mode<synchronous>, transform_indices = @transform_4, window_bounds = array<i64: 128, 128>}, {transform_indices = @transform_5, window_bounds = array<i64: 2000, 128>}, {transform_indices = @transform_6, window_bounds = array<i64: 2000, 128>}]} {
    %get3A = arith.constant 0 : index
    %get3A_0 = arith.constant 0 : index
    %get3A_1 = arith.constant 0 : index
    %get3A_2 = vector.load %arg1[%get3A, %get3A_0, %get3A_1] : memref<2x2000x128xbf16, #tpu.memory_space<vmem>>, vector<1x2000x128xbf16>
    %get3A_3 = vector.shape_cast %get3A_2 : vector<1x2000x128xbf16> to vector<2000x128xbf16>
    %convert_element_type3A = arith.extf %get3A_3 : vector<2000x128xbf16> to vector<2000x128xf32>
    %get3A_4 = arith.constant 1 : index
    %get3A_5 = arith.constant 0 : index
    %get3A_6 = arith.constant 0 : index
    %get3A_7 = vector.load %arg1[%get3A_4, %get3A_5, %get3A_6] : memref<2x2000x128xbf16, #tpu.memory_space<vmem>>, vector<1x2000x128xbf16>
    %get3A_8 = vector.shape_cast %get3A_7 : vector<1x2000x128xbf16> to vector<2000x128xbf16>
    %convert_element_type3A_9 = arith.extf %get3A_8 : vector<2000x128xbf16> to vector<2000x128xf32>
    %add3A = arith.addf %convert_element_type3A, %convert_element_type3A_9 : vector<2000x128xf32>
    %get3A_10 = arith.constant 0 : index
    %get3A_11 = arith.constant 0 : index
    %get3A_12 = arith.constant 0 : index
    %get3A_13 = vector.load %arg2[%get3A_10, %get3A_11, %get3A_12] : memref<2x2000x16xf32, #tpu.memory_space<vmem>>, vector<1x2000x1xf32>
    %get3A_14 = vector.shape_cast %get3A_13 : vector<1x2000x1xf32> to vector<2000x1xf32>
    %get3A_15 = arith.constant 1 : index
    %get3A_16 = arith.constant 0 : index
    %get3A_17 = arith.constant 0 : index
    %get3A_18 = vector.load %arg2[%get3A_15, %get3A_16, %get3A_17] : memref<2x2000x16xf32, #tpu.memory_space<vmem>>, vector<1x2000x1xf32>
    %get3A_19 = vector.shape_cast %get3A_18 : vector<1x2000x1xf32> to vector<2000x1xf32>
    %add3A_20 = arith.addf %get3A_14, %get3A_19 : vector<2000x1xf32>
    %max3A = arith.constant 1.000000e+00 : f32
    %max3A_21 = vector.broadcast %max3A : f32 to vector<2000x1xf32>
    %max3A_22 = arith.maximumf %add3A_20, %max3A_21 : vector<2000x1xf32>
    %div3A = vector.broadcast %max3A_22 : vector<2000x1xf32> to vector<2000x128xf32>
    %div3A_23 = arith.divf %add3A, %div3A : vector<2000x128xf32>
    %get3A_24 = arith.constant 0 : index
    %get3A_25 = arith.constant 0 : index
    %get3A_26 = vector.load %arg3[%get3A_24, %get3A_25] : memref<2000x128xf32, #tpu.memory_space<vmem>>, vector<2000x128xf32>
    %add3A_27 = arith.addf %div3A_23, %get3A_26 : vector<2000x128xf32>
    %max3A_28 = arith.constant 0.000000e+00 : f32
    %max3A_29 = vector.broadcast %max3A_28 : f32 to vector<2000x128xf32>
    %max3A_30 = arith.maximumf %add3A_27, %max3A_29 : vector<2000x128xf32>
    %get3A_31 = arith.constant 0 : index
    %get3A_32 = arith.constant 0 : index
    %get3A_33 = vector.load %arg4[%get3A_31, %get3A_32] : memref<128x128xf32, #tpu.memory_space<vmem>>, vector<128x128xf32>
    %dot_general3A = arith.constant dense<0.000000e+00> : vector<2000x128xf32>
    %dot_general3A_34 = tpu.matmul %max3A_30, %get3A_33, %dot_general3A {dimension_numbers = #tpu.dot_dimension_numbers<[1], [0], [0], [1], [0, 0, 1, 1], [], []>, transpose_lhs_hint = false} : vector<2000x128xf32>, vector<128x128xf32>, vector<2000x128xf32> -> vector<2000x128xf32>
    %convert_element_type3A_35 = arith.truncf %dot_general3A_34 : vector<2000x128xf32> to vector<2000x128xbf16>
    %swap3A = arith.constant 0 : index
    %swap3A_36 = arith.constant 0 : index
    %swap3A_37 = vector.load %arg6[%swap3A, %swap3A_36] : memref<2000x128xbf16, #tpu.memory_space<vmem>>, vector<2000x128xbf16>
    tpu.vector_store %arg6[%swap3A, %swap3A_36], %convert_element_type3A_35 {strides = array<i32>} : memref<2000x128xbf16, #tpu.memory_space<vmem>>, vector<2000x128xbf16>,
    %get3A_38 = arith.constant 0 : index
    %get3A_39 = arith.constant 0 : index
    %get3A_40 = vector.load %arg5[%get3A_38, %get3A_39] : memref<128x128xf32, #tpu.memory_space<vmem>>, vector<128x128xf32>
    %dot_general3A_41 = arith.constant dense<0.000000e+00> : vector<2000x128xf32>
    %dot_general3A_42 = tpu.matmul %max3A_30, %get3A_40, %dot_general3A_41 {dimension_numbers = #tpu.dot_dimension_numbers<[1], [0], [0], [1], [0, 0, 1, 1], [], []>, transpose_lhs_hint = false} : vector<2000x128xf32>, vector<128x128xf32>, vector<2000x128xf32> -> vector<2000x128xf32>
    %swap3A_43 = arith.constant 0 : index
    %swap3A_44 = arith.constant 0 : index
    %swap3A_45 = vector.load %arg7[%swap3A_43, %swap3A_44] : memref<2000x128xf32, #tpu.memory_space<vmem>>, vector<2000x128xf32>
    tpu.vector_store %arg7[%swap3A_43, %swap3A_44], %dot_general3A_42 {strides = array<i32>} : memref<2000x128xf32, #tpu.memory_space<vmem>>, vector<2000x128xf32>,
    return
  }
  func.func @transform_0(%arg0: i32) -> (i32, i32, i32) {
    %c0_i32 = arith.constant 0 : i32
    %c0_i32_0 = arith.constant 0 : i32
    %c0_i32_1 = arith.constant 0 : i32
    return %c0_i32, %arg0, %c0_i32_0 : i32, i32, i32
  }
  func.func @transform_1(%arg0: i32) -> (i32, i32, i32) {
    %c0_i32 = arith.constant 0 : i32
    %c0_i32_0 = arith.constant 0 : i32
    %c0_i32_1 = arith.constant 0 : i32
    return %c0_i32, %arg0, %c0_i32_0 : i32, i32, i32
  }
  func.func @transform_2(%arg0: i32) -> (i32, i32) {
    %c0_i32 = arith.constant 0 : i32
    %c0_i32_0 = arith.constant 0 : i32
    return %arg0, %c0_i32 : i32, i32
  }
  func.func @transform_3(%arg0: i32) -> (i32, i32) {
    %c0_i32 = arith.constant 0 : i32
    %c0_i32_0 = arith.constant 0 : i32
    %c0_i32_1 = arith.constant 0 : i32
    return %c0_i32, %c0_i32_0 : i32, i32
  }
  func.func @transform_4(%arg0: i32) -> (i32, i32) {
    %c0_i32 = arith.constant 0 : i32
    %c0_i32_0 = arith.constant 0 : i32
    %c0_i32_1 = arith.constant 0 : i32
    return %c0_i32, %c0_i32_0 : i32, i32
  }
  func.func @transform_5(%arg0: i32) -> (i32, i32) {
    %c0_i32 = arith.constant 0 : i32
    %c0_i32_0 = arith.constant 0 : i32
    return %arg0, %c0_i32 : i32, i32
  }
  func.func @transform_6(%arg0: i32) -> (i32, i32) {
    %c0_i32 = arith.constant 0 : i32
    %c0_i32_0 = arith.constant 0 : i32
    return %arg0, %c0_i32 : i32, i32
  }
}

module attributes {stable_mosaic.version = 14 : i64} {
  func.func @_final_body(%arg0: i32, %arg1: memref<2x2000x128xbf16, #tpu.memory_space<vmem>>, %arg2: memref<2x2000x16xf32, #tpu.memory_space<vmem>>, %arg3: memref<2000x128xf32, #tpu.memory_space<vmem>>, %arg4: memref<1x128xf32, #tpu.memory_space<vmem>>, %arg5: memref<2000x128xf32, #tpu.memory_space<vmem>>) attributes {dimension_semantics = [#tpu.dimension_semantics<arbitrary>], iteration_bounds = array<i64: 5>, scalar_prefetch = 0 : i64, scratch_operands = 0 : i64, tpu.core_type = #tpu.core_type<tc>, window_params = [{transform_indices = @transform_0, window_bounds = array<i64: 2, 2000, 128>}, {transform_indices = @transform_1, window_bounds = array<i64: 2, 2000, 16>}, {transform_indices = @transform_2, window_bounds = array<i64: 2000, 128>}, {pipeline_mode = #tpu.pipeline_mode<synchronous>, transform_indices = @transform_3, window_bounds = array<i64: 1, 128>}, {transform_indices = @transform_4, window_bounds = array<i64: 2000, 128>}]} {
    %get3A = arith.constant 0 : index
    %get3A_0 = arith.constant 0 : index
    %get3A_1 = arith.constant 0 : index
    %get3A_2 = vector.load %arg1[%get3A, %get3A_0, %get3A_1] : memref<2x2000x128xbf16, #tpu.memory_space<vmem>>, vector<1x2000x128xbf16>
    %get3A_3 = vector.shape_cast %get3A_2 : vector<1x2000x128xbf16> to vector<2000x128xbf16>
    %convert_element_type3A = arith.extf %get3A_3 : vector<2000x128xbf16> to vector<2000x128xf32>
    %get3A_4 = arith.constant 1 : index
    %get3A_5 = arith.constant 0 : index
    %get3A_6 = arith.constant 0 : index
    %get3A_7 = vector.load %arg1[%get3A_4, %get3A_5, %get3A_6] : memref<2x2000x128xbf16, #tpu.memory_space<vmem>>, vector<1x2000x128xbf16>
    %get3A_8 = vector.shape_cast %get3A_7 : vector<1x2000x128xbf16> to vector<2000x128xbf16>
    %convert_element_type3A_9 = arith.extf %get3A_8 : vector<2000x128xbf16> to vector<2000x128xf32>
    %add3A = arith.addf %convert_element_type3A, %convert_element_type3A_9 : vector<2000x128xf32>
    %get3A_10 = arith.constant 0 : index
    %get3A_11 = arith.constant 0 : index
    %get3A_12 = arith.constant 0 : index
    %get3A_13 = vector.load %arg2[%get3A_10, %get3A_11, %get3A_12] : memref<2x2000x16xf32, #tpu.memory_space<vmem>>, vector<1x2000x1xf32>
    %get3A_14 = vector.shape_cast %get3A_13 : vector<1x2000x1xf32> to vector<2000x1xf32>
    %get3A_15 = arith.constant 1 : index
    %get3A_16 = arith.constant 0 : index
    %get3A_17 = arith.constant 0 : index
    %get3A_18 = vector.load %arg2[%get3A_15, %get3A_16, %get3A_17] : memref<2x2000x16xf32, #tpu.memory_space<vmem>>, vector<1x2000x1xf32>
    %get3A_19 = vector.shape_cast %get3A_18 : vector<1x2000x1xf32> to vector<2000x1xf32>
    %add3A_20 = arith.addf %get3A_14, %get3A_19 : vector<2000x1xf32>
    %max3A = arith.constant 1.000000e+00 : f32
    %max3A_21 = vector.broadcast %max3A : f32 to vector<2000x1xf32>
    %max3A_22 = arith.maximumf %add3A_20, %max3A_21 : vector<2000x1xf32>
    %div3A = vector.broadcast %max3A_22 : vector<2000x1xf32> to vector<2000x128xf32>
    %div3A_23 = arith.divf %add3A, %div3A : vector<2000x128xf32>
    %get3A_24 = arith.constant 0 : index
    %get3A_25 = arith.constant 0 : index
    %get3A_26 = vector.load %arg3[%get3A_24, %get3A_25] : memref<2000x128xf32, #tpu.memory_space<vmem>>, vector<2000x128xf32>
    %add3A_27 = arith.addf %div3A_23, %get3A_26 : vector<2000x128xf32>
    %get3A_28 = arith.constant 0 : index
    %get3A_29 = arith.constant 0 : index
    %get3A_30 = vector.load %arg4[%get3A_28, %get3A_29] : memref<1x128xf32, #tpu.memory_space<vmem>>, vector<1x128xf32>
    %add3A_31 = vector.broadcast %get3A_30 : vector<1x128xf32> to vector<2000x128xf32>
    %add3A_32 = arith.addf %add3A_27, %add3A_31 : vector<2000x128xf32>
    %swap3A = arith.constant 0 : index
    %swap3A_33 = arith.constant 0 : index
    %swap3A_34 = vector.load %arg5[%swap3A, %swap3A_33] : memref<2000x128xf32, #tpu.memory_space<vmem>>, vector<2000x128xf32>
    tpu.vector_store %arg5[%swap3A, %swap3A_33], %add3A_32 {strides = array<i32>} : memref<2000x128xf32, #tpu.memory_space<vmem>>, vector<2000x128xf32>,
    return
  }
  func.func @transform_0(%arg0: i32) -> (i32, i32, i32) {
    %c0_i32 = arith.constant 0 : i32
    %c0_i32_0 = arith.constant 0 : i32
    %c0_i32_1 = arith.constant 0 : i32
    return %c0_i32, %arg0, %c0_i32_0 : i32, i32, i32
  }
  func.func @transform_1(%arg0: i32) -> (i32, i32, i32) {
    %c0_i32 = arith.constant 0 : i32
    %c0_i32_0 = arith.constant 0 : i32
    %c0_i32_1 = arith.constant 0 : i32
    return %c0_i32, %arg0, %c0_i32_0 : i32, i32, i32
  }
  func.func @transform_2(%arg0: i32) -> (i32, i32) {
    %c0_i32 = arith.constant 0 : i32
    %c0_i32_0 = arith.constant 0 : i32
    return %arg0, %c0_i32 : i32, i32
  }
  func.func @transform_3(%arg0: i32) -> (i32, i32) {
    %c0_i32 = arith.constant 0 : i32
    %c0_i32_0 = arith.constant 0 : i32
    %c0_i32_1 = arith.constant 0 : i32
    return %c0_i32, %c0_i32_0 : i32, i32
  }
  func.func @transform_4(%arg0: i32) -> (i32, i32) {
    %c0_i32 = arith.constant 0 : i32
    %c0_i32_0 = arith.constant 0 : i32
    return %arg0, %c0_i32 : i32, i32
  }
}

</mosaic_0001>

<sc_bundles>
// kernel: kernel.10.cloned.1.call-start
scs
__scs_entry_jumppad:
0x0: {  	(pc) =	sbr.rel $0x88, $3  }
0x1: {  	(tag) =	ssettag $0x0;
	lr =	simm.s32 $0x1  }
0x2: {  	[smem:$0x3F9A] =	sst lr;
	_ =	strace $0xD0000000  }
0x3: {  	_ = 	snop  }
0x4: {  	_ = 	snop  }
0x5: {  	_ = 	snop  }
0x6: {  	_ = 	snop  }
0x7: {  	_ = 	snop  }
__scs_overlays_trampoline_lowered:
0x8: {  	[smem:$0x3FA9] =	sst s0  }
0x9: {  	[smem:$0x3FAA] =	sst s1  }
0xa: {  	[smem:$0x3FAB] =	sst s2  }
0xb: {  	[smem:$0x3FAC] =	sst s3  }
0xc: {  	[smem:$0x3FAD] =	sst s4  }
0xd: {  	[smem:$0x3FAE] =	sst s5  }
0xe: {  	[smem:$0x3FAF] =	sst s6  }
0xf: {  	[smem:$0x3FB0] =	sst s7  }
0x10: {  	[smem:$0x3FB1] =	sst s8  }
0x11: {  	[smem:$0x3FB2] =	sst s9;
	s0 =	simm.s32 @!p0 $0x0  }
0x12: {  	s1 =	sld [smem:$0x3F98];
	s0 =	simm.s32 @p0 $0x1  }
0x13: {  	[smem:$0x3FB3] =	sst s0;
	s0 =	simm.s32 @!p1 $0x0  }
0x14: {  	s2 =	sld [smem:$0x3F97];
	s0 =	simm.s32 @p1 $0x1  }
0x15: {  	[smem:$0x3FB4] =	sst s0;
	s0 =	simm.s32 @!p2 $0x0  }
0x16: {  	s3 =	sld [smem:$0x3FDB];
	s0 =	simm.s32 @p2 $0x1  }
0x17: {  	s4 =	simm.s32 $0x1BF5;
	[smem:$0x3FB6] =	sst s0  }
0x18: {  	s0 =	sld [smem:$0x3F99];
	_ =	swait.ge [sflag:s4], $0x0  }
0x19: {  	s7 =	sld [smem:$0x3F9A]  }
0x1a: {  	s8 =	sadd.s32 $0xFFFFE003, lr  }
0x1b: {  	s9 =	sadd.s32 $0xFFFFFEF7, lr;
	s5 =	simm.s32 $0xFFFFFFFF;
	p2 =	slt.u32 s8, $0xFFFFF086  }
0x1c: {  	p1 =	slt.u32 s9, $0xF7A;
	s5 =	simm.s32 @!p2 $0x0  }
0x1d: {  	s5 =	simm.s32 @p1 $0x1;
	p0 =	seq.s32 s7, s2  }
0x1e: {  	s7 =	smul.u32 @!p0 $0xF7A, s2;
	p2 =	seq.s32 @!p0 s5, $0x0  }
0x1f: {  	s9 =	smul.u32 $0xF7A, s1;
	s8 =	simm.s32 @!p0 $0x1BF5;
	p2 =	por !p2, p0  }
0x20: {  	[sflag:s8] =	ssyncset.s32 @!p0 $0xFFFFF086;
	s6 =	sadd.s32 @!p0 s3, s7;
	s7 =	simm.s32 @!p0 $0x108  }
0x21: {  	s3 =	sadd.s32 s3, s9;
	s6 =	sadd.s32 @!p0 $0x88, s6;
	s7 =	simm.s32 @p2 $0x1082  }
0x22: {  	[simem:s7], [sflag:s8] =	dma.local @!p0 [hbm:s6], $0xF7A  }
0x23: {  	s9 =	sor.u32 $0xD0000000, s2;
	s6 =	simm.s32 $0x108;
	_ =	swait.ge @!p0 [sflag:s8], $0x0  }
0x24: {  	s3 =	sadd.s32 $0x88, s3;
	s6 =	simm.s32 @!p1 $0x1082;
	[sflag:s4] =	ssyncset.s32 $0xFFFFF086  }
0x25: {  	[simem:s6], [sflag:s4] =	dma.local [hbm:s3], $0xF7A  }
0x26: {  	[smem:$0x3F9A] =	sst s1;
	(tag) =	ssettag s2;
	_ =	strace s9  }
0x27: {  	s1 =	sld [smem:$0x3FAA]  }
0x28: {  	s2 =	sld [smem:$0x3FAB]  }
0x29: {  	s4 =	sld [smem:$0x3FAD]  }
0x2a: {  	p0 =	seq.s32 s5, $0x0;
	s5 =	sld [smem:$0x3FAE]  }
0x2b: {  	s6 =	sld [smem:$0x3FAF]  }
0x2c: {  	s7 =	sld [smem:$0x3FB0]  }
0x2d: {  	s3 =	simm.s32 $0x108;
	s8 =	sld [smem:$0x3FB1]  }
0x2e: {  	s3 =	simm.s32 @!p0 $0x1082;
	s9 =	sld [smem:$0x3FB2]  }
0x2f: {  	lr =	sadd.s32 s0, s3;
	s0 =	sld [smem:$0x3FA9]  }
0x30: {  	s3 =	sld [smem:$0x3FAC]  }
0x31: {  	[smem:$0x3FB5] =	sst s10  }
0x32: {  	s10 =	sld [smem:$0x3FB3];
	_ =	sdelay $0x3  }
0x33: {  	p0 =	seq.s32 s10, $0x1;
	s10 =	sld [smem:$0x3FB5];
	_ =	sdelay $0x3  }
0x34: {  	[smem:$0x3FB5] =	sst s10  }
0x35: {  	s10 =	sld [smem:$0x3FB4];
	_ =	sdelay $0x3  }
0x36: {  	p1 =	seq.s32 s10, $0x1;
	s10 =	sld [smem:$0x3FB5];
	_ =	sdelay $0x3  }
0x37: {  	[smem:$0x3FB5] =	sst s10  }
0x38: {  	s10 =	sld [smem:$0x3FB6]  }
0x39: {  	_ = 	snop;
	(pc) =	sbr.ind lr, $3  }
0x3a: {  	_ = 	snop  }
0x3b: {  	_ = 	snop  }
0x3c: {  	p2 =	seq.s32 s10, $0x1;
	s10 =	sld [smem:$0x3FB5]  }
0x3d: {  	_ =	shalt  }
0x3e: {  	_ =	shalt  }
0x3f: {  	_ =	shalt  }
0x40: {  	_ =	shalt  }
0x41: {  	_ =	shalt  }
0x42: {  	_ =	shalt  }
0x43: {  	_ =	shalt  }
0x44: {  	_ =	shalt  }
0x45: {  	_ =	shalt  }
0x46: {  	_ =	shalt  }
0x47: {  	_ =	shalt  }
0x48: {  	_ =	shalt  }
0x49: {  	_ =	shalt  }
0x4a: {  	_ =	shalt  }
0x4b: {  	_ =	shalt  }
0x4c: {  	_ =	shalt  }
0x4d: {  	_ =	shalt  }
0x4e: {  	_ =	shalt  }
0x4f: {  	_ =	shalt  }
0x50: {  	_ =	shalt  }
0x51: {  	_ =	shalt  }
0x52: {  	_ =	shalt  }
0x53: {  	_ =	shalt  }
0x54: {  	_ =	shalt  }
0x55: {  	_ =	shalt  }
0x56: {  	_ =	shalt  }
0x57: {  	_ =	shalt  }
0x58: {  	_ =	shalt  }
0x59: {  	_ =	shalt  }
0x5a: {  	_ =	shalt  }
0x5b: {  	_ =	shalt  }
0x5c: {  	_ =	shalt  }
0x5d: {  	_ =	shalt  }
0x5e: {  	_ =	shalt  }
0x5f: {  	_ =	shalt  }
0x60: {  	_ =	shalt  }
0x61: {  	_ =	shalt  }
0x62: {  	_ =	shalt  }
0x63: {  	_ =	shalt  }
0x64: {  	_ =	shalt  }
0x65: {  	_ =	shalt  }
0x66: {  	_ =	shalt  }
0x67: {  	_ =	shalt  }
0x68: {  	_ =	shalt  }
0x69: {  	_ =	shalt  }
0x6a: {  	_ =	shalt  }
0x6b: {  	_ =	shalt  }
0x6c: {  	_ =	shalt  }
0x6d: {  	_ =	shalt  }
0x6e: {  	_ =	shalt  }
0x6f: {  	_ =	shalt  }
0x70: {  	_ =	shalt  }
0x71: {  	_ =	shalt  }
0x72: {  	_ =	shalt  }
0x73: {  	_ =	shalt  }
0x74: {  	_ =	shalt  }
0x75: {  	_ =	shalt  }
0x76: {  	_ =	shalt  }
0x77: {  	_ =	shalt  }
0x78: {  	_ =	shalt  }
0x79: {  	_ =	shalt  }
0x7a: {  	_ =	shalt  }
0x7b: {  	_ =	shalt  }
0x7c: {  	_ =	shalt  }
0x7d: {  	_ =	shalt  }
0x7e: {  	_ =	shalt  }
0x7f: {  	_ =	shalt  }
0x80: {  	_ =	shalt  }
0x81: {  	_ =	shalt  }
0x82: {  	_ =	shalt  }
0x83: {  	_ =	shalt  }
0x84: {  	_ =	shalt  }
0x85: {  	_ =	shalt  }
0x86: {  	_ =	shalt  }
0x87: {  	_ =	shalt  }
.Lfunc_end0:
.L_simem_size_0:
called_computation.1_lowered:
.L_overlay_start_0:
0x88: {  	s2 =	sld [smem:$0x3FD9]  }
0x89: {  	s3 =	sld [smem:$0x3FFE];
	_ =	sdelay $0x1  }
0x8a: {  	s1 =	srdreg.scid  }
0x8b: {  	s0 =	sand.u32 $0x1, s1  }
0x8c: {  	s17 =	sshll.u32 s0, $0xA;
	s2 =	sadd.s32 s3, s2  }
0x8d: {  	s2 =	sadd.s32 s2, s17  }
0x8e: {  	[smem:$0x3FC1] =	sst s2  }
0x8f: {  	_ = 	snop  }
0x90: {  	s2 =	sld [smem:$0x3FD0];
	(tm) =	ssettm $0x1  }
0x91: {  	s18 =	sld [smem:$0x3FFB];
	_ =	sdelay $0x3  }
0x92: {  	_ =	strace s18  }
0x93: {  	s3 =	sld [smem:$0x3FFC];
	_ =	sdelay $0x3  }
0x94: {  	_ =	strace s3  }
0x95: {  	s3 =	sld [smem:$0x3FFD];
	_ =	sdelay $0x3  }
0x96: {  	_ =	strace s3  }
0x97: {  	_ =	strace $0x8FFFFFFF  }
0x98: {  	s19 =	sld [smem:$0x3FDB];
	_ =	sdelay $0x1  }
0x99: {  	s4 =	simm.s32 $_scs_section_size  }
0x9a: {  	s5 =	simm.s32 $_size__tile_overlayer_lowered;
	s6 =	simm.s32 $_tile_overlayer_lowered  }
0x9b: {  	s22 =	simm.s32 $0x1BFF;
	s21 =	sshll.u32 s6, $0x1;
	s3 =	sadd.s32 s4, s19  }
0x9c: {  	s7 =	simm.s32 $0x0;
	s20 =	sshll.u32 s5, $0x1;
	s5 =	sadd.s32 s21, s3  }
0x9d: {  	[timem:s7], [sflag:s22] =	dma.local [hbm:s5], s20  }
0x9e: {  	_ =	swait.ge [sflag:s22], s20  }
0x9f: {  	s4 =	ssub.s32 $0x0, s20;
	[sflag:s22] =	ssyncset.done $0x0  }
0xa0: {  	[sflag:s22] =	ssyncadd.s32 s4;
	_ =	sdelay $0x1  }
0xa1: {  	s23 =	simm.s32 $0x1B8B  }
0xa2: {  	_ =	swait.ge [sflag:s23], $0x1  }
0xa3: {  	[sflag:s23] =	ssyncset.done $0x0  }
0xa4: {  	s25 =	simm.s32 $0x1B8E;
	s24 =	sld [smem:$0x3FFE];
	[sflag:s23] =	ssyncadd.s32 $0xFFFFFFFF  }
0xa5: {  	s26 =	simm.s32 $execute0_lowered;
	[smem:$0x3FD2] =	sst s25  }
0xa6: {  	s5 =	sshll.u32 s26, $0x1;
	_ =	strace $0x80000049;
	[dreg:$0x1] =	wrdreg $0xFFFFFFFF  }
0xa7: {  	s28 =	simm.s32 $_size_execute0_lowered;
	s3 =	sadd.s32 s3, s5;
	[dreg:$0x0] =	wrdreg $0x0  }
0xa8: {  	s5 =	sshll.u32 s28, $0x1;
	[dreg:$0x2] =	wrdreg s3  }
0xa9: {  	[dreg:$0x3] =	wrdreg s5  }
0xaa: {  	[dreg:$0x4] =	wrdreg $0xC0  }
0xab: {  	_ =	task [dreg:s7], $0x5FFFF  }
0xac: {  	[dreg:$0x1] =	wrdreg $0xFFFFFFFF  }
0xad: {  	[dreg:$0x0] =	wrdreg $0x60  }
0xae: {  	[dreg:$0x2] =	wrdreg s24  }
0xaf: {  	[dreg:$0x3] =	wrdreg s2  }
0xb0: {  	[dreg:$0x4] =	wrdreg $0xB1A00  }
0xb1: {  	[dreg:$0x5] =	wrdreg $0x9  }
0xb2: {  	_ =	task.clear_ibuf [dreg:s7], $0x6FFFF;
	_ =	strace $0x90000049  }
0xb3: {  	s29 =	simm.s32 $0x9;
	_ =	strace $0x8000004B  }
0xb4: {  	_ =	swait.ge [sflag:s29], $0x1  }
0xb5: {  	[sflag:s29] =	ssyncadd.s32 $0xFFFFFFFF  }
0xb6: {  	_ =	strace $0x9000004B  }
0xb7: {  	_ =	sfence  }
0xb8: {  	s30 =	sld [smem:$0x0];
	_ =	sdelay $0x2  }
0xb9: {  	s31 =	sshll.u32 s1, $0xD;
	s1 =	sshrl.u32 s1, $0x2  }
0xba: {  	s3 =	sand.u32 $0x4000, s31;
	s1 =	sadd.s32 s1, s30  }
0xbb: {  	s0 =	sor.u32 s3, s0;
	s1 =	sshll.u32 s1, $0x11  }
0xbc: {  	s0 =	sor.u32 s1, s0  }
0xbd: {  	s0 =	sadd.s32 $0x8F2B, s0  }
0xbe: {  	[sflag:s0] =	ssyncadd.remote.s32 $0x1  }
0xbf: {  	_ =	sfence.sel $0xFFFF  }
0xc0: {  	[dreg:$0x0] =	wrdreg $0xFFFFFFFF;
	(pc) =	sbr.abs _section_cstart, $3  }
0xc1: {  	[dreg:$0x1] =	wrdreg $0xFFFFFFFF  }
0xc2: {  	_ =	task.clear_ibuf [dreg:s7], $0x2FFFF;
	_ =	strace $0x9FFFFFFF  }
0xc3: {  	(tm) =	ssettm $0x7FFFFFFF  }
tec
execute0_lowered:
.L_overlay_start_1:
0x0: {  	(tag) =	ssettag $0x1  }
0x1: {  	s0 =	rddreg [dreg:$0x0]  }
0x2: {  	s1 =	srdreg.scid;
	s3 =	rddreg [dreg:$0x1]  }
0x3: {  	s2 =	rddreg [dreg:$0x2];
	s10 =	stileid.u32  }
0x4: {  	s5 =	simm.s32 $0x0;
	s17 =	simm.s32 $0x9;
	s28 =	simm.s32 $0x1  }
0x5: {  	s30 =	simm.s32 $0x8A20;
	s31 =	simm.s32 $0x2;
	s29 =	simm.s32 $0x6  }
0x6: {  	s1 =	sand.u32 $0x1, s1;
	[smem:$0x7FF] =	sst s5;
	s8 =	smul.u32 $0x27000, s10  }
0x7: {  	s16 =	smul.u32 $0x13800, s10;
	s14 =	sadd.s32 $0x9C000, s2;
	p0 =	sne.s32 s10, $0xF  }
0x8: {  	s5 =	simm.s32 $0x8;
	s4 =	sshll.u32 s1, $0x4;
	_ =	strace $0x8000004A  }
0x9: {  	s7 =	ssub.s32 $0x2, s1;
	s1 =	smul.u32 $0x13880, s1;
	s4 =	sor.u32 s10, s4  }
0xa: {  	s9 =	sshrl.u32 s7, $0x1;
	s19 =	sshrl.u32 s8, $0x2;
	s20 =	sshrl.u32 s16, $0x1  }
0xb: {  	s26 =	sshrl.u32 s16, $0x4;
	s18 =	smul.u32 $0x4E2, s4;
	s4 =	sadd.s32 $0x64600, s0  }
0xc: {  	s7 =	ssub.s32 s7, s9;
	s21 =	sadd.s32 s19, s2;
	s15 =	sadd.s32 s3, s1  }
0xd: {  	s19 =	simm.s32 $0x2710;
	s1 =	simm.s32 $0x3;
	s3 =	simm.s32 $0x7  }
0xe: {  	s22 =	sadd.s32 $0x1380, s21;
	s23 =	sadd.s32 $0x2700, s21;
	s24 =	sadd.s32 $0x3A80, s21  }
0xf: {  	s25 =	sadd.s32 $0x4E00, s21;
	s11 =	sadd.s32 $0x6180, s21;
	s12 =	sadd.s32 $0x7500, s21  }
0x10: {  	s13 =	sadd.s32 $0x8880, s21;
	s16 =	smax.u32 s7, $0x1;
	[dreg:$0x5] =	wrdreg s22  }
0x11: {  	s21 =	simm.s32 $0x50;
	s7 =	simm.s32 $0x0;
	[dreg:$0x6] =	wrdreg s23  }
0x12: {  	s6 =	sadd.s32 s18, s0;
	s0 =	sadd.s32 $0xC640, s0;
	[dreg:$0x7] =	wrdreg s24  }
0x13: {  	[dreg:$0x8] =	wrdreg s25;
	s22 =	simm.s32 $0x4E20;
	s23 =	simm.s32 $0x6220  }
0x14: {  	s25 =	sadd.s32 s26, s15;
	s26 =	simm.s32 $0x7620;
	s24 =	simm.s32 $0x5  }
0x15: {  	s6 =	sadd.s32 $0x2A00, s6;
	s18 =	sadd.s32 s18, s0;
	s0 =	simm.s32 $0x4  }
0x16: {  	v0 =	vimm.bf16 $0.0e+00;
	[dreg:$0x4] =	wrdreg s6;
	s6 =	sadd.s32 s20, s2;
	s20 =	simm.s32 $0x9E20  }
.LBB2_1:
0x17: {  	s8 =	simm.s32 $0x0;
	s9 =	rddreg [dreg:$0x4]  }
0x18: {  	[tilespmem:s8], [sflag:$0x9] =	stream.linear.gather [hbm4b:s9+s8], $0x2710, $0x38;
	[tilespmem:$0x14E20] =	vst v63  }
0x19: {  	_ =	swait.ge [sflag:s17], $0x2710  }
0x1a: {  	[sflag:s17] =	ssyncset.done $0x0  }
0x1b: {  	[sflag:s17] =	ssyncadd.s32 $0xFFFFD8F0  }
0x1c: {  	[tilespmem:s19], [sflag:$0x9] =	stream.linear.gather [hbm4b:s18+s8], $0x2710, $0x38;
	[tilespmem:$0x14E20] =	vst v63  }
0x1d: {  	_ =	swait.ge [sflag:s17], $0x2710  }
0x1e: {  	[sflag:s17] =	ssyncset.done $0x0  }
0x1f: {  	s9 =	simm.s32 $0x100;
	s8 =	simm.s32 $0x0;
	[sflag:s17] =	ssyncadd.s32 $0xFFFFD8F0  }
.LBB2_2:
0x20: {  	p1 =	sne.s32 s9, $0x4D00;
	[tilespmem:s8+$0x9E50] =	vst v0;
	s10 =	smov.u32 s9;
	s9 =	sadd.s32 $0x100, s9  }
.Ltmp0:
0x21: {  	[tilespmem:s8+$0x9E40] =	vst v0;
	(pc) =	sbr.rel @p1 .LBB2_2-.Ltmp0, $3  }
0x22: {  	[tilespmem:s8+$0x9E20] =	vst v0  }
0x23: {  	[tilespmem:s8+$0x9E30] =	vst v0;
	_ =	sdelay $0x1  }
0x24: {  	s8 =	sshra.s32 s10, $0x2  }
0x25: {  	[tilespmem:s8+$0x9E50] =	vst v0  }
0x26: {  	[tilespmem:s8+$0x9E40] =	vst v0  }
0x27: {  	[tilespmem:s8+$0x9E20] =	vst v0  }
0x28: {  	[tilespmem:s8+$0x9E30] =	vst v0  }
0x29: {  	[spmem:s6] =	stream.linear.scatter [tilespmem:s20], [sflag:$0x9], $0x1380, $0x38;
	[tilespmem:$0x14E20] =	vst v63  }
0x2a: {  	_ =	swait.ge [sflag:s17], $0x1380  }
0x2b: {  	[sflag:s17] =	ssyncset.done $0x0  }
0x2c: {  	s9 =	rddreg [dreg:$0x5];
	[sflag:s17] =	ssyncadd.s32 $0xFFFFEC80  }
0x2d: {  	[spmem:s9] =	stream.linear.scatter [tilespmem:s20], [sflag:$0x9], $0x1380, $0x38;
	[tilespmem:$0x14E20] =	vst v63  }
0x2e: {  	_ =	swait.ge [sflag:s17], $0x1380  }
0x2f: {  	[sflag:s17] =	ssyncset.done $0x0  }
0x30: {  	s10 =	rddreg [dreg:$0x6];
	[sflag:s17] =	ssyncadd.s32 $0xFFFFEC80  }
0x31: {  	[spmem:s10] =	stream.linear.scatter [tilespmem:s20], [sflag:$0x9], $0x1380, $0x38;
	[tilespmem:$0x14E20] =	vst v63  }
0x32: {  	_ =	swait.ge [sflag:s17], $0x1380  }
0x33: {  	[sflag:s17] =	ssyncset.done $0x0  }
0x34: {  	s9 =	rddreg [dreg:$0x7];
	[sflag:s17] =	ssyncadd.s32 $0xFFFFEC80  }
0x35: {  	[spmem:s9] =	stream.linear.scatter [tilespmem:s20], [sflag:$0x9], $0x1380, $0x38;
	[tilespmem:$0x14E20] =	vst v63  }
0x36: {  	_ =	swait.ge [sflag:s17], $0x1380  }
0x37: {  	[sflag:s17] =	ssyncset.done $0x0  }
0x38: {  	s10 =	rddreg [dreg:$0x8];
	[sflag:s17] =	ssyncadd.s32 $0xFFFFEC80  }
0x39: {  	[spmem:s10] =	stream.linear.scatter [tilespmem:s20], [sflag:$0x9], $0x1380, $0x38;
	[tilespmem:$0x14E20] =	vst v63  }
0x3a: {  	_ =	swait.ge [sflag:s17], $0x1380  }
0x3b: {  	[sflag:s17] =	ssyncset.done $0x0  }
0x3c: {  	[sflag:s17] =	ssyncadd.s32 $0xFFFFEC80  }
0x3d: {  	[spmem:s11] =	stream.linear.scatter [tilespmem:s20], [sflag:$0x9], $0x1380, $0x38;
	[tilespmem:$0x14E20] =	vst v63  }
0x3e: {  	_ =	swait.ge [sflag:s17], $0x1380  }
0x3f: {  	[sflag:s17] =	ssyncset.done $0x0  }
0x40: {  	[sflag:s17] =	ssyncadd.s32 $0xFFFFEC80  }
0x41: {  	[spmem:s12] =	stream.linear.scatter [tilespmem:s20], [sflag:$0x9], $0x1380, $0x38;
	[tilespmem:$0x14E20] =	vst v63  }
0x42: {  	_ =	swait.ge [sflag:s17], $0x1380  }
0x43: {  	[sflag:s17] =	ssyncset.done $0x0  }
0x44: {  	[sflag:s17] =	ssyncadd.s32 $0xFFFFEC80  }
0x45: {  	[spmem:s13] =	stream.linear.scatter [tilespmem:s20], [sflag:$0x9], $0x1380, $0x38;
	[tilespmem:$0x14E20] =	vst v63  }
0x46: {  	_ =	swait.ge [sflag:s17], $0x1380  }
0x47: {  	[sflag:s17] =	ssyncset.done $0x0  }
0x48: {  	s8 =	simm.s32 @!p0 $0x9E20;
	[sflag:s17] =	ssyncadd.s32 $0xFFFFEC80  }
0x49: {  	[spmem:s14] =	stream.linear.scatter @!p0 [tilespmem:s8], [sflag:$0x9], $0x800, $0x38;
	[tilespmem:$0x14E20] =	vst v63  }
0x4a: {  	s8 =	simm.s32 @!p0 $0x9  }
0x4b: {  	_ =	swait.ge @!p0 [sflag:s8], $0x800  }
0x4c: {  	[sflag:s8] =	ssyncset.done @!p0 $0x0  }
0x4d: {  	[sflag:s8] =	ssyncadd.s32 @!p0 $0xFFFFF800  }
0x4e: {  	s9 =	simm.s32 $0x0;
	[bflag:$0x0] =	sbarrier.arrive $0xFFFF  }
0x4f: {  	[tilespmem:s22], [sflag:$0x1] =	stream.indirect.gather [hbm4b:s4+s21], $0x40, s9, s21, $0xb8;
	[tilespmem:$0x14E20] =	vst v63  }
0x50: {  	_ = 	snop  }
0x51: {  	[tilespmem:s23], [sflag:$0x2] =	stream.indirect.gather [hbm4b:s4+s21], $0x40, s21, s21, $0xb8;
	[tilespmem:$0x14E20] =	vst v63  }
0x52: {  	s10 =	simm.s32 $0xA0  }
0x53: {  	[tilespmem:s26], [sflag:$0x3] =	stream.indirect.gather [hbm4b:s4+s21], $0x40, s10, s21, $0xb8;
	[tilespmem:$0x14E20] =	vst v63  }
0x54: {  	_ =	swait.ge [sflag:s28], $0x1400  }
0x55: {  	[sflag:s28] =	ssyncset.done $0x0  }
0x56: {  	[sflag:s28] =	ssyncadd.s32 $0xFFFFEC00  }
0x57: {  	[spmem:s2] =	stream.indirect.scatter.add.bf16 [tilespmem:s22], [sflag:$0x5], $0x40, s19, s21, $0xb8;
	[tilespmem:$0x14E20] =	vst v63  }
0x58: {  	s9 =	simm.s32 $0xF0  }
0x59: {  	[tilespmem:s30], [sflag:$0x4] =	stream.indirect.gather [hbm4b:s4+s21], $0x40, s9, s21, $0xb8;
	[tilespmem:$0x14E20] =	vst v63  }
0x5a: {  	_ =	swait.ge [sflag:s31], $0x1400  }
0x5b: {  	[sflag:s31] =	ssyncset.done $0x0  }
0x5c: {  	s10 =	simm.s32 $0x2760;
	[sflag:s31] =	ssyncadd.s32 $0xFFFFEC00  }
0x5d: {  	[spmem:s2] =	stream.indirect.scatter.add.bf16 [tilespmem:s23], [sflag:$0x6], $0x40, s10, s21, $0xb8;
	[tilespmem:$0x14E20] =	vst v63  }
0x5e: {  	_ =	swait.ge [sflag:s24], $0x1400  }
0x5f: {  	[sflag:s24] =	ssyncset.done $0x0  }
0x60: {  	s9 =	simm.s32 $0x140;
	[sflag:s24] =	ssyncadd.s32 $0xFFFFEC00  }
0x61: {  	[tilespmem:s22], [sflag:$0x1] =	stream.indirect.gather [hbm4b:s4+s21], $0x40, s9, s21, $0xb8;
	[tilespmem:$0x14E20] =	vst v63  }
0x62: {  	_ =	swait.ge [sflag:s1], $0x1400  }
0x63: {  	[sflag:s1] =	ssyncset.done $0x0  }
0x64: {  	s10 =	simm.s32 $0x27B0;
	[sflag:s1] =	ssyncadd.s32 $0xFFFFEC00  }
0x65: {  	[spmem:s2] =	stream.indirect.scatter.add.bf16 [tilespmem:s26], [sflag:$0x7], $0x40, s10, s21, $0xb8;
	[tilespmem:$0x14E20] =	vst v63  }
0x66: {  	_ =	swait.ge [sflag:s29], $0x1400  }
0x67: {  	[sflag:s29] =	ssyncset.done $0x0  }
0x68: {  	s9 =	simm.s32 $0x190;
	[sflag:s29] =	ssyncadd.s32 $0xFFFFEC00  }
0x69: {  	[tilespmem:s23], [sflag:$0x2] =	stream.indirect.gather [hbm4b:s4+s21], $0x40, s9, s21, $0xb8;
	[tilespmem:$0x14E20] =	vst v63  }
0x6a: {  	_ =	swait.ge [sflag:s0], $0x1400  }
0x6b: {  	[sflag:s0] =	ssyncset.done $0x0  }
0x6c: {  	s10 =	simm.s32 $0x2800;
	[sflag:s0] =	ssyncadd.s32 $0xFFFFEC00  }
0x6d: {  	[spmem:s2] =	stream.indirect.scatter.add.bf16 [tilespmem:s30], [sflag:$0x8], $0x40, s10, s21, $0xb8;
	[tilespmem:$0x14E20] =	vst v63  }
0x6e: {  	_ =	swait.ge [sflag:s3], $0x1400  }
0x6f: {  	[sflag:s3] =	ssyncset.done $0x0  }
0x70: {  	s9 =	simm.s32 $0x1E0;
	[sflag:s3] =	ssyncadd.s32 $0xFFFFEC00  }
0x71: {  	[tilespmem:s26], [sflag:$0x3] =	stream.indirect.gather [hbm4b:s4+s21], $0x40, s9, s21, $0xb8;
	[tilespmem:$0x14E20] =	vst v63  }
0x72: {  	_ =	swait.ge [sflag:s28], $0x1400  }
0x73: {  	[sflag:s28] =	ssyncset.done $0x0  }
0x74: {  	s10 =	simm.s32 $0x2850;
	[sflag:s28] =	ssyncadd.s32 $0xFFFFEC00  }
0x75: {  	[spmem:s2] =	stream.indirect.scatter.add.bf16 [tilespmem:s22], [sflag:$0x5], $0x40, s10, s21, $0xb8;
	[tilespmem:$0x14E20] =	vst v63  }
0x76: {  	_ =	swait.ge [sflag:s5], $0x1400  }
0x77: {  	[sflag:s5] =	ssyncset.done $0x0  }
0x78: {  	s9 =	simm.s32 $0x230;
	[sflag:s5] =	ssyncadd.s32 $0xFFFFEC00  }
0x79: {  	[tilespmem:s30], [sflag:$0x4] =	stream.indirect.gather [hbm4b:s4+s21], $0x40, s9, s21, $0xb8;
	[tilespmem:$0x14E20] =	vst v63  }
0x7a: {  	_ =	swait.ge [sflag:s31], $0x1400  }
0x7b: {  	[sflag:s31] =	ssyncset.done $0x0  }
0x7c: {  	s10 =	simm.s32 $0x28A0;
	[sflag:s31] =	ssyncadd.s32 $0xFFFFEC00  }
0x7d: {  	[spmem:s2] =	stream.indirect.scatter.add.bf16 [tilespmem:s23], [sflag:$0x6], $0x40, s10, s21, $0xb8;
	[tilespmem:$0x14E20] =	vst v63  }
0x7e: {  	_ =	swait.ge [sflag:s24], $0x1400  }
0x7f: {  	[sflag:s24] =	ssyncset.done $0x0  }
0x80: {  	s9 =	simm.s32 $0x280;
	[sflag:s24] =	ssyncadd.s32 $0xFFFFEC00  }
0x81: {  	[tilespmem:s22], [sflag:$0x1] =	stream.indirect.gather [hbm4b:s4+s21], $0x40, s9, s21, $0xb8;
	[tilespmem:$0x14E20] =	vst v63  }
0x82: {  	_ =	swait.ge [sflag:s1], $0x1400  }
0x83: {  	[sflag:s1] =	ssyncset.done $0x0  }
0x84: {  	s10 =	simm.s32 $0x28F0;
	[sflag:s1] =	ssyncadd.s32 $0xFFFFEC00  }
0x85: {  	[spmem:s2] =	stream.indirect.scatter.add.bf16 [tilespmem:s26], [sflag:$0x7], $0x40, s10, s21, $0xb8;
	[tilespmem:$0x14E20] =	vst v63  }
0x86: {  	_ =	swait.ge [sflag:s29], $0x1400  }
0x87: {  	[sflag:s29] =	ssyncset.done $0x0  }
0x88: {  	s9 =	simm.s32 $0x2D0;
	[sflag:s29] =	ssyncadd.s32 $0xFFFFEC00  }
0x89: {  	[tilespmem:s23], [sflag:$0x2] =	stream.indirect.gather [hbm4b:s4+s21], $0x40, s9, s21, $0xb8;
	[tilespmem:$0x14E20] =	vst v63  }
0x8a: {  	_ =	swait.ge [sflag:s0], $0x1400  }
0x8b: {  	[sflag:s0] =	ssyncset.done $0x0  }
0x8c: {  	s10 =	simm.s32 $0x2940;
	[sflag:s0] =	ssyncadd.s32 $0xFFFFEC00  }
0x8d: {  	[spmem:s2] =	stream.indirect.scatter.add.bf16 [tilespmem:s30], [sflag:$0x8], $0x40, s10, s21, $0xb8;
	[tilespmem:$0x14E20] =	vst v63  }
0x8e: {  	_ =	swait.ge [sflag:s3], $0x1400  }
0x8f: {  	[sflag:s3] =	ssyncset.done $0x0  }
0x90: {  	s8 =	simm.s32 $0x500;
	s9 =	simm.s32 $0x320;
	[sflag:s3] =	ssyncadd.s32 $0xFFFFEC00  }
.LBB2_4:
0x91: {  	[tilespmem:s26], [sflag:$0x3] =	stream.indirect.gather [hbm4b:s4+s21], $0x40, s9, s21, $0xb8;
	[tilespmem:$0x14E20] =	vst v63  }
0x92: {  	s9 =	smov.u32 s8  }
0x93: {  	p1 =	sne.s32 s8, $0x8C00;
	s8 =	sadd.s32 $0x500, s8;
	_ =	swait.ge [sflag:s28], $0x1400  }
0x94: {  	s9 =	sshra.s32 s9, $0x2;
	[sflag:s28] =	ssyncset.done $0x0  }
0x95: {  	s10 =	sadd.s32 $0x2850, s9;
	[sflag:s28] =	ssyncadd.s32 $0xFFFFEC00  }
0x96: {  	[spmem:s2] =	stream.indirect.scatter.add.bf16 [tilespmem:s22], [sflag:$0x5], $0x40, s10, s21, $0xb8;
	[tilespmem:$0x14E20] =	vst v63  }
0x97: {  	_ =	swait.ge [sflag:s5], $0x1400  }
0x98: {  	[sflag:s5] =	ssyncset.done $0x0  }
0x99: {  	s10 =	sadd.s32 $0x230, s9;
	[sflag:s5] =	ssyncadd.s32 $0xFFFFEC00  }
0x9a: {  	[tilespmem:s30], [sflag:$0x4] =	stream.indirect.gather [hbm4b:s4+s21], $0x40, s10, s21, $0xb8;
	[tilespmem:$0x14E20] =	vst v63  }
0x9b: {  	_ =	swait.ge [sflag:s31], $0x1400  }
0x9c: {  	[sflag:s31] =	ssyncset.done $0x0  }
0x9d: {  	s10 =	sadd.s32 $0x28A0, s9;
	[sflag:s31] =	ssyncadd.s32 $0xFFFFEC00  }
0x9e: {  	[spmem:s2] =	stream.indirect.scatter.add.bf16 [tilespmem:s23], [sflag:$0x6], $0x40, s10, s21, $0xb8;
	[tilespmem:$0x14E20] =	vst v63  }
0x9f: {  	_ =	swait.ge [sflag:s24], $0x1400  }
0xa0: {  	[sflag:s24] =	ssyncset.done $0x0  }
0xa1: {  	s10 =	sadd.s32 $0x280, s9;
	[sflag:s24] =	ssyncadd.s32 $0xFFFFEC00  }
0xa2: {  	[tilespmem:s22], [sflag:$0x1] =	stream.indirect.gather [hbm4b:s4+s21], $0x40, s10, s21, $0xb8;
	[tilespmem:$0x14E20] =	vst v63  }
0xa3: {  	_ =	swait.ge [sflag:s1], $0x1400  }
0xa4: {  	[sflag:s1] =	ssyncset.done $0x0  }
0xa5: {  	s10 =	sadd.s32 $0x28F0, s9;
	[sflag:s1] =	ssyncadd.s32 $0xFFFFEC00  }
0xa6: {  	[spmem:s2] =	stream.indirect.scatter.add.bf16 [tilespmem:s26], [sflag:$0x7], $0x40, s10, s21, $0xb8;
	[tilespmem:$0x14E20] =	vst v63  }
0xa7: {  	_ =	swait.ge [sflag:s29], $0x1400  }
0xa8: {  	[sflag:s29] =	ssyncset.done $0x0  }
0xa9: {  	s10 =	sadd.s32 $0x2D0, s9;
	[sflag:s29] =	ssyncadd.s32 $0xFFFFEC00  }
0xaa: {  	[tilespmem:s23], [sflag:$0x2] =	stream.indirect.gather [hbm4b:s4+s21], $0x40, s10, s21, $0xb8;
	[tilespmem:$0x14E20] =	vst v63  }
0xab: {  	_ =	swait.ge [sflag:s0], $0x1400  }
0xac: {  	[sflag:s0] =	ssyncset.done $0x0  }
.Ltmp1:
0xad: {  	s10 =	sadd.s32 $0x2940, s9;
	[sflag:s0] =	ssyncadd.s32 $0xFFFFEC00;
	(pc) =	sbr.rel @p1 .LBB2_4-.Ltmp1, $4  }
0xae: {  	[spmem:s2] =	stream.indirect.scatter.add.bf16 [tilespmem:s30], [sflag:$0x8], $0x40, s10, s21, $0xb8;
	[tilespmem:$0x14E20] =	vst v63  }
0xaf: {  	_ =	swait.ge [sflag:s3], $0x1400  }
0xb0: {  	[sflag:s3] =	ssyncset.done $0x0  }
0xb1: {  	s9 =	sadd.s32 $0x320, s9;
	[sflag:s3] =	ssyncadd.s32 $0xFFFFEC00  }
0xb2: {  	[tilespmem:s26], [sflag:$0x3] =	stream.indirect.gather [hbm4b:s4+s21], $0x40, s9, s21, $0xb8;
	[tilespmem:$0x14E20] =	vst v63  }
0xb3: {  	_ =	swait.ge [sflag:s28], $0x1400  }
0xb4: {  	[sflag:s28] =	ssyncset.done $0x0  }
0xb5: {  	s8 =	simm.s32 $0x4C90;
	[sflag:s28] =	ssyncadd.s32 $0xFFFFEC00  }
0xb6: {  	[spmem:s2] =	stream.indirect.scatter.add.bf16 [tilespmem:s22], [sflag:$0x5], $0x40, s8, s21, $0xb8;
	[tilespmem:$0x14E20] =	vst v63  }
0xb7: {  	_ =	swait.ge [sflag:s5], $0x1400  }
0xb8: {  	[sflag:s5] =	ssyncset.done $0x0  }
0xb9: {  	s9 =	simm.s32 $0x2670;
	[sflag:s5] =	ssyncadd.s32 $0xFFFFEC00  }
0xba: {  	[tilespmem:s30], [sflag:$0x4] =	stream.indirect.gather [hbm4b:s4+s21], $0x40, s9, s21, $0xb8;
	[tilespmem:$0x14E20] =	vst v63  }
0xbb: {  	_ =	swait.ge [sflag:s31], $0x1400  }
0xbc: {  	[sflag:s31] =	ssyncset.done $0x0  }
0xbd: {  	s10 =	simm.s32 $0x4CE0;
	[sflag:s31] =	ssyncadd.s32 $0xFFFFEC00  }
0xbe: {  	[spmem:s2] =	stream.indirect.scatter.add.bf16 [tilespmem:s23], [sflag:$0x6], $0x40, s10, s21, $0xb8;
	[tilespmem:$0x14E20] =	vst v63  }
0xbf: {  	_ =	swait.ge [sflag:s24], $0x1400  }
0xc0: {  	[sflag:s24] =	ssyncset.done $0x0  }
0xc1: {  	s9 =	simm.s32 $0x26C0;
	[sflag:s24] =	ssyncadd.s32 $0xFFFFEC00  }
0xc2: {  	[tilespmem:s22], [sflag:$0x1] =	stream.indirect.gather [hbm4b:s4+s21], $0x40, s9, s21, $0xb8;
	[tilespmem:$0x14E20] =	vst v63  }
0xc3: {  	_ =	swait.ge [sflag:s1], $0x1400  }
0xc4: {  	[sflag:s1] =	ssyncset.done $0x0  }
0xc5: {  	s10 =	simm.s32 $0x4D30;
	[sflag:s1] =	ssyncadd.s32 $0xFFFFEC00  }
0xc6: {  	[spmem:s2] =	stream.indirect.scatter.add.bf16 [tilespmem:s26], [sflag:$0x7], $0x40, s10, s21, $0xb8;
	[tilespmem:$0x14E20] =	vst v63  }
0xc7: {  	_ =	swait.ge [sflag:s29], $0x1400  }
0xc8: {  	[sflag:s29] =	ssyncset.done $0x0  }
0xc9: {  	[sflag:s29] =	ssyncadd.s32 $0xFFFFEC00  }
0xca: {  	_ =	swait.ge [sflag:s0], $0x1400  }
0xcb: {  	[sflag:s0] =	ssyncset.done $0x0  }
0xcc: {  	s9 =	simm.s32 $0x4D80;
	[sflag:s0] =	ssyncadd.s32 $0xFFFFEC00  }
0xcd: {  	[spmem:s2] =	stream.indirect.scatter.add.bf16 [tilespmem:s30], [sflag:$0x8], $0x40, s9, s21, $0xb8;
	[tilespmem:$0x14E20] =	vst v63  }
0xce: {  	_ =	swait.ge [sflag:s3], $0x1400  }
0xcf: {  	[sflag:s3] =	ssyncset.done $0x0  }
0xd0: {  	[sflag:s3] =	ssyncadd.s32 $0xFFFFEC00  }
0xd1: {  	_ =	swait.ge [sflag:s28], $0x1400  }
0xd2: {  	[sflag:s28] =	ssyncset.done $0x0  }
0xd3: {  	s10 =	simm.s32 $0x4DD0;
	[sflag:s28] =	ssyncadd.s32 $0xFFFFEC00  }
0xd4: {  	[spmem:s2] =	stream.indirect.scatter.add.bf16 [tilespmem:s22], [sflag:$0x5], $0x40, s10, s21, $0xb8;
	[tilespmem:$0x14E20] =	vst v63  }
0xd5: {  	_ =	swait.ge [sflag:s5], $0x1400  }
0xd6: {  	[sflag:s5] =	ssyncset.done $0x0  }
0xd7: {  	[sflag:s5] =	ssyncadd.s32 $0xFFFFEC00  }
0xd8: {  	_ =	swait.ge [sflag:s24], $0x1400  }
0xd9: {  	s9 =	stileid.u32;
	[sflag:s24] =	ssyncset.done $0x0  }
0xda: {  	s8 =	sshll.u32 s9, $0x6;
	[sflag:s24] =	ssyncadd.s32 $0xFFFFEC00  }
0xdb: {  	s8 =	sor.u32 $0x1C09, s8;
	s10 =	sshrl.u32 s6, $0x3;
	[bflag:$0x0] =	sbarrier.arrive $0xFFFF  }
0xdc: {  	[hbm:s25], [sflag:s8] =	dma.local [spmem:s10], $0x1380  }
0xdd: {  	s7 =	sadd.s32 $0x1, s7;
	_ =	swait.ge [sflag:s17], $0x1380  }
0xde: {  	p1 =	sne.s32 s7, s16;
	[sflag:s17] =	ssyncset.done $0x0  }
0xdf: {  	s9 =	sadd.s32 @!p0 $0x13800, s15;
	s10 =	sshrl.u32 @!p0 s14, $0x3;
	[sflag:s17] =	ssyncadd.s32 $0xFFFFEC80  }
0xe0: {  	[hbm:s9], [sflag:s8] =	dma.local @!p0 [spmem:s10], $0x80  }
.Ltmp2:
0xe1: {  	_ = 	snop;
	(pc) =	sbr.rel @p1 .LBB2_1-.Ltmp2, $4  }
0xe2: {  	s8 =	simm.s32 @!p0 $0x9  }
0xe3: {  	_ =	swait.ge @!p0 [sflag:s8], $0x80  }
0xe4: {  	[sflag:s8] =	ssyncset.done @!p0 $0x0  }
0xe5: {  	[sflag:s8] =	ssyncadd.s32 @!p0 $0xFFFFFF80  }
0xe6: {  	_ =	sfence.sel $0x180000  }
0xe7: {  	[bflag:$0x0] =	sbarrier.arrive $0xFFFF  }
0xe8: {  	_ =	strace $0x9000004A  }
0xe9: {  	s0 =	stileid.u32;
	[bflag:$0x2] =	sbarrier.arrive $0xFFFF  }
0xea: {  	p0 =	sne.s32 s0, $0x0;
	s0 =	rddreg [dreg:$0x3]  }
0xeb: {  	s0 =	sadd.s32 @!p0 $0x100000, s0  }
0xec: {  	[sflag:s0] =	ssyncadd.tile.s32 @!p0 $0x1;
	_ =	shalt  }
.Lfunc_end2:
_tile_overlayer_lowered:
.L_overlay_start_2:
0xed: {  	(tag) =	ssettag $0x2  }
0xee: {  	s0 =	rddreg [dreg:$0x0];
	s2 =	stileid.u32  }
0xef: {  	s1 =	rddreg [dreg:$0x1];
	p0 =	sne.s32 s2, $0x0  }
0xf0: {  	s3 =	rddreg [dreg:$0x2];
	[bflag:$0x3] =	sbarrier.arrive $0xFFFF;
	s2 =	simm.s32 @!p0 $0x1C09  }
0xf1: {  	[timem:s3], [sflag:s2] =	dma.local @!p0 [hbm:s0], s1  }
0xf2: {  	s0 =	simm.s32 @!p0 $0x9  }
0xf3: {  	_ =	swait.ge @!p0 [sflag:s0], s1  }
0xf4: {  	s1 =	ssub.s32 @!p0 $0x0, s1;
	[sflag:s0] =	ssyncset.done @!p0 $0x0  }
0xf5: {  	[sflag:s0] =	ssyncadd.s32 @!p0 s1  }
0xf6: {  	[bflag:$0x3] =	sbarrier.arrive $0xFFFF  }
0xf7: {  	_ =	shalt  }

// kernel: kernel.7.cloned.1.call-start
scs
__scs_entry_jumppad:
0x0: {  	(pc) =	sbr.rel $0x88, $3  }
0x1: {  	(tag) =	ssettag $0x0;
	lr =	simm.s32 $0x1  }
0x2: {  	[smem:$0x3F9A] =	sst lr;
	_ =	strace $0xD0000000  }
0x3: {  	_ = 	snop  }
0x4: {  	_ = 	snop  }
0x5: {  	_ = 	snop  }
0x6: {  	_ = 	snop  }
0x7: {  	_ = 	snop  }
__scs_overlays_trampoline_lowered:
0x8: {  	[smem:$0x3FA9] =	sst s0  }
0x9: {  	[smem:$0x3FAA] =	sst s1  }
0xa: {  	[smem:$0x3FAB] =	sst s2  }
0xb: {  	[smem:$0x3FAC] =	sst s3  }
0xc: {  	[smem:$0x3FAD] =	sst s4  }
0xd: {  	[smem:$0x3FAE] =	sst s5  }
0xe: {  	[smem:$0x3FAF] =	sst s6  }
0xf: {  	[smem:$0x3FB0] =	sst s7  }
0x10: {  	[smem:$0x3FB1] =	sst s8  }
0x11: {  	[smem:$0x3FB2] =	sst s9;
	s0 =	simm.s32 @!p0 $0x0  }
0x12: {  	s1 =	sld [smem:$0x3F98];
	s0 =	simm.s32 @p0 $0x1  }
0x13: {  	[smem:$0x3FB3] =	sst s0;
	s0 =	simm.s32 @!p1 $0x0  }
0x14: {  	s2 =	sld [smem:$0x3F97];
	s0 =	simm.s32 @p1 $0x1  }
0x15: {  	[smem:$0x3FB4] =	sst s0;
	s0 =	simm.s32 @!p2 $0x0  }
0x16: {  	s3 =	sld [smem:$0x3FDB];
	s0 =	simm.s32 @p2 $0x1  }
0x17: {  	s4 =	simm.s32 $0x1BF5;
	[smem:$0x3FB6] =	sst s0  }
0x18: {  	s0 =	sld [smem:$0x3F99];
	_ =	swait.ge [sflag:s4], $0x0  }
0x19: {  	s7 =	sld [smem:$0x3F9A]  }
0x1a: {  	s8 =	sadd.s32 $0xFFFFE003, lr  }
0x1b: {  	s9 =	sadd.s32 $0xFFFFFEF7, lr;
	s5 =	simm.s32 $0xFFFFFFFF;
	p2 =	slt.u32 s8, $0xFFFFF086  }
0x1c: {  	p1 =	slt.u32 s9, $0xF7A;
	s5 =	simm.s32 @!p2 $0x0  }
0x1d: {  	s5 =	simm.s32 @p1 $0x1;
	p0 =	seq.s32 s7, s2  }
0x1e: {  	s7 =	smul.u32 @!p0 $0xF7A, s2;
	p2 =	seq.s32 @!p0 s5, $0x0  }
0x1f: {  	s9 =	smul.u32 $0xF7A, s1;
	s8 =	simm.s32 @!p0 $0x1BF5;
	p2 =	por !p2, p0  }
0x20: {  	[sflag:s8] =	ssyncset.s32 @!p0 $0xFFFFF086;
	s6 =	sadd.s32 @!p0 s3, s7;
	s7 =	simm.s32 @!p0 $0x108  }
0x21: {  	s3 =	sadd.s32 s3, s9;
	s6 =	sadd.s32 @!p0 $0x88, s6;
	s7 =	simm.s32 @p2 $0x1082  }
0x22: {  	[simem:s7], [sflag:s8] =	dma.local @!p0 [hbm:s6], $0xF7A  }
0x23: {  	s9 =	sor.u32 $0xD0000000, s2;
	s6 =	simm.s32 $0x108;
	_ =	swait.ge @!p0 [sflag:s8], $0x0  }
0x24: {  	s3 =	sadd.s32 $0x88, s3;
	s6 =	simm.s32 @!p1 $0x1082;
	[sflag:s4] =	ssyncset.s32 $0xFFFFF086  }
0x25: {  	[simem:s6], [sflag:s4] =	dma.local [hbm:s3], $0xF7A  }
0x26: {  	[smem:$0x3F9A] =	sst s1;
	(tag) =	ssettag s2;
	_ =	strace s9  }
0x27: {  	s1 =	sld [smem:$0x3FAA]  }
0x28: {  	s2 =	sld [smem:$0x3FAB]  }
0x29: {  	s4 =	sld [smem:$0x3FAD]  }
0x2a: {  	p0 =	seq.s32 s5, $0x0;
	s5 =	sld [smem:$0x3FAE]  }
0x2b: {  	s6 =	sld [smem:$0x3FAF]  }
0x2c: {  	s7 =	sld [smem:$0x3FB0]  }
0x2d: {  	s3 =	simm.s32 $0x108;
	s8 =	sld [smem:$0x3FB1]  }
0x2e: {  	s3 =	simm.s32 @!p0 $0x1082;
	s9 =	sld [smem:$0x3FB2]  }
0x2f: {  	lr =	sadd.s32 s0, s3;
	s0 =	sld [smem:$0x3FA9]  }
0x30: {  	s3 =	sld [smem:$0x3FAC]  }
0x31: {  	[smem:$0x3FB5] =	sst s10  }
0x32: {  	s10 =	sld [smem:$0x3FB3];
	_ =	sdelay $0x3  }
0x33: {  	p0 =	seq.s32 s10, $0x1;
	s10 =	sld [smem:$0x3FB5];
	_ =	sdelay $0x3  }
0x34: {  	[smem:$0x3FB5] =	sst s10  }
0x35: {  	s10 =	sld [smem:$0x3FB4];
	_ =	sdelay $0x3  }
0x36: {  	p1 =	seq.s32 s10, $0x1;
	s10 =	sld [smem:$0x3FB5];
	_ =	sdelay $0x3  }
0x37: {  	[smem:$0x3FB5] =	sst s10  }
0x38: {  	s10 =	sld [smem:$0x3FB6]  }
0x39: {  	_ = 	snop;
	(pc) =	sbr.ind lr, $3  }
0x3a: {  	_ = 	snop  }
0x3b: {  	_ = 	snop  }
0x3c: {  	p2 =	seq.s32 s10, $0x1;
	s10 =	sld [smem:$0x3FB5]  }
0x3d: {  	_ =	shalt  }
0x3e: {  	_ =	shalt  }
0x3f: {  	_ =	shalt  }
0x40: {  	_ =	shalt  }
0x41: {  	_ =	shalt  }
0x42: {  	_ =	shalt  }
0x43: {  	_ =	shalt  }
0x44: {  	_ =	shalt  }
0x45: {  	_ =	shalt  }
0x46: {  	_ =	shalt  }
0x47: {  	_ =	shalt  }
0x48: {  	_ =	shalt  }
0x49: {  	_ =	shalt  }
0x4a: {  	_ =	shalt  }
0x4b: {  	_ =	shalt  }
0x4c: {  	_ =	shalt  }
0x4d: {  	_ =	shalt  }
0x4e: {  	_ =	shalt  }
0x4f: {  	_ =	shalt  }
0x50: {  	_ =	shalt  }
0x51: {  	_ =	shalt  }
0x52: {  	_ =	shalt  }
0x53: {  	_ =	shalt  }
0x54: {  	_ =	shalt  }
0x55: {  	_ =	shalt  }
0x56: {  	_ =	shalt  }
0x57: {  	_ =	shalt  }
0x58: {  	_ =	shalt  }
0x59: {  	_ =	shalt  }
0x5a: {  	_ =	shalt  }
0x5b: {  	_ =	shalt  }
0x5c: {  	_ =	shalt  }
0x5d: {  	_ =	shalt  }
0x5e: {  	_ =	shalt  }
0x5f: {  	_ =	shalt  }
0x60: {  	_ =	shalt  }
0x61: {  	_ =	shalt  }
0x62: {  	_ =	shalt  }
0x63: {  	_ =	shalt  }
0x64: {  	_ =	shalt  }
0x65: {  	_ =	shalt  }
0x66: {  	_ =	shalt  }
0x67: {  	_ =	shalt  }
0x68: {  	_ =	shalt  }
0x69: {  	_ =	shalt  }
0x6a: {  	_ =	shalt  }
0x6b: {  	_ =	shalt  }
0x6c: {  	_ =	shalt  }
0x6d: {  	_ =	shalt  }
0x6e: {  	_ =	shalt  }
0x6f: {  	_ =	shalt  }
0x70: {  	_ =	shalt  }
0x71: {  	_ =	shalt  }
0x72: {  	_ =	shalt  }
0x73: {  	_ =	shalt  }
0x74: {  	_ =	shalt  }
0x75: {  	_ =	shalt  }
0x76: {  	_ =	shalt  }
0x77: {  	_ =	shalt  }
0x78: {  	_ =	shalt  }
0x79: {  	_ =	shalt  }
0x7a: {  	_ =	shalt  }
0x7b: {  	_ =	shalt  }
0x7c: {  	_ =	shalt  }
0x7d: {  	_ =	shalt  }
0x7e: {  	_ =	shalt  }
0x7f: {  	_ =	shalt  }
0x80: {  	_ =	shalt  }
0x81: {  	_ =	shalt  }
0x82: {  	_ =	shalt  }
0x83: {  	_ =	shalt  }
0x84: {  	_ =	shalt  }
0x85: {  	_ =	shalt  }
0x86: {  	_ =	shalt  }
0x87: {  	_ =	shalt  }
.Lfunc_end0:
.L_simem_size_0:
called_computation_lowered:
.L_overlay_start_0:
0x88: {  	s2 =	sld [smem:$0x3FD9]  }
0x89: {  	s3 =	sld [smem:$0x3FFE];
	_ =	sdelay $0x1  }
0x8a: {  	s1 =	srdreg.scid  }
0x8b: {  	s0 =	sand.u32 $0x1, s1  }
0x8c: {  	s17 =	sshll.u32 s0, $0xA;
	s2 =	sadd.s32 s3, s2  }
0x8d: {  	s2 =	sadd.s32 s2, s17  }
0x8e: {  	[smem:$0x3FC1] =	sst s2  }
0x8f: {  	_ = 	snop  }
0x90: {  	s2 =	sld [smem:$0x3FD0];
	(tm) =	ssettm $0x1  }
0x91: {  	s18 =	sld [smem:$0x3FFB];
	_ =	sdelay $0x3  }
0x92: {  	_ =	strace s18  }
0x93: {  	s3 =	sld [smem:$0x3FFC];
	_ =	sdelay $0x3  }
0x94: {  	_ =	strace s3  }
0x95: {  	s3 =	sld [smem:$0x3FFD];
	_ =	sdelay $0x3  }
0x96: {  	_ =	strace s3  }
0x97: {  	_ =	strace $0x8FFFFFFF  }
0x98: {  	s19 =	sld [smem:$0x3FDB];
	_ =	sdelay $0x1  }
0x99: {  	s4 =	simm.s32 $_scs_section_size  }
0x9a: {  	s5 =	simm.s32 $_size__tile_overlayer_lowered;
	s6 =	simm.s32 $_tile_overlayer_lowered  }
0x9b: {  	s22 =	simm.s32 $0x1BFF;
	s21 =	sshll.u32 s6, $0x1;
	s3 =	sadd.s32 s4, s19  }
0x9c: {  	s7 =	simm.s32 $0x0;
	s20 =	sshll.u32 s5, $0x1;
	s5 =	sadd.s32 s21, s3  }
0x9d: {  	[timem:s7], [sflag:s22] =	dma.local [hbm:s5], s20  }
0x9e: {  	_ =	swait.ge [sflag:s22], s20  }
0x9f: {  	s4 =	ssub.s32 $0x0, s20;
	[sflag:s22] =	ssyncset.done $0x0  }
0xa0: {  	[sflag:s22] =	ssyncadd.s32 s4;
	_ =	sdelay $0x1  }
0xa1: {  	s23 =	simm.s32 $0x1B8B  }
0xa2: {  	_ =	swait.ge [sflag:s23], $0x1  }
0xa3: {  	[sflag:s23] =	ssyncset.done $0x0  }
0xa4: {  	s25 =	simm.s32 $0x1B8E;
	s24 =	sld [smem:$0x3FFE];
	[sflag:s23] =	ssyncadd.s32 $0xFFFFFFFF  }
0xa5: {  	s26 =	simm.s32 $execute0_lowered;
	[smem:$0x3FD2] =	sst s25  }
0xa6: {  	s5 =	sshll.u32 s26, $0x1;
	_ =	strace $0x80000046;
	[dreg:$0x1] =	wrdreg $0xFFFFFFFF  }
0xa7: {  	s28 =	simm.s32 $_size_execute0_lowered;
	s3 =	sadd.s32 s3, s5;
	[dreg:$0x0] =	wrdreg $0x0  }
0xa8: {  	s5 =	sshll.u32 s28, $0x1;
	[dreg:$0x2] =	wrdreg s3  }
0xa9: {  	[dreg:$0x3] =	wrdreg s5  }
0xaa: {  	[dreg:$0x4] =	wrdreg $0xC0  }
0xab: {  	_ =	task [dreg:s7], $0x5FFFF  }
0xac: {  	[dreg:$0x1] =	wrdreg $0xFFFFFFFF  }
0xad: {  	[dreg:$0x0] =	wrdreg $0x60  }
0xae: {  	[dreg:$0x2] =	wrdreg s24  }
0xaf: {  	[dreg:$0x3] =	wrdreg s2  }
0xb0: {  	[dreg:$0x4] =	wrdreg $0xBB800  }
0xb1: {  	[dreg:$0x5] =	wrdreg $0x158000  }
0xb2: {  	[dreg:$0x6] =	wrdreg $0x9  }
0xb3: {  	_ =	task.clear_ibuf [dreg:s7], $0x7FFFF;
	_ =	strace $0x90000046  }
0xb4: {  	s29 =	simm.s32 $0x9;
	_ =	strace $0x80000048  }
0xb5: {  	_ =	swait.ge [sflag:s29], $0x1  }
0xb6: {  	[sflag:s29] =	ssyncadd.s32 $0xFFFFFFFF  }
0xb7: {  	_ =	strace $0x90000048  }
0xb8: {  	_ =	sfence  }
0xb9: {  	s30 =	sld [smem:$0x0];
	_ =	sdelay $0x2  }
0xba: {  	s31 =	sshll.u32 s1, $0xD;
	s1 =	sshrl.u32 s1, $0x2  }
0xbb: {  	s3 =	sand.u32 $0x4000, s31;
	s1 =	sadd.s32 s1, s30  }
0xbc: {  	s0 =	sor.u32 s3, s0;
	s1 =	sshll.u32 s1, $0x11  }
0xbd: {  	s0 =	sor.u32 s1, s0  }
0xbe: {  	s0 =	sadd.s32 $0x8F2B, s0  }
0xbf: {  	[sflag:s0] =	ssyncadd.remote.s32 $0x1  }
0xc0: {  	_ =	sfence.sel $0xFFFF  }
0xc1: {  	[dreg:$0x0] =	wrdreg $0xFFFFFFFF;
	(pc) =	sbr.abs _section_cstart, $3  }
0xc2: {  	[dreg:$0x1] =	wrdreg $0xFFFFFFFF  }
0xc3: {  	_ =	task.clear_ibuf [dreg:s7], $0x2FFFF;
	_ =	strace $0x9FFFFFFF  }
0xc4: {  	(tm) =	ssettm $0x7FFFFFFF  }
0xc5: {  	_ =	shalt  }
tec
execute0_lowered:
.L_overlay_start_1:
0x0: {  	(tag) =	ssettag $0x1  }
0x1: {  	s0 =	rddreg [dreg:$0x0]  }
0x2: {  	s1 =	srdreg.scid;
	s4 =	rddreg [dreg:$0x1]  }
0x3: {  	s2 =	rddreg [dreg:$0x2];
	s15 =	stileid.u32  }
0x4: {  	s3 =	rddreg [dreg:$0x3];
	s7 =	simm.s32 $0x0;
	s9 =	smul.u32 $0x270, s15  }
0x5: {  	s1 =	sand.u32 $0x1, s1;
	[smem:$0x7FF] =	sst s7;
	s12 =	smul.u32 $0x13800, s15  }
0x6: {  	p0 =	sne.s32 s15, $0xF;
	s30 =	sadd.s32 $0x9C000, s2;
	s31 =	sadd.s32 $0x27000, s3  }
0x7: {  	s5 =	sshll.u32 s1, $0x4;
	s13 =	smul.u32 $0x4E20, s1;
	_ =	strace $0x80000047  }
0x8: {  	s8 =	ssub.s32 $0x2, s1;
	s1 =	smul.u32 $0x13880, s1;
	s5 =	sor.u32 s15, s5  }
0x9: {  	s11 =	sshrl.u32 s8, $0x1;
	s16 =	sshrl.u32 s12, $0x1;
	s17 =	sadd.s32 $0x4E, s9  }
0xa: {  	s19 =	sadd.s32 $0x9C, s9;
	s22 =	sadd.s32 $0xEA, s9;
	s26 =	sadd.s32 $0x186, s9  }
0xb: {  	s6 =	smul.u32 $0x4E2, s5;
	s5 =	sadd.s32 $0x16400, s0;
	s13 =	sadd.s32 s13, s0  }
0xc: {  	s8 =	ssub.s32 s8, s11;
	s7 =	sadd.s32 s16, s2;
	s18 =	sshll.u32 s17, $0x6  }
0xd: {  	s20 =	sshll.u32 s19, $0x6;
	s23 =	sshll.u32 s22, $0x6;
	s28 =	sshll.u32 s26, $0x6  }
0xe: {  	s16 =	sadd.s32 s4, s1;
	s4 =	simm.s32 $0x9E20;
	s11 =	sadd.s32 s18, s2  }
0xf: {  	s29 =	sadd.s32 s28, s2;
	s28 =	smax.u32 s8, $0x1;
	[dreg:$0x10] =	wrdreg s16  }
0x10: {  	s8 =	simm.s32 $0x50;
	s10 =	sadd.s32 s6, s0;
	[dreg:$0x6] =	wrdreg s11  }
0x11: {  	s0 =	sadd.s32 $0xC640, s0;
	s11 =	sshll.u32 s19, $0x4;
	[dreg:$0xe] =	wrdreg s29  }
0x12: {  	s19 =	sadd.s32 $0x222, s9;
	[dreg:$0x17] =	wrdreg s28;
	s14 =	sadd.s32 $0x2A00, s10  }
0x13: {  	s10 =	sshll.u32 s17, $0x4;
	s21 =	sadd.s32 s11, s3;
	s11 =	sadd.s32 s23, s2  }
0x14: {  	s17 =	sadd.s32 $0x1D4, s9;
	s0 =	sadd.s32 s6, s0;
	[dreg:$0x5] =	wrdreg s14  }
0x15: {  	s23 =	smul.u32 $0x2700, s15;
	s6 =	simm.s32 $0xB6A0;
	[dreg:$0x9] =	wrdreg s21  }
0x16: {  	s15 =	simm.s32 $0x2;
	s10 =	sadd.s32 s10, s3;
	[dreg:$0xa] =	wrdreg s11  }
0x17: {  	s14 =	sadd.s32 $0x138, s9;
	s11 =	sshll.u32 s26, $0x4;
	[dreg:$0x11] =	wrdreg s0  }
0x18: {  	s18 =	sshll.u32 s17, $0x6;
	s1 =	sshll.u32 s17, $0x4;
	s21 =	sshll.u32 s19, $0x6  }
0x19: {  	s26 =	sadd.s32 $0x29E00, s13;
	s9 =	simm.s32 $0x4E20;
	s13 =	simm.s32 $0xB1A0  }
0x1a: {  	s17 =	simm.s32 $0x5;
	[dreg:$0x7] =	wrdreg s10;
	s10 =	sadd.s32 s20, s2  }
0x1b: {  	s24 =	sshll.u32 s14, $0x6;
	s25 =	sshll.u32 s14, $0x4;
	[dreg:$0x16] =	wrdreg s26  }
0x1c: {  	s14 =	sadd.s32 s11, s3;
	s0 =	sadd.s32 s18, s2;
	[dreg:$0x8] =	wrdreg s10  }
0x1d: {  	s20 =	sadd.s32 s1, s3;
	s1 =	sshrl.u32 s23, $0x3;
	[dreg:$0xf] =	wrdreg s14  }
0x1e: {  	s11 =	simm.s32 $0x7620;
	s18 =	simm.s32 $0x7;
	[dreg:$0x12] =	wrdreg s0  }
0x1f: {  	s10 =	sshll.u32 s22, $0x4;
	[dreg:$0x13] =	wrdreg s20;
	s0 =	sadd.s32 s21, s2  }
0x20: {  	s22 =	sshll.u32 s19, $0x4;
	s29 =	sadd.s32 s1, s26;
	s1 =	simm.s32 $0x9  }
0x21: {  	s14 =	simm.s32 $0x8A20;
	s19 =	simm.s32 $0x3;
	s21 =	simm.s32 $0x6  }
0x22: {  	s26 =	simm.s32 $0x8;
	s20 =	simm.s32 $0x4DD0;
	[dreg:$0x14] =	wrdreg s0  }
0x23: {  	s10 =	sadd.s32 s10, s3;
	s0 =	sadd.s32 s22, s3;
	[dreg:$0x19] =	wrdreg s29  }
0x24: {  	s22 =	simm.s32 $0x4;
	[dreg:$0xb] =	wrdreg s10;
	s10 =	sadd.s32 s24, s2  }
0x25: {  	[dreg:$0x15] =	wrdreg s0;
	s24 =	sshrl.u32 s12, $0x4;
	s12 =	simm.s32 $0x1  }
0x26: {  	[dreg:$0xc] =	wrdreg s10;
	s10 =	sadd.s32 s25, s3;
	s25 =	sadd.s32 s23, s3  }
0x27: {  	s0 =	sadd.s32 s24, s16;
	s23 =	simm.s32 $0x0;
	[dreg:$0xd] =	wrdreg s10  }
0x28: {  	v0 =	vimm.bf16 $0.0e+00;
	v1 =	vimm.f32 $1.000000000e+00;
	v2 =	vimm.f32 $0.0e+00;
	[dreg:$0x18] =	wrdreg s0;
	s0 =	simm.s32 $0x2710;
	s10 =	simm.s32 $0x6220  }
.LBB2_1:
0x29: {  	s16 =	simm.s32 $0x0;
	s24 =	rddreg [dreg:$0x5]  }
0x2a: {  	[tilespmem:s16], [sflag:$0x9] =	stream.linear.gather [hbm4b:s24+s16], $0x2710, $0x38;
	[tilespmem:$0x17F20] =	vst v63  }
0x2b: {  	_ =	swait.ge [sflag:s1], $0x2710  }
0x2c: {  	[sflag:s1] =	ssyncset.done $0x0  }
0x2d: {  	s24 =	rddreg [dreg:$0x11];
	[sflag:s1] =	ssyncadd.s32 $0xFFFFD8F0  }
0x2e: {  	[tilespmem:s0], [sflag:$0x9] =	stream.linear.gather [hbm4b:s24+s16], $0x2710, $0x38;
	[tilespmem:$0x17F20] =	vst v63  }
0x2f: {  	_ =	swait.ge [sflag:s1], $0x2710  }
0x30: {  	[sflag:s1] =	ssyncset.done $0x0  }
0x31: {  	s29 =	simm.s32 $0x100;
	s28 =	simm.s32 $0x0;
	[sflag:s1] =	ssyncadd.s32 $0xFFFFD8F0  }
.LBB2_2:
0x32: {  	p1 =	sne.s32 s29, $0x4D00;
	[tilespmem:s28+$0x9E50] =	vst v0;
	s16 =	smov.u32 s29;
	s29 =	sadd.s32 $0x100, s29  }
.Ltmp0:
0x33: {  	[tilespmem:s28+$0x9E40] =	vst v0;
	(pc) =	sbr.rel @p1 .LBB2_2-.Ltmp0, $3  }
0x34: {  	[tilespmem:s28+$0x9E20] =	vst v0  }
0x35: {  	[tilespmem:s28+$0x9E30] =	vst v0;
	_ =	sdelay $0x1  }
0x36: {  	s28 =	sshra.s32 s16, $0x2  }
0x37: {  	[tilespmem:s28+$0x9E50] =	vst v0  }
0x38: {  	[tilespmem:s28+$0x9E40] =	vst v0  }
0x39: {  	[tilespmem:s28+$0x9E20] =	vst v0  }
0x3a: {  	[tilespmem:s28+$0x9E30] =	vst v0;
	s28 =	simm.s32 $0x40;
	s29 =	simm.s32 $0x0  }
.LBB2_4:
0x3b: {  	p1 =	sne.s32 s28, $0x13C0;
	[tilespmem:s29+$0xB1A0] =	vst v1;
	s16 =	smov.u32 s28;
	s28 =	sadd.s32 $0x40, s28  }
.Ltmp1:
0x3c: {  	(pc) =	sbr.rel @p1 .LBB2_4-.Ltmp1, $2  }
0x3d: {  	_ =	sdelay $0x2  }
0x3e: {  	s29 =	sshra.s32 s16, $0x2  }
0x3f: {  	[tilespmem:s29+$0xB1A0] =	vst v1;
	s28 =	simm.s32 $0x40;
	s29 =	simm.s32 $0x0  }
.LBB2_6:
0x40: {  	p1 =	sne.s32 s28, $0x1340;
	[tilespmem:s29+$0xB6A0] =	vst v2;
	s16 =	smov.u32 s28;
	s28 =	sadd.s32 $0x40, s28  }
.Ltmp2:
0x41: {  	(pc) =	sbr.rel @p1 .LBB2_6-.Ltmp2, $2  }
0x42: {  	_ =	sdelay $0x2  }
0x43: {  	s29 =	sshra.s32 s16, $0x2  }
0x44: {  	[tilespmem:s29+$0xB6A0] =	vst v2  }
0x45: {  	[spmem:s7] =	stream.linear.scatter [tilespmem:s4], [sflag:$0x9], $0x1380, $0x38;
	[tilespmem:$0x17F20] =	vst v63  }
0x46: {  	_ =	swait.ge [sflag:s1], $0x1380  }
0x47: {  	[sflag:s1] =	ssyncset.done $0x0  }
0x48: {  	[sflag:s1] =	ssyncadd.s32 $0xFFFFEC80  }
0x49: {  	[spmem:s25] =	stream.linear.scatter [tilespmem:s6], [sflag:$0x9], $0x4E0, $0x38;
	[tilespmem:$0x17F20] =	vst v63  }
0x4a: {  	_ =	swait.ge [sflag:s1], $0x4E0  }
0x4b: {  	[sflag:s1] =	ssyncset.done $0x0  }
0x4c: {  	s16 =	rddreg [dreg:$0x6];
	[sflag:s1] =	ssyncadd.s32 $0xFFFFFB20  }
0x4d: {  	[spmem:s16] =	stream.linear.scatter [tilespmem:s4], [sflag:$0x9], $0x1380, $0x38;
	[tilespmem:$0x17F20] =	vst v63  }
0x4e: {  	_ =	swait.ge [sflag:s1], $0x1380  }
0x4f: {  	[sflag:s1] =	ssyncset.done $0x0  }
0x50: {  	s24 =	rddreg [dreg:$0x7];
	[sflag:s1] =	ssyncadd.s32 $0xFFFFEC80  }
0x51: {  	[spmem:s24] =	stream.linear.scatter [tilespmem:s6], [sflag:$0x9], $0x4E0, $0x38;
	[tilespmem:$0x17F20] =	vst v63  }
0x52: {  	_ =	swait.ge [sflag:s1], $0x4E0  }
0x53: {  	[sflag:s1] =	ssyncset.done $0x0  }
0x54: {  	s24 =	rddreg [dreg:$0x8];
	[sflag:s1] =	ssyncadd.s32 $0xFFFFFB20  }
0x55: {  	[spmem:s24] =	stream.linear.scatter [tilespmem:s4], [sflag:$0x9], $0x1380, $0x38;
	[tilespmem:$0x17F20] =	vst v63  }
0x56: {  	_ =	swait.ge [sflag:s1], $0x1380  }
0x57: {  	[sflag:s1] =	ssyncset.done $0x0  }
0x58: {  	s24 =	rddreg [dreg:$0x9];
	[sflag:s1] =	ssyncadd.s32 $0xFFFFEC80  }
0x59: {  	[spmem:s24] =	stream.linear.scatter [tilespmem:s6], [sflag:$0x9], $0x4E0, $0x38;
	[tilespmem:$0x17F20] =	vst v63  }
0x5a: {  	_ =	swait.ge [sflag:s1], $0x4E0  }
0x5b: {  	[sflag:s1] =	ssyncset.done $0x0  }
0x5c: {  	s24 =	rddreg [dreg:$0xa];
	[sflag:s1] =	ssyncadd.s32 $0xFFFFFB20  }
0x5d: {  	[spmem:s24] =	stream.linear.scatter [tilespmem:s4], [sflag:$0x9], $0x1380, $0x38;
	[tilespmem:$0x17F20] =	vst v63  }
0x5e: {  	_ =	swait.ge [sflag:s1], $0x1380  }
0x5f: {  	[sflag:s1] =	ssyncset.done $0x0  }
0x60: {  	s24 =	rddreg [dreg:$0xb];
	[sflag:s1] =	ssyncadd.s32 $0xFFFFEC80  }
0x61: {  	[spmem:s24] =	stream.linear.scatter [tilespmem:s6], [sflag:$0x9], $0x4E0, $0x38;
	[tilespmem:$0x17F20] =	vst v63  }
0x62: {  	_ =	swait.ge [sflag:s1], $0x4E0  }
0x63: {  	[sflag:s1] =	ssyncset.done $0x0  }
0x64: {  	s24 =	rddreg [dreg:$0xc];
	[sflag:s1] =	ssyncadd.s32 $0xFFFFFB20  }
0x65: {  	[spmem:s24] =	stream.linear.scatter [tilespmem:s4], [sflag:$0x9], $0x1380, $0x38;
	[tilespmem:$0x17F20] =	vst v63  }
0x66: {  	_ =	swait.ge [sflag:s1], $0x1380  }
0x67: {  	[sflag:s1] =	ssyncset.done $0x0  }
0x68: {  	s24 =	rddreg [dreg:$0xd];
	[sflag:s1] =	ssyncadd.s32 $0xFFFFEC80  }
0x69: {  	[spmem:s24] =	stream.linear.scatter [tilespmem:s6], [sflag:$0x9], $0x4E0, $0x38;
	[tilespmem:$0x17F20] =	vst v63  }
0x6a: {  	_ =	swait.ge [sflag:s1], $0x4E0  }
0x6b: {  	[sflag:s1] =	ssyncset.done $0x0  }
0x6c: {  	s24 =	rddreg [dreg:$0xe];
	[sflag:s1] =	ssyncadd.s32 $0xFFFFFB20  }
0x6d: {  	[spmem:s24] =	stream.linear.scatter [tilespmem:s4], [sflag:$0x9], $0x1380, $0x38;
	[tilespmem:$0x17F20] =	vst v63  }
0x6e: {  	_ =	swait.ge [sflag:s1], $0x1380  }
0x6f: {  	[sflag:s1] =	ssyncset.done $0x0  }
0x70: {  	s24 =	rddreg [dreg:$0xf];
	[sflag:s1] =	ssyncadd.s32 $0xFFFFEC80  }
0x71: {  	[spmem:s24] =	stream.linear.scatter [tilespmem:s6], [sflag:$0x9], $0x4E0, $0x38;
	[tilespmem:$0x17F20] =	vst v63  }
0x72: {  	_ =	swait.ge [sflag:s1], $0x4E0  }
0x73: {  	[sflag:s1] =	ssyncset.done $0x0  }
0x74: {  	s24 =	rddreg [dreg:$0x12];
	[sflag:s1] =	ssyncadd.s32 $0xFFFFFB20  }
0x75: {  	[spmem:s24] =	stream.linear.scatter [tilespmem:s4], [sflag:$0x9], $0x1380, $0x38;
	[tilespmem:$0x17F20] =	vst v63  }
0x76: {  	_ =	swait.ge [sflag:s1], $0x1380  }
0x77: {  	[sflag:s1] =	ssyncset.done $0x0  }
0x78: {  	s24 =	rddreg [dreg:$0x13];
	[sflag:s1] =	ssyncadd.s32 $0xFFFFEC80  }
0x79: {  	[spmem:s24] =	stream.linear.scatter [tilespmem:s6], [sflag:$0x9], $0x4E0, $0x38;
	[tilespmem:$0x17F20] =	vst v63  }
0x7a: {  	_ =	swait.ge [sflag:s1], $0x4E0  }
0x7b: {  	[sflag:s1] =	ssyncset.done $0x0  }
0x7c: {  	s24 =	rddreg [dreg:$0x14];
	[sflag:s1] =	ssyncadd.s32 $0xFFFFFB20  }
0x7d: {  	[spmem:s24] =	stream.linear.scatter [tilespmem:s4], [sflag:$0x9], $0x1380, $0x38;
	[tilespmem:$0x17F20] =	vst v63  }
0x7e: {  	_ =	swait.ge [sflag:s1], $0x1380  }
0x7f: {  	[sflag:s1] =	ssyncset.done $0x0  }
0x80: {  	s24 =	rddreg [dreg:$0x15];
	[sflag:s1] =	ssyncadd.s32 $0xFFFFEC80  }
0x81: {  	[spmem:s24] =	stream.linear.scatter [tilespmem:s6], [sflag:$0x9], $0x4E0, $0x38;
	[tilespmem:$0x17F20] =	vst v63  }
0x82: {  	_ =	swait.ge [sflag:s1], $0x4E0  }
0x83: {  	[sflag:s1] =	ssyncset.done $0x0  }
0x84: {  	s16 =	simm.s32 @!p0 $0x9E20;
	[sflag:s1] =	ssyncadd.s32 $0xFFFFFB20  }
0x85: {  	[spmem:s30] =	stream.linear.scatter @!p0 [tilespmem:s16], [sflag:$0x9], $0x800, $0x38;
	[tilespmem:$0x17F20] =	vst v63  }
0x86: {  	s16 =	simm.s32 @!p0 $0x9  }
0x87: {  	_ =	swait.ge @!p0 [sflag:s16], $0x800  }
0x88: {  	[sflag:s16] =	ssyncset.done @!p0 $0x0  }
0x89: {  	s28 =	simm.s32 @!p0 $0xB6A0;
	[sflag:s16] =	ssyncadd.s32 @!p0 $0xFFFFF800  }
0x8a: {  	[spmem:s31] =	stream.linear.scatter @!p0 [tilespmem:s28], [sflag:$0x9], $0x200, $0x38;
	[tilespmem:$0x17F20] =	vst v63  }
0x8b: {  	_ =	swait.ge @!p0 [sflag:s16], $0x200  }
0x8c: {  	[sflag:s16] =	ssyncset.done @!p0 $0x0  }
0x8d: {  	[sflag:s16] =	ssyncadd.s32 @!p0 $0xFFFFFE00  }
0x8e: {  	s24 =	simm.s32 $0x0;
	[bflag:$0x0] =	sbarrier.arrive $0xFFFF  }
0x8f: {  	[tilespmem:s9], [sflag:$0x1] =	stream.indirect.gather [hbm4b:s5+s8], $0x40, s24, s8, $0xb8;
	[tilespmem:$0x17F20] =	vst v63  }
0x90: {  	_ = 	snop  }
0x91: {  	[tilespmem:s10], [sflag:$0x2] =	stream.indirect.gather [hbm4b:s5+s8], $0x40, s8, s8, $0xb8;
	[tilespmem:$0x17F20] =	vst v63  }
0x92: {  	s24 =	simm.s32 $0xA0  }
0x93: {  	[tilespmem:s11], [sflag:$0x3] =	stream.indirect.gather [hbm4b:s5+s8], $0x40, s24, s8, $0xb8;
	[tilespmem:$0x17F20] =	vst v63  }
0x94: {  	_ =	swait.ge [sflag:s12], $0x1400  }
0x95: {  	[sflag:s12] =	ssyncset.done $0x0  }
0x96: {  	[sflag:s12] =	ssyncadd.s32 $0xFFFFEC00  }
0x97: {  	[spmem:s2] =	stream.indirect.scatter.add.bf16 [tilespmem:s9], [sflag:$0x5], $0x40, s0, s8, $0xb8;
	[tilespmem:$0x17F20] =	vst v63  }
0x98: {  	_ = 	snop  }
0x99: {  	[spmem:s3] =	stream.indirect.scatter.add.f32 [tilespmem:s13], [sflag:$0x5], $0x10, s0, s8, $0xb8;
	[tilespmem:$0x17F20] =	vst v63  }
0x9a: {  	s24 =	simm.s32 $0xF0  }
0x9b: {  	[tilespmem:s14], [sflag:$0x4] =	stream.indirect.gather [hbm4b:s5+s8], $0x40, s24, s8, $0xb8;
	[tilespmem:$0x17F20] =	vst v63  }
0x9c: {  	_ =	swait.ge [sflag:s15], $0x1400  }
0x9d: {  	[sflag:s15] =	ssyncset.done $0x0  }
0x9e: {  	s24 =	simm.s32 $0x2760;
	[sflag:s15] =	ssyncadd.s32 $0xFFFFEC00  }
0x9f: {  	[spmem:s2] =	stream.indirect.scatter.add.bf16 [tilespmem:s10], [sflag:$0x6], $0x40, s24, s8, $0xb8;
	[tilespmem:$0x17F20] =	vst v63  }
0xa0: {  	_ = 	snop  }
0xa1: {  	[spmem:s3] =	stream.indirect.scatter.add.f32 [tilespmem:s13], [sflag:$0x6], $0x10, s24, s8, $0xb8;
	[tilespmem:$0x17F20] =	vst v63  }
0xa2: {  	_ =	swait.ge [sflag:s17], $0x1400  }
0xa3: {  	[sflag:s17] =	ssyncset.done $0x0  }
0xa4: {  	[sflag:s17] =	ssyncadd.s32 $0xFFFFEC00  }
0xa5: {  	_ =	swait.ge [sflag:s17], $0x500  }
0xa6: {  	[sflag:s17] =	ssyncset.done $0x0  }
0xa7: {  	s24 =	simm.s32 $0x140;
	[sflag:s17] =	ssyncadd.s32 $0xFFFFFB00  }
0xa8: {  	[tilespmem:s9], [sflag:$0x1] =	stream.indirect.gather [hbm4b:s5+s8], $0x40, s24, s8, $0xb8;
	[tilespmem:$0x17F20] =	vst v63  }
0xa9: {  	_ =	swait.ge [sflag:s19], $0x1400  }
0xaa: {  	[sflag:s19] =	ssyncset.done $0x0  }
0xab: {  	s24 =	simm.s32 $0x27B0;
	[sflag:s19] =	ssyncadd.s32 $0xFFFFEC00  }
0xac: {  	[spmem:s2] =	stream.indirect.scatter.add.bf16 [tilespmem:s11], [sflag:$0x7], $0x40, s24, s8, $0xb8;
	[tilespmem:$0x17F20] =	vst v63  }
0xad: {  	_ = 	snop  }
0xae: {  	[spmem:s3] =	stream.indirect.scatter.add.f32 [tilespmem:s13], [sflag:$0x7], $0x10, s24, s8, $0xb8;
	[tilespmem:$0x17F20] =	vst v63  }
0xaf: {  	_ =	swait.ge [sflag:s21], $0x1400  }
0xb0: {  	[sflag:s21] =	ssyncset.done $0x0  }
0xb1: {  	[sflag:s21] =	ssyncadd.s32 $0xFFFFEC00  }
0xb2: {  	_ =	swait.ge [sflag:s21], $0x500  }
0xb3: {  	[sflag:s21] =	ssyncset.done $0x0  }
0xb4: {  	s24 =	simm.s32 $0x190;
	[sflag:s21] =	ssyncadd.s32 $0xFFFFFB00  }
0xb5: {  	[tilespmem:s10], [sflag:$0x2] =	stream.indirect.gather [hbm4b:s5+s8], $0x40, s24, s8, $0xb8;
	[tilespmem:$0x17F20] =	vst v63  }
0xb6: {  	_ =	swait.ge [sflag:s22], $0x1400  }
0xb7: {  	[sflag:s22] =	ssyncset.done $0x0  }
0xb8: {  	s24 =	simm.s32 $0x2800;
	[sflag:s22] =	ssyncadd.s32 $0xFFFFEC00  }
0xb9: {  	[spmem:s2] =	stream.indirect.scatter.add.bf16 [tilespmem:s14], [sflag:$0x8], $0x40, s24, s8, $0xb8;
	[tilespmem:$0x17F20] =	vst v63  }
0xba: {  	_ = 	snop  }
0xbb: {  	[spmem:s3] =	stream.indirect.scatter.add.f32 [tilespmem:s13], [sflag:$0x8], $0x10, s24, s8, $0xb8;
	[tilespmem:$0x17F20] =	vst v63  }
0xbc: {  	_ =	swait.ge [sflag:s18], $0x1400  }
0xbd: {  	[sflag:s18] =	ssyncset.done $0x0  }
0xbe: {  	[sflag:s18] =	ssyncadd.s32 $0xFFFFEC00  }
0xbf: {  	_ =	swait.ge [sflag:s18], $0x500  }
0xc0: {  	[sflag:s18] =	ssyncset.done $0x0  }
0xc1: {  	s24 =	simm.s32 $0x1E0;
	[sflag:s18] =	ssyncadd.s32 $0xFFFFFB00  }
0xc2: {  	[tilespmem:s11], [sflag:$0x3] =	stream.indirect.gather [hbm4b:s5+s8], $0x40, s24, s8, $0xb8;
	[tilespmem:$0x17F20] =	vst v63  }
0xc3: {  	_ =	swait.ge [sflag:s12], $0x1400  }
0xc4: {  	[sflag:s12] =	ssyncset.done $0x0  }
0xc5: {  	s24 =	simm.s32 $0x2850;
	[sflag:s12] =	ssyncadd.s32 $0xFFFFEC00  }
0xc6: {  	[spmem:s2] =	stream.indirect.scatter.add.bf16 [tilespmem:s9], [sflag:$0x5], $0x40, s24, s8, $0xb8;
	[tilespmem:$0x17F20] =	vst v63  }
0xc7: {  	_ = 	snop  }
0xc8: {  	[spmem:s3] =	stream.indirect.scatter.add.f32 [tilespmem:s13], [sflag:$0x5], $0x10, s24, s8, $0xb8;
	[tilespmem:$0x17F20] =	vst v63  }
0xc9: {  	_ =	swait.ge [sflag:s26], $0x1400  }
0xca: {  	[sflag:s26] =	ssyncset.done $0x0  }
0xcb: {  	[sflag:s26] =	ssyncadd.s32 $0xFFFFEC00  }
0xcc: {  	_ =	swait.ge [sflag:s26], $0x500  }
0xcd: {  	[sflag:s26] =	ssyncset.done $0x0  }
0xce: {  	s24 =	simm.s32 $0x230;
	[sflag:s26] =	ssyncadd.s32 $0xFFFFFB00  }
0xcf: {  	[tilespmem:s14], [sflag:$0x4] =	stream.indirect.gather [hbm4b:s5+s8], $0x40, s24, s8, $0xb8;
	[tilespmem:$0x17F20] =	vst v63  }
0xd0: {  	_ =	swait.ge [sflag:s15], $0x1400  }
0xd1: {  	[sflag:s15] =	ssyncset.done $0x0  }
0xd2: {  	s24 =	simm.s32 $0x28A0;
	[sflag:s15] =	ssyncadd.s32 $0xFFFFEC00  }
0xd3: {  	[spmem:s2] =	stream.indirect.scatter.add.bf16 [tilespmem:s10], [sflag:$0x6], $0x40, s24, s8, $0xb8;
	[tilespmem:$0x17F20] =	vst v63  }
0xd4: {  	_ = 	snop  }
0xd5: {  	[spmem:s3] =	stream.indirect.scatter.add.f32 [tilespmem:s13], [sflag:$0x6], $0x10, s24, s8, $0xb8;
	[tilespmem:$0x17F20] =	vst v63  }
0xd6: {  	_ =	swait.ge [sflag:s17], $0x1400  }
0xd7: {  	[sflag:s17] =	ssyncset.done $0x0  }
0xd8: {  	[sflag:s17] =	ssyncadd.s32 $0xFFFFEC00  }
0xd9: {  	_ =	swait.ge [sflag:s17], $0x500  }
0xda: {  	[sflag:s17] =	ssyncset.done $0x0  }
0xdb: {  	s24 =	simm.s32 $0x280;
	[sflag:s17] =	ssyncadd.s32 $0xFFFFFB00  }
0xdc: {  	[tilespmem:s9], [sflag:$0x1] =	stream.indirect.gather [hbm4b:s5+s8], $0x40, s24, s8, $0xb8;
	[tilespmem:$0x17F20] =	vst v63  }
0xdd: {  	_ =	swait.ge [sflag:s19], $0x1400  }
0xde: {  	[sflag:s19] =	ssyncset.done $0x0  }
0xdf: {  	s24 =	simm.s32 $0x28F0;
	[sflag:s19] =	ssyncadd.s32 $0xFFFFEC00  }
0xe0: {  	[spmem:s2] =	stream.indirect.scatter.add.bf16 [tilespmem:s11], [sflag:$0x7], $0x40, s24, s8, $0xb8;
	[tilespmem:$0x17F20] =	vst v63  }
0xe1: {  	_ = 	snop  }
0xe2: {  	[spmem:s3] =	stream.indirect.scatter.add.f32 [tilespmem:s13], [sflag:$0x7], $0x10, s24, s8, $0xb8;
	[tilespmem:$0x17F20] =	vst v63  }
0xe3: {  	_ =	swait.ge [sflag:s21], $0x1400  }
0xe4: {  	[sflag:s21] =	ssyncset.done $0x0  }
0xe5: {  	[sflag:s21] =	ssyncadd.s32 $0xFFFFEC00  }
0xe6: {  	_ =	swait.ge [sflag:s21], $0x500  }
0xe7: {  	[sflag:s21] =	ssyncset.done $0x0  }
0xe8: {  	s24 =	simm.s32 $0x2D0;
	[sflag:s21] =	ssyncadd.s32 $0xFFFFFB00  }
0xe9: {  	[tilespmem:s10], [sflag:$0x2] =	stream.indirect.gather [hbm4b:s5+s8], $0x40, s24, s8, $0xb8;
	[tilespmem:$0x17F20] =	vst v63  }
0xea: {  	_ =	swait.ge [sflag:s22], $0x1400  }
0xeb: {  	[sflag:s22] =	ssyncset.done $0x0  }
0xec: {  	s24 =	simm.s32 $0x2940;
	[sflag:s22] =	ssyncadd.s32 $0xFFFFEC00  }
0xed: {  	[spmem:s2] =	stream.indirect.scatter.add.bf16 [tilespmem:s14], [sflag:$0x8], $0x40, s24, s8, $0xb8;
	[tilespmem:$0x17F20] =	vst v63  }
0xee: {  	_ = 	snop  }
0xef: {  	[spmem:s3] =	stream.indirect.scatter.add.f32 [tilespmem:s13], [sflag:$0x8], $0x10, s24, s8, $0xb8;
	[tilespmem:$0x17F20] =	vst v63  }
0xf0: {  	_ =	swait.ge [sflag:s18], $0x1400  }
0xf1: {  	[sflag:s18] =	ssyncset.done $0x0  }
0xf2: {  	[sflag:s18] =	ssyncadd.s32 $0xFFFFEC00  }
0xf3: {  	_ =	swait.ge [sflag:s18], $0x500  }
0xf4: {  	[sflag:s18] =	ssyncset.done $0x0  }
0xf5: {  	s29 =	simm.s32 $0x320;
	s28 =	simm.s32 $0x500;
	[sflag:s18] =	ssyncadd.s32 $0xFFFFFB00  }
.LBB2_8:
0xf6: {  	[tilespmem:s11], [sflag:$0x3] =	stream.indirect.gather [hbm4b:s5+s8], $0x40, s29, s8, $0xb8;
	[tilespmem:$0x17F20] =	vst v63  }
0xf7: {  	s16 =	smov.u32 s28  }
0xf8: {  	p1 =	sne.s32 s28, $0x8C00;
	s28 =	sadd.s32 $0x500, s28;
	_ =	swait.ge [sflag:s12], $0x1400  }
0xf9: {  	s29 =	sshra.s32 s16, $0x2;
	[sflag:s12] =	ssyncset.done $0x0  }
0xfa: {  	s16 =	sadd.s32 $0x2850, s29;
	[sflag:s12] =	ssyncadd.s32 $0xFFFFEC00  }
0xfb: {  	[spmem:s2] =	stream.indirect.scatter.add.bf16 [tilespmem:s9], [sflag:$0x5], $0x40, s16, s8, $0xb8;
	[tilespmem:$0x17F20] =	vst v63  }
0xfc: {  	_ = 	snop  }
0xfd: {  	[spmem:s3] =	stream.indirect.scatter.add.f32 [tilespmem:s13], [sflag:$0x5], $0x10, s16, s8, $0xb8;
	[tilespmem:$0x17F20] =	vst v63  }
0xfe: {  	_ =	swait.ge [sflag:s26], $0x1400  }
0xff: {  	[sflag:s26] =	ssyncset.done $0x0  }
0x100: {  	[sflag:s26] =	ssyncadd.s32 $0xFFFFEC00  }
0x101: {  	_ =	swait.ge [sflag:s26], $0x500  }
0x102: {  	[sflag:s26] =	ssyncset.done $0x0  }
0x103: {  	s16 =	sadd.s32 $0x230, s29;
	[sflag:s26] =	ssyncadd.s32 $0xFFFFFB00  }
0x104: {  	[tilespmem:s14], [sflag:$0x4] =	stream.indirect.gather [hbm4b:s5+s8], $0x40, s16, s8, $0xb8;
	[tilespmem:$0x17F20] =	vst v63  }
0x105: {  	_ =	swait.ge [sflag:s15], $0x1400  }
0x106: {  	[sflag:s15] =	ssyncset.done $0x0  }
0x107: {  	s16 =	sadd.s32 $0x28A0, s29;
	[sflag:s15] =	ssyncadd.s32 $0xFFFFEC00  }
0x108: {  	[spmem:s2] =	stream.indirect.scatter.add.bf16 [tilespmem:s10], [sflag:$0x6], $0x40, s16, s8, $0xb8;
	[tilespmem:$0x17F20] =	vst v63  }
0x109: {  	_ = 	snop  }
0x10a: {  	[spmem:s3] =	stream.indirect.scatter.add.f32 [tilespmem:s13], [sflag:$0x6], $0x10, s16, s8, $0xb8;
	[tilespmem:$0x17F20] =	vst v63  }
0x10b: {  	_ =	swait.ge [sflag:s17], $0x1400  }
0x10c: {  	[sflag:s17] =	ssyncset.done $0x0  }
0x10d: {  	[sflag:s17] =	ssyncadd.s32 $0xFFFFEC00  }
0x10e: {  	_ =	swait.ge [sflag:s17], $0x500  }
0x10f: {  	[sflag:s17] =	ssyncset.done $0x0  }
0x110: {  	s16 =	sadd.s32 $0x280, s29;
	[sflag:s17] =	ssyncadd.s32 $0xFFFFFB00  }
0x111: {  	[tilespmem:s9], [sflag:$0x1] =	stream.indirect.gather [hbm4b:s5+s8], $0x40, s16, s8, $0xb8;
	[tilespmem:$0x17F20] =	vst v63  }
0x112: {  	_ =	swait.ge [sflag:s19], $0x1400  }
0x113: {  	[sflag:s19] =	ssyncset.done $0x0  }
0x114: {  	s16 =	sadd.s32 $0x28F0, s29;
	[sflag:s19] =	ssyncadd.s32 $0xFFFFEC00  }
0x115: {  	[spmem:s2] =	stream.indirect.scatter.add.bf16 [tilespmem:s11], [sflag:$0x7], $0x40, s16, s8, $0xb8;
	[tilespmem:$0x17F20] =	vst v63  }
0x116: {  	_ = 	snop  }
0x117: {  	[spmem:s3] =	stream.indirect.scatter.add.f32 [tilespmem:s13], [sflag:$0x7], $0x10, s16, s8, $0xb8;
	[tilespmem:$0x17F20] =	vst v63  }
0x118: {  	_ =	swait.ge [sflag:s21], $0x1400  }
0x119: {  	[sflag:s21] =	ssyncset.done $0x0  }
0x11a: {  	[sflag:s21] =	ssyncadd.s32 $0xFFFFEC00  }
0x11b: {  	_ =	swait.ge [sflag:s21], $0x500  }
0x11c: {  	[sflag:s21] =	ssyncset.done $0x0  }
0x11d: {  	s16 =	sadd.s32 $0x2D0, s29;
	[sflag:s21] =	ssyncadd.s32 $0xFFFFFB00  }
0x11e: {  	[tilespmem:s10], [sflag:$0x2] =	stream.indirect.gather [hbm4b:s5+s8], $0x40, s16, s8, $0xb8;
	[tilespmem:$0x17F20] =	vst v63  }
0x11f: {  	_ =	swait.ge [sflag:s22], $0x1400  }
0x120: {  	[sflag:s22] =	ssyncset.done $0x0  }
0x121: {  	s16 =	sadd.s32 $0x2940, s29;
	[sflag:s22] =	ssyncadd.s32 $0xFFFFEC00  }
0x122: {  	[spmem:s2] =	stream.indirect.scatter.add.bf16 [tilespmem:s14], [sflag:$0x8], $0x40, s16, s8, $0xb8;
	[tilespmem:$0x17F20] =	vst v63  }
0x123: {  	_ = 	snop  }
0x124: {  	[spmem:s3] =	stream.indirect.scatter.add.f32 [tilespmem:s13], [sflag:$0x8], $0x10, s16, s8, $0xb8;
	[tilespmem:$0x17F20] =	vst v63  }
0x125: {  	_ =	swait.ge [sflag:s18], $0x1400  }
.Ltmp3:
0x126: {  	[sflag:s18] =	ssyncset.done $0x0;
	(pc) =	sbr.rel @p1 .LBB2_8-.Ltmp3, $4  }
0x127: {  	[sflag:s18] =	ssyncadd.s32 $0xFFFFEC00  }
0x128: {  	_ =	swait.ge [sflag:s18], $0x500  }
0x129: {  	[sflag:s18] =	ssyncset.done $0x0  }
0x12a: {  	s29 =	sadd.s32 $0x320, s29;
	[sflag:s18] =	ssyncadd.s32 $0xFFFFFB00  }
0x12b: {  	[tilespmem:s11], [sflag:$0x3] =	stream.indirect.gather [hbm4b:s5+s8], $0x40, s29, s8, $0xb8;
	[tilespmem:$0x17F20] =	vst v63  }
0x12c: {  	_ =	swait.ge [sflag:s12], $0x1400  }
0x12d: {  	[sflag:s12] =	ssyncset.done $0x0  }
0x12e: {  	s16 =	simm.s32 $0x4C90;
	[sflag:s12] =	ssyncadd.s32 $0xFFFFEC00  }
0x12f: {  	[spmem:s2] =	stream.indirect.scatter.add.bf16 [tilespmem:s9], [sflag:$0x5], $0x40, s16, s8, $0xb8;
	[tilespmem:$0x17F20] =	vst v63  }
0x130: {  	_ = 	snop  }
0x131: {  	[spmem:s3] =	stream.indirect.scatter.add.f32 [tilespmem:s13], [sflag:$0x5], $0x10, s16, s8, $0xb8;
	[tilespmem:$0x17F20] =	vst v63  }
0x132: {  	_ =	swait.ge [sflag:s26], $0x1400  }
0x133: {  	[sflag:s26] =	ssyncset.done $0x0  }
0x134: {  	[sflag:s26] =	ssyncadd.s32 $0xFFFFEC00  }
0x135: {  	_ =	swait.ge [sflag:s26], $0x500  }
0x136: {  	[sflag:s26] =	ssyncset.done $0x0  }
0x137: {  	s24 =	simm.s32 $0x2670;
	[sflag:s26] =	ssyncadd.s32 $0xFFFFFB00  }
0x138: {  	[tilespmem:s14], [sflag:$0x4] =	stream.indirect.gather [hbm4b:s5+s8], $0x40, s24, s8, $0xb8;
	[tilespmem:$0x17F20] =	vst v63  }
0x139: {  	_ =	swait.ge [sflag:s15], $0x1400  }
0x13a: {  	[sflag:s15] =	ssyncset.done $0x0  }
0x13b: {  	s28 =	simm.s32 $0x4CE0;
	[sflag:s15] =	ssyncadd.s32 $0xFFFFEC00  }
0x13c: {  	[spmem:s2] =	stream.indirect.scatter.add.bf16 [tilespmem:s10], [sflag:$0x6], $0x40, s28, s8, $0xb8;
	[tilespmem:$0x17F20] =	vst v63  }
0x13d: {  	_ = 	snop  }
0x13e: {  	[spmem:s3] =	stream.indirect.scatter.add.f32 [tilespmem:s13], [sflag:$0x6], $0x10, s28, s8, $0xb8;
	[tilespmem:$0x17F20] =	vst v63  }
0x13f: {  	_ =	swait.ge [sflag:s17], $0x1400  }
0x140: {  	[sflag:s17] =	ssyncset.done $0x0  }
0x141: {  	[sflag:s17] =	ssyncadd.s32 $0xFFFFEC00  }
0x142: {  	_ =	swait.ge [sflag:s17], $0x500  }
0x143: {  	[sflag:s17] =	ssyncset.done $0x0  }
0x144: {  	s29 =	simm.s32 $0x26C0;
	[sflag:s17] =	ssyncadd.s32 $0xFFFFFB00  }
0x145: {  	[tilespmem:s9], [sflag:$0x1] =	stream.indirect.gather [hbm4b:s5+s8], $0x40, s29, s8, $0xb8;
	[tilespmem:$0x17F20] =	vst v63  }
0x146: {  	_ =	swait.ge [sflag:s19], $0x1400  }
0x147: {  	[sflag:s19] =	ssyncset.done $0x0  }
0x148: {  	s24 =	simm.s32 $0x4D30;
	[sflag:s19] =	ssyncadd.s32 $0xFFFFEC00  }
0x149: {  	[spmem:s2] =	stream.indirect.scatter.add.bf16 [tilespmem:s11], [sflag:$0x7], $0x40, s24, s8, $0xb8;
	[tilespmem:$0x17F20] =	vst v63  }
0x14a: {  	_ = 	snop  }
0x14b: {  	[spmem:s3] =	stream.indirect.scatter.add.f32 [tilespmem:s13], [sflag:$0x7], $0x10, s24, s8, $0xb8;
	[tilespmem:$0x17F20] =	vst v63  }
0x14c: {  	_ =	swait.ge [sflag:s21], $0x1400  }
0x14d: {  	[sflag:s21] =	ssyncset.done $0x0  }
0x14e: {  	[sflag:s21] =	ssyncadd.s32 $0xFFFFEC00  }
0x14f: {  	_ =	swait.ge [sflag:s21], $0x500  }
0x150: {  	[sflag:s21] =	ssyncset.done $0x0  }
0x151: {  	[sflag:s21] =	ssyncadd.s32 $0xFFFFFB00  }
0x152: {  	_ =	swait.ge [sflag:s22], $0x1400  }
0x153: {  	[sflag:s22] =	ssyncset.done $0x0  }
0x154: {  	s28 =	simm.s32 $0x4D80;
	[sflag:s22] =	ssyncadd.s32 $0xFFFFEC00  }
0x155: {  	[spmem:s2] =	stream.indirect.scatter.add.bf16 [tilespmem:s14], [sflag:$0x8], $0x40, s28, s8, $0xb8;
	[tilespmem:$0x17F20] =	vst v63  }
0x156: {  	_ = 	snop  }
0x157: {  	[spmem:s3] =	stream.indirect.scatter.add.f32 [tilespmem:s13], [sflag:$0x8], $0x10, s28, s8, $0xb8;
	[tilespmem:$0x17F20] =	vst v63  }
0x158: {  	_ =	swait.ge [sflag:s18], $0x1400  }
0x159: {  	[sflag:s18] =	ssyncset.done $0x0  }
0x15a: {  	[sflag:s18] =	ssyncadd.s32 $0xFFFFEC00  }
0x15b: {  	_ =	swait.ge [sflag:s18], $0x500  }
0x15c: {  	[sflag:s18] =	ssyncset.done $0x0  }
0x15d: {  	[sflag:s18] =	ssyncadd.s32 $0xFFFFFB00  }
0x15e: {  	_ =	swait.ge [sflag:s12], $0x1400  }
0x15f: {  	[sflag:s12] =	ssyncset.done $0x0  }
0x160: {  	[sflag:s12] =	ssyncadd.s32 $0xFFFFEC00  }
0x161: {  	[spmem:s2] =	stream.indirect.scatter.add.bf16 [tilespmem:s9], [sflag:$0x5], $0x40, s20, s8, $0xb8;
	[tilespmem:$0x17F20] =	vst v63  }
0x162: {  	_ = 	snop  }
0x163: {  	[spmem:s3] =	stream.indirect.scatter.add.f32 [tilespmem:s13], [sflag:$0x5], $0x10, s20, s8, $0xb8;
	[tilespmem:$0x17F20] =	vst v63  }
0x164: {  	_ =	swait.ge [sflag:s26], $0x1400  }
0x165: {  	[sflag:s26] =	ssyncset.done $0x0  }
0x166: {  	[sflag:s26] =	ssyncadd.s32 $0xFFFFEC00  }
0x167: {  	_ =	swait.ge [sflag:s26], $0x500  }
0x168: {  	[sflag:s26] =	ssyncset.done $0x0  }
0x169: {  	[sflag:s26] =	ssyncadd.s32 $0xFFFFFB00  }
0x16a: {  	_ =	swait.ge [sflag:s17], $0x1400  }
0x16b: {  	[sflag:s17] =	ssyncset.done $0x0  }
0x16c: {  	[sflag:s17] =	ssyncadd.s32 $0xFFFFEC00  }
0x16d: {  	_ =	swait.ge [sflag:s17], $0x500  }
0x16e: {  	[sflag:s17] =	ssyncset.done $0x0  }
0x16f: {  	s29 =	stileid.u32;
	[sflag:s17] =	ssyncadd.s32 $0xFFFFFB00  }
0x170: {  	s16 =	sshll.u32 s29, $0x6;
	[bflag:$0x0] =	sbarrier.arrive $0xFFFF  }
0x171: {  	s16 =	sor.u32 $0x1C09, s16;
	s28 =	sshrl.u32 s7, $0x3;
	s24 =	rddreg [dreg:$0x18]  }
0x172: {  	[hbm:s24], [sflag:s16] =	dma.local [spmem:s28], $0x1380  }
0x173: {  	_ =	swait.ge [sflag:s1], $0x1380  }
0x174: {  	[sflag:s1] =	ssyncset.done $0x0  }
0x175: {  	s24 =	sshrl.u32 s25, $0x3;
	s29 =	rddreg [dreg:$0x19];
	[sflag:s1] =	ssyncadd.s32 $0xFFFFEC80  }
0x176: {  	[hbm:s29], [sflag:s16] =	dma.local [spmem:s24], $0x4E0  }
0x177: {  	_ =	swait.ge [sflag:s1], $0x4E0  }
0x178: {  	[sflag:s1] =	ssyncset.done $0x0;
	s24 =	rddreg [dreg:$0x10]  }
0x179: {  	s29 =	sshrl.u32 @!p0 s30, $0x3;
	[sflag:s1] =	ssyncadd.s32 $0xFFFFFB20;
	s28 =	sadd.s32 @!p0 $0x13800, s24  }
0x17a: {  	[hbm:s28], [sflag:s16] =	dma.local @!p0 [spmem:s29], $0x80  }
0x17b: {  	s28 =	simm.s32 @!p0 $0x9  }
0x17c: {  	_ =	swait.ge @!p0 [sflag:s28], $0x80  }
0x17d: {  	[sflag:s28] =	ssyncset.done @!p0 $0x0;
	s24 =	rddreg [dreg:$0x16]  }
0x17e: {  	[sflag:s28] =	ssyncadd.s32 @!p0 $0xFFFFFF80;
	s29 =	sadd.s32 @!p0 $0x4E00, s24;
	s24 =	sshrl.u32 @!p0 s31, $0x3  }
0x17f: {  	[hbm:s29], [sflag:s16] =	dma.local @!p0 [spmem:s24], $0x20  }
0x180: {  	_ =	swait.ge @!p0 [sflag:s28], $0x20  }
0x181: {  	s23 =	sadd.s32 $0x1, s23;
	s29 =	rddreg [dreg:$0x17]  }
0x182: {  	p1 =	sne.s32 s23, s29  }
.Ltmp4:
0x183: {  	_ = 	snop;
	(pc) =	sbr.rel @p1 .LBB2_1-.Ltmp4, $3  }
0x184: {  	_ =	sdelay $0x1  }
0x185: {  	[sflag:s28] =	ssyncset.done @!p0 $0x0  }
0x186: {  	[sflag:s28] =	ssyncadd.s32 @!p0 $0xFFFFFFE0  }
0x187: {  	_ =	sfence.sel $0x180000  }
0x188: {  	[bflag:$0x0] =	sbarrier.arrive $0xFFFF  }
0x189: {  	_ =	strace $0x90000047  }
0x18a: {  	s0 =	stileid.u32;
	[bflag:$0x2] =	sbarrier.arrive $0xFFFF  }
0x18b: {  	p0 =	sne.s32 s0, $0x0;
	s0 =	rddreg [dreg:$0x4]  }
0x18c: {  	s0 =	sadd.s32 @!p0 $0x100000, s0  }
0x18d: {  	[sflag:s0] =	ssyncadd.tile.s32 @!p0 $0x1;
	_ =	shalt  }
.Lfunc_end2:
_tile_overlayer_lowered:
.L_overlay_start_2:
0x18e: {  	(tag) =	ssettag $0x2  }
0x18f: {  	s0 =	rddreg [dreg:$0x0];
	s2 =	stileid.u32  }
0x190: {  	s1 =	rddreg [dreg:$0x1];
	p0 =	sne.s32 s2, $0x0  }
0x191: {  	s3 =	rddreg [dreg:$0x2];
	[bflag:$0x3] =	sbarrier.arrive $0xFFFF;
	s2 =	simm.s32 @!p0 $0x1C09  }
0x192: {  	[timem:s3], [sflag:s2] =	dma.local @!p0 [hbm:s0], s1  }
0x193: {  	s0 =	simm.s32 @!p0 $0x9  }
0x194: {  	_ =	swait.ge @!p0 [sflag:s0], s1  }
0x195: {  	s1 =	ssub.s32 @!p0 $0x0, s1;
	[sflag:s0] =	ssyncset.done @!p0 $0x0  }
0x196: {  	[sflag:s0] =	ssyncadd.s32 @!p0 s1  }
0x197: {  	[bflag:$0x3] =	sbarrier.arrive $0xFFFF  }
0x198: {  	_ =	shalt  }

</sc_bundles>
